<compile_context>
chip_gen: v7x
topology: tpu7x:2x2x1
jax: 0.10.2.dev20260603
libtpu: 0.0.44.dev20260713+nightly
codegen_flags: <defaults>
</compile_context>

<pallas_src>
import functools

import jax
import jax.numpy as jnp
from jax import lax
from jax.experimental import pallas as pl
from jax.experimental.pallas import tpu as pltpu
from jax.experimental.pallas import tpu_sc as plsc

_N = 10000
_E = 320000
_D = 128
_NG = 128
_NC = 10
_BN_EPS = 1e-5

_NCORE = 2
_NSUB = 16
_NW = _NCORE * _NSUB
_CHUNK = 80
_CPT = _E // _CHUNK // _NW
_RPT = 624
_ZROWS = 48


def _sc_agg(h, src3d, dst3d):
    mesh = plsc.VectorSubcoreMesh(core_axis_name="c", subcore_axis_name="s")

    @functools.partial(
        pl.kernel,
        out_type=jax.ShapeDtypeStruct((2 * _N, _D), jnp.float32),
        mesh=mesh,
        compiler_params=pltpu.CompilerParams(use_tc_tiling_on_sc=False),
        scratch_types=[
            pltpu.VMEM_SHARED((_N, _D), jnp.float32),
            pltpu.VMEM((1, _CPT * _CHUNK), jnp.int32),
            pltpu.VMEM((_CPT, _CHUNK), jnp.int32),
            pltpu.VMEM((_CHUNK, _D), jnp.float32),
            pltpu.VMEM((_CHUNK, _D), jnp.float32),
            pltpu.VMEM((_CHUNK, _D), jnp.float32),
            pltpu.SemaphoreType.DMA,
            pltpu.SemaphoreType.DMA,
            pltpu.SemaphoreType.DMA,
            pltpu.SemaphoreType.DMA,
        ],
    )
    def agg_kernel(h_hbm, src_hbm, dst_hbm, out_hbm, acc, srcv, dstv, rows0,
                   rows1, rows2, isem, sem0, sem1, sem2):
        c = lax.axis_index("c")
        s = lax.axis_index("s")
        w = c * _NSUB + s
        zeros = jnp.zeros((16,), jnp.float32)

        icp0 = pltpu.async_copy(src_hbm.at[w], srcv, isem)
        icp1 = pltpu.async_copy(dst_hbm.at[w], dstv, isem)

        @pl.loop(0, _ZROWS)
        def _(r):
            @pl.loop(0, _D, step=16)
            def _(j):
                rows0[r, pl.ds(j, 16)] = zeros

        zsrc = rows0.at[pl.ds(0, _ZROWS)]

        @pl.loop(0, _RPT // _ZROWS)
        def _(j):
            pltpu.sync_copy(zsrc, acc.at[pl.ds(s * _RPT + j * _ZROWS, _ZROWS)])

        @pl.when(s == _NSUB - 1)
        def _():
            pltpu.sync_copy(rows0.at[pl.ds(0, _N - _NSUB * _RPT)],
                            acc.at[pl.ds(_NSUB * _RPT, _N - _NSUB * _RPT)])

        def _gather(k, buf, sem):
            return pltpu.make_async_copy(
                h_hbm.at[srcv.at[0, pl.ds(k * _CHUNK, _CHUNK)]], buf, sem)

        icp0.wait()
        icp1.wait()
        _gather(0, rows0, sem0).start()
        _gather(1, rows1, sem1).start()
        plsc.subcore_barrier()

        @pl.loop(0, _CPT // 3)
        def _(i):
            k = 3 * i
            _gather(k, rows0, sem0).wait()
            _gather(k + 2, rows2, sem2).start()
            pltpu.sync_copy(rows0, acc.at[dstv.at[k]], add=True)
            _gather(k + 1, rows1, sem1).wait()
            _gather(k + 3, rows0, sem0).start()
            pltpu.sync_copy(rows1, acc.at[dstv.at[k + 1]], add=True)
            _gather(k + 2, rows2, sem2).wait()
            _gather(k + 4, rows1, sem1).start()
            pltpu.sync_copy(rows2, acc.at[dstv.at[k + 2]], add=True)

        _gather(_CPT - 2, rows0, sem0).wait()
        pltpu.sync_copy(rows0, acc.at[dstv.at[_CPT - 2]], add=True)
        _gather(_CPT - 1, rows1, sem1).wait()
        pltpu.sync_copy(rows1, acc.at[dstv.at[_CPT - 1]], add=True)

        plsc.subcore_barrier()

        pltpu.sync_copy(acc.at[pl.ds(s * _RPT, _RPT)],
                        out_hbm.at[pl.ds(c * _N + s * _RPT, _RPT)])

        @pl.when(s == _NSUB - 1)
        def _():
            pltpu.sync_copy(acc.at[pl.ds(_NSUB * _RPT, _N - _NSUB * _RPT)],
                            out_hbm.at[pl.ds(c * _N + _NSUB * _RPT,
                                             _N - _NSUB * _RPT)])

    return agg_kernel(h, src3d, dst3d)


_BLK = 2000
_NB = _N // _BLK


def _tc_layer_body(hp_ref, a0_ref, a1_ref, wa_ref, ba_ref, g_ref,
                   be_ref, wb_ref, bb_ref, out_ref):
    h = hp_ref[...] + a0_ref[...] + a1_ref[...]
    t = lax.dot_general(h, wa_ref[...], (((1,), (0,)), ((), ())),
                        precision=lax.Precision.DEFAULT,
                        preferred_element_type=jnp.float32)
    t = t + ba_ref[...]
    t = t * (g_ref[...] * (1.0 / (1.0 + _BN_EPS) ** 0.5)) + be_ref[...]
    t = jnp.maximum(t, 0.0)
    o = lax.dot_general(t, wb_ref[...], (((1,), (0,)), ((), ())),
                        precision=lax.Precision.DEFAULT,
                        preferred_element_type=jnp.float32)
    out_ref[...] = jnp.maximum(o + bb_ref[...], 0.0)


def _tc_layer(hp, agg, wa, ba, g, be, wb, bb):
    return pl.pallas_call(
        _tc_layer_body,
        grid=(_NB,),
        in_specs=[
            pl.BlockSpec((_BLK, _D), lambda i: (i, 0)),
            pl.BlockSpec((_BLK, _D), lambda i: (i, 0)),
            pl.BlockSpec((_BLK, _D), lambda i: (i + _NB, 0)),
            pl.BlockSpec((_D, _D), lambda i: (0, 0)),
            pl.BlockSpec((1, _D), lambda i: (0, 0)),
            pl.BlockSpec((1, _D), lambda i: (0, 0)),
            pl.BlockSpec((1, _D), lambda i: (0, 0)),
            pl.BlockSpec((_D, _D), lambda i: (0, 0)),
            pl.BlockSpec((1, _D), lambda i: (0, 0)),
        ],
        out_specs=pl.BlockSpec((_BLK, _D), lambda i: (i, 0)),
        out_shape=jax.ShapeDtypeStruct((_N, _D), jnp.float32),
    )(hp, agg, agg, wa, ba.reshape(1, _D), g.reshape(1, _D),
      be.reshape(1, _D), wb, bb.reshape(1, _D))


def _pool_contrib(h_blk, seg):
    onehot = (seg[:, None] == lax.broadcasted_iota(jnp.int32, (1, _NG), 1)
              ).astype(jnp.float32)
    return lax.dot_general(onehot, h_blk, (((0,), (0,)), ((), ())),
                           precision=lax.Precision.DEFAULT,
                           preferred_element_type=jnp.float32)


def _tc_pool_body(h_ref, b_ref, pool_ref):
    contrib = _pool_contrib(h_ref[...], b_ref[0, 0, :])

    @pl.when(pl.program_id(0) == 0)
    def _():
        pool_ref[...] = contrib

    @pl.when(pl.program_id(0) > 0)
    def _():
        pool_ref[...] += contrib


def _tc_pool(h, batch3d):
    return pl.pallas_call(
        _tc_pool_body,
        grid=(_NB,),
        in_specs=[
            pl.BlockSpec((_BLK, _D), lambda i: (i, 0)),
            pl.BlockSpec((1, 1, _BLK), lambda i: (i, 0, 0)),
        ],
        out_specs=pl.BlockSpec((_NG, _D), lambda i: (0, 0)),
        out_shape=jax.ShapeDtypeStruct((_NG, _D), jnp.float32),
    )(h, batch3d)


def _pool3_head_body(hp_ref, a0_ref, a1_ref, wa_ref, ba_ref, g_ref, be_ref,
                     wb_ref, bb_ref, b_ref, p1_ref, p2_ref, w1_ref, b1_ref,
                     w2_ref, b2_ref, out_ref, p3_ref):
    h = hp_ref[...] + a0_ref[...] + a1_ref[...]
    t = lax.dot_general(h, wa_ref[...], (((1,), (0,)), ((), ())),
                        precision=lax.Precision.DEFAULT,
                        preferred_element_type=jnp.float32)
    t = t + ba_ref[...]
    t = t * (g_ref[...] * (1.0 / (1.0 + _BN_EPS) ** 0.5)) + be_ref[...]
    t = jnp.maximum(t, 0.0)
    o = lax.dot_general(t, wb_ref[...], (((1,), (0,)), ((), ())),
                        precision=lax.Precision.DEFAULT,
                        preferred_element_type=jnp.float32)
    o = jnp.maximum(o + bb_ref[...], 0.0)
    contrib = _pool_contrib(o, b_ref[0, 0, :])

    @pl.when(pl.program_id(0) == 0)
    def _():
        p3_ref[...] = contrib

    @pl.when(pl.program_id(0) > 0)
    def _():
        p3_ref[...] += contrib

    @pl.when(pl.program_id(0) == _NB - 1)
    def _():
        acc = lax.dot_general(p1_ref[...], w1_ref[0:_D, :],
                              (((1,), (0,)), ((), ())),
                              precision=lax.Precision.DEFAULT,
                              preferred_element_type=jnp.float32)
        acc += lax.dot_general(p2_ref[...], w1_ref[_D:2 * _D, :],
                               (((1,), (0,)), ((), ())),
                               precision=lax.Precision.DEFAULT,
                               preferred_element_type=jnp.float32)
        acc += lax.dot_general(p3_ref[...], w1_ref[2 * _D:3 * _D, :],
                               (((1,), (0,)), ((), ())),
                               precision=lax.Precision.DEFAULT,
                               preferred_element_type=jnp.float32)
        hh = jnp.maximum(acc + b1_ref[...], 0.0)
        z = lax.dot_general(hh, w2_ref[...], (((1,), (0,)), ((), ())),
                            precision=lax.Precision.DEFAULT,
                            preferred_element_type=jnp.float32)
        z = z + b2_ref[...]
        m = jnp.max(z, axis=1, keepdims=True)
        lse = jnp.log(jnp.sum(jnp.exp(z - m), axis=1, keepdims=True)) + m
        out_ref[...] = z - lse


def _pool3_head(hp, agg, wa, ba, g, be, wb, bb, batch3d, p1, p2, w1, b1,
                w2, b2):
    return pl.pallas_call(
        _pool3_head_body,
        grid=(_NB,),
        in_specs=[
            pl.BlockSpec((_BLK, _D), lambda i: (i, 0)),
            pl.BlockSpec((_BLK, _D), lambda i: (i, 0)),
            pl.BlockSpec((_BLK, _D), lambda i: (i + _NB, 0)),
            pl.BlockSpec((_D, _D), lambda i: (0, 0)),
            pl.BlockSpec((1, _D), lambda i: (0, 0)),
            pl.BlockSpec((1, _D), lambda i: (0, 0)),
            pl.BlockSpec((1, _D), lambda i: (0, 0)),
            pl.BlockSpec((_D, _D), lambda i: (0, 0)),
            pl.BlockSpec((1, _D), lambda i: (0, 0)),
            pl.BlockSpec((1, 1, _BLK), lambda i: (i, 0, 0)),
            pl.BlockSpec((_NG, _D), lambda i: (0, 0)),
            pl.BlockSpec((_NG, _D), lambda i: (0, 0)),
            pl.BlockSpec((3 * _D, 3 * _D), lambda i: (0, 0)),
            pl.BlockSpec((1, 3 * _D), lambda i: (0, 0)),
            pl.BlockSpec((3 * _D, _NC), lambda i: (0, 0)),
            pl.BlockSpec((1, _NC), lambda i: (0, 0)),
        ],
        out_specs=pl.BlockSpec((_NG, _NC), lambda i: (0, 0)),
        out_shape=jax.ShapeDtypeStruct((_NG, _NC), jnp.float32),
        scratch_shapes=[pltpu.VMEM((_NG, _D), jnp.float32)],
    )(hp, agg, agg, wa, ba.reshape(1, _D), g.reshape(1, _D),
      be.reshape(1, _D), wb, bb.reshape(1, _D), batch3d, p1, p2, w1,
      b1.reshape(1, 3 * _D), w2, b2.reshape(1, _NC))


def kernel(x, edge_index, batch, W1a, b1a, g1, be1, W1b, b1b, W2a, b2a, g2,
           be2, W2b, b2b, W3a, b3a, g3, be3, W3b, b3b, lin1_W, lin1_b,
           lin2_W, lin2_b):
    src2d = edge_index[0].reshape(_NW, 1, _CPT * _CHUNK)
    dst2d = edge_index[1].reshape(_NW, _CPT, _CHUNK)
    batch3d = batch.reshape(_NB, 1, _BLK)

    a1 = _sc_agg(x, src2d, dst2d)
    h1 = _tc_layer(x, a1, W1a, b1a, g1, be1, W1b, b1b)
    a2 = _sc_agg(h1, src2d, dst2d)
    p1 = _tc_pool(h1, batch3d)
    h2 = _tc_layer(h1, a2, W2a, b2a, g2, be2, W2b, b2b)
    a3 = _sc_agg(h2, src2d, dst2d)
    p2 = _tc_pool(h2, batch3d)
    return _pool3_head(h2, a3, W3a, b3a, g3, be3, W3b, b3b, batch3d, p1,
                       p2, lin1_W, lin1_b, lin2_W, lin2_b)

# --- scband reference (transcript-rebuilt; emitter-appended) ---
"""Pipeline reference for scband-gin-14216341750214 (READ-ONLY COPY).

The authoritative reference and input builder live on the scoring server;
editing this copy changes nothing except your own understanding.
"""

import jax, jax.numpy as jnp
import numpy as np

N = 10000
E = 320000
D = 128
H = 128
NG = 128
NC = 10
BN_EPS = 1e-5


def setup_inputs(seed: int = 0) -> dict:
    key = jax.random.key(seed)
    ks = jax.random.split(key, 40)
    inp = {}
    inp["x"] = jax.random.normal(ks[0], (N, D), dtype=jnp.float32)
    inp["edge_index"] = jax.random.randint(ks[1], (2, E), 0, N, dtype=jnp.int32)
    inp["batch"] = jnp.sort(jax.random.randint(ks[2], (N,), 0, NG, dtype=jnp.int32))
    s = 0.05
    i = 3
    for l in [1, 2, 3]:
        din = D if l == 1 else H
        inp[f"W{l}a"] = jax.random.normal(ks[i], (din, H), dtype=jnp.float32) * s; i += 1
        inp[f"b{l}a"] = jnp.zeros((H,), dtype=jnp.float32)
        inp[f"g{l}"] = jnp.ones((H,), dtype=jnp.float32)
        inp[f"be{l}"] = jnp.zeros((H,), dtype=jnp.float32)
        inp[f"W{l}b"] = jax.random.normal(ks[i], (H, H), dtype=jnp.float32) * s; i += 1
        inp[f"b{l}b"] = jnp.zeros((H,), dtype=jnp.float32)
    inp["lin1_W"] = jax.random.normal(ks[i], (3 * H, 3 * H), dtype=jnp.float32) * s; i += 1
    inp["lin1_b"] = jnp.zeros((3 * H,), dtype=jnp.float32)
    inp["lin2_W"] = jax.random.normal(ks[i], (3 * H, NC), dtype=jnp.float32) * s; i += 1
    inp["lin2_b"] = jnp.zeros((NC,), dtype=jnp.float32)
    return inp


def _gin_conv(x, src, dst, Wa, ba, g, be, Wb, bb):
    # GINConv: MLP((1+eps)*x + sum_{j->i} x_j), eps=0 (default, train_eps=False)
    agg = jnp.zeros_like(x).at[dst].add(x[src])
    h = x + agg
    h = h @ Wa + ba
    # BatchNorm1d in eval mode: running_mean=0, running_var=1 (default init)
    h = g * h / jnp.sqrt(1.0 + BN_EPS) + be
    h = jax.nn.relu(h)
    h = h @ Wb + bb
    h = jax.nn.relu(h)
    return h


def reference(x, edge_index, batch, W1a, b1a, g1, be1, W1b, b1b, W2a, b2a, g2, be2, W2b, b2b, W3a, b3a, g3, be3, W3b, b3b, lin1_W, lin1_b, lin2_W, lin2_b):
    src = edge_index[0]
    dst = edge_index[1]
    h1 = _gin_conv(x, src, dst, W1a, b1a, g1, be1, W1b, b1b)
    h2 = _gin_conv(h1, src, dst, W2a, b2a, g2, be2, W2b, b2b)
    h3 = _gin_conv(h2, src, dst, W3a, b3a, g3, be3, W3b, b3b)
    p1 = jax.ops.segment_sum(h1, batch, num_segments=NG)
    p2 = jax.ops.segment_sum(h2, batch, num_segments=NG)
    p3 = jax.ops.segment_sum(h3, batch, num_segments=NG)
    h = jnp.concatenate((p1, p2, p3), axis=1)
    h = h @ lin1_W + lin1_b
    h = jax.nn.relu(h)
    # dropout p=0.5 is identity in eval mode
    h = h @ lin2_W + lin2_b
    return jax.nn.log_softmax(h, axis=1)

if __name__ == "__main__":
    import jax
    _d = setup_inputs()
    print(jax.jit(kernel)(*tuple(_d.values())))

</pallas_src>

<mosaic_0001>
#map = affine_map<(d0, d1) -> (0, 0)>
#map1 = affine_map<(d0, d1) -> (0, 0, 0)>
module attributes {stable_mosaic.version = 14 : i64} {
  func.func @agg_kernel(%arg0: i32, %arg1: i32, %arg2: memref<10000x128xf32, #tpu.memory_space<hbm>>, %arg3: memref<32x1x10000xi32, #tpu.memory_space<hbm>>, %arg4: memref<32x125x80xi32, #tpu.memory_space<hbm>>, %arg5: memref<20000x128xf32, #tpu.memory_space<hbm>>, %arg6: memref<10000x128xf32, #tpu.memory_space<vmem_shared>>, %arg7: memref<1x10000xi32, #tpu.memory_space<vmem>>, %arg8: memref<125x80xi32, #tpu.memory_space<vmem>>, %arg9: memref<80x128xf32, #tpu.memory_space<vmem>>, %arg10: memref<80x128xf32, #tpu.memory_space<vmem>>, %arg11: memref<80x128xf32, #tpu.memory_space<vmem>>, %arg12: memref<!tpu.dma_semaphore, #tpu.memory_space<semaphore_mem>>, %arg13: memref<!tpu.dma_semaphore, #tpu.memory_space<semaphore_mem>>, %arg14: memref<!tpu.dma_semaphore, #tpu.memory_space<semaphore_mem>>, %arg15: memref<!tpu.dma_semaphore, #tpu.memory_space<semaphore_mem>>) attributes {dimension_semantics = [#tpu.dimension_semantics<core_parallel>, #tpu.dimension_semantics<subcore_parallel>], iteration_bounds = array<i64: 2, 16>, scalar_prefetch = 0 : i64, scratch_operands = 10 : i64, tpu.core_type = #tpu.core_type<sc_vector_subcore>, window_params = [{transform_indices = #map}, {transform_indices = #map1}, {transform_indices = #map1}, {transform_indices = #map}]} {
    %mul3A = arith.constant 16 : i32
    %mul3A_0 = arith.muli %arg0, %mul3A : i32
    %add3A = arith.addi %mul3A_0, %arg1 : i32
    %broadcast_in_dim3A = arith.constant 0.000000e+00 : f32
    %broadcast_in_dim3A_1 = vector.broadcast %broadcast_in_dim3A : f32 to vector<16xf32>
    %dma_start3A = arith.constant 0 : i32
    %dma_start3A_2 = arith.constant 0 : i32
    %dma_start3A_3 = tpu.memref_slice %arg3[%add3A, %dma_start3A, %dma_start3A_2] : memref<32x1x10000xi32, #tpu.memory_space<hbm>> -> memref<1x1x10000xi32, #tpu.memory_space<hbm>>
    %dma_start3A_4 = tpu.memref_squeeze %dma_start3A_3 : memref<1x1x10000xi32, #tpu.memory_space<hbm>> -> memref<1x10000xi32, #tpu.memory_space<hbm>>
    %dma_start3A_5 = arith.constant 0 : i32
    %dma_start3A_6 = arith.constant 0 : i32
    %dma_start3A_7 = tpu.memref_slice %arg3[%add3A, %dma_start3A_5, %dma_start3A_6] : memref<32x1x10000xi32, #tpu.memory_space<hbm>> -> memref<1x1x10000xi32, #tpu.memory_space<hbm>>
    %dma_start3A_8 = tpu.memref_squeeze %dma_start3A_7 : memref<1x1x10000xi32, #tpu.memory_space<hbm>> -> memref<1x10000xi32, #tpu.memory_space<hbm>>
    tpu.enqueue_dma source(%dma_start3A_8 : memref<1x10000xi32, #tpu.memory_space<hbm>>) target(%arg7 : memref<1x10000xi32, #tpu.memory_space<vmem>>) target_semaphore(%arg12 : memref<!tpu.dma_semaphore, #tpu.memory_space<semaphore_mem>>)
    %dma_start3A_9 = arith.constant 0 : i32
    %dma_start3A_10 = arith.constant 0 : i32
    %dma_start3A_11 = tpu.memref_slice %arg4[%add3A, %dma_start3A_9, %dma_start3A_10] : memref<32x125x80xi32, #tpu.memory_space<hbm>> -> memref<1x125x80xi32, #tpu.memory_space<hbm>>
    %dma_start3A_12 = tpu.memref_squeeze %dma_start3A_11 : memref<1x125x80xi32, #tpu.memory_space<hbm>> -> memref<125x80xi32, #tpu.memory_space<hbm>>
    %dma_start3A_13 = arith.constant 0 : i32
    %dma_start3A_14 = arith.constant 0 : i32
    %dma_start3A_15 = tpu.memref_slice %arg4[%add3A, %dma_start3A_13, %dma_start3A_14] : memref<32x125x80xi32, #tpu.memory_space<hbm>> -> memref<1x125x80xi32, #tpu.memory_space<hbm>>
    %dma_start3A_16 = tpu.memref_squeeze %dma_start3A_15 : memref<1x125x80xi32, #tpu.memory_space<hbm>> -> memref<125x80xi32, #tpu.memory_space<hbm>>
    tpu.enqueue_dma source(%dma_start3A_16 : memref<125x80xi32, #tpu.memory_space<hbm>>) target(%arg8 : memref<125x80xi32, #tpu.memory_space<vmem>>) target_semaphore(%arg12 : memref<!tpu.dma_semaphore, #tpu.memory_space<semaphore_mem>>)
    %scan3A = arith.constant 0 : i32
    %scan3A_17 = arith.constant 48 : i32
    %scan3A_18 = arith.addi %scan3A, %scan3A_17 : i32
    %scan3A_19 = arith.constant 1 : i32
    scf.for %scan3A_90 = %scan3A to %scan3A_18 step %scan3A_19  : i32 {
      %mul3A_91 = arith.constant 1 : i32
      %mul3A_92 = arith.muli %scan3A_90, %mul3A_91 : i32
      %add3A_93 = arith.constant 0 : i32
      %add3A_94 = arith.addi %add3A_93, %mul3A_92 : i32
      %scan3A_95 = arith.constant 0 : i32
      %scan3A_96 = arith.constant 8 : i32
      %scan3A_97 = arith.addi %scan3A_95, %scan3A_96 : i32
      %scan3A_98 = arith.constant 1 : i32
      scf.for %scan3A_100 = %scan3A_95 to %scan3A_97 step %scan3A_98  : i32 {
        %mul3A_101 = arith.constant 16 : i32
        %mul3A_102 = arith.muli %scan3A_100, %mul3A_101 : i32
        %add3A_103 = arith.constant 0 : i32
        %add3A_104 = arith.addi %add3A_103, %mul3A_102 : i32
        %swap3A = arith.index_cast %add3A_94 : i32 to index
        %swap3A_105 = arith.index_cast %add3A_104 : i32 to index
        %swap3A_106 = tpu.vector_load %arg9[%swap3A, %swap3A_105] {strides = array<i32>} : memref<80x128xf32, #tpu.memory_space<vmem>>, vector<1x16xf32>,
        %swap3A_107 = vector.shape_cast %swap3A_106 : vector<1x16xf32> to vector<16xf32>
        %swap3A_108 = vector.shape_cast %broadcast_in_dim3A_1 : vector<16xf32> to vector<1x16xf32>
        tpu.vector_store %arg9[%swap3A, %swap3A_105], %swap3A_108 {strides = array<i32>} : memref<80x128xf32, #tpu.memory_space<vmem>>, vector<1x16xf32>,
      }
      %scan3A_99 = arith.constant 8 : i32
    }
    %scan3A_20 = arith.constant 48 : i32
    %scan3A_21 = arith.constant 0 : i32
    %scan3A_22 = arith.constant 13 : i32
    %scan3A_23 = arith.addi %scan3A_21, %scan3A_22 : i32
    %scan3A_24 = arith.constant 1 : i32
    scf.for %scan3A_90 = %scan3A_21 to %scan3A_23 step %scan3A_24  : i32 {
      %mul3A_91 = arith.constant 1 : i32
      %mul3A_92 = arith.muli %scan3A_90, %mul3A_91 : i32
      %add3A_93 = arith.constant 0 : i32
      %add3A_94 = arith.addi %add3A_93, %mul3A_92 : i32
      %mul3A_95 = arith.constant 624 : i32
      %mul3A_96 = arith.muli %arg1, %mul3A_95 : i32
      %mul3A_97 = arith.constant 48 : i32
      %mul3A_98 = arith.muli %add3A_94, %mul3A_97 : i32
      %add3A_99 = arith.addi %mul3A_96, %mul3A_98 : i32
      "tpu.region"() ({
        %run_scoped3A_100 = tpu.sem_alloc : memref<!tpu.dma_semaphore, #tpu.memory_space<semaphore_mem>>
        %dma_start3A_101 = arith.constant 0 : i32
        %dma_start3A_102 = arith.constant 0 : i32
        %dma_start3A_103 = tpu.memref_slice %arg9[%dma_start3A_101, %dma_start3A_102] : memref<80x128xf32, #tpu.memory_space<vmem>> -> memref<48x128xf32, #tpu.memory_space<vmem>>
        %dma_start3A_104 = arith.constant 0 : i32
        %dma_start3A_105 = tpu.memref_slice %arg6[%add3A_99, %dma_start3A_104] : memref<10000x128xf32, #tpu.memory_space<vmem_shared>> -> memref<48x128xf32, #tpu.memory_space<vmem_shared>>
        %dma_start3A_106 = arith.constant 0 : i32
        %dma_start3A_107 = tpu.memref_slice %arg6[%add3A_99, %dma_start3A_106] : memref<10000x128xf32, #tpu.memory_space<vmem_shared>> -> memref<48x128xf32, #tpu.memory_space<vmem_shared>>
        %dma_start3A_108 = arith.constant 0 : i32
        %dma_start3A_109 = arith.constant 0 : i32
        %dma_start3A_110 = tpu.memref_slice %arg9[%dma_start3A_108, %dma_start3A_109] : memref<80x128xf32, #tpu.memory_space<vmem>> -> memref<48x128xf32, #tpu.memory_space<vmem>>
        tpu.enqueue_dma source(%dma_start3A_110 : memref<48x128xf32, #tpu.memory_space<vmem>>) target(%dma_start3A_107 : memref<48x128xf32, #tpu.memory_space<vmem_shared>>) target_semaphore(%run_scoped3A_100 : memref<!tpu.dma_semaphore, #tpu.memory_space<semaphore_mem>>)
        %dma_wait3A_111 = arith.constant 0 : i32
        %dma_wait3A_112 = arith.constant 0 : i32
        %dma_wait3A_113 = tpu.memref_slice %arg9[%dma_wait3A_111, %dma_wait3A_112] : memref<80x128xf32, #tpu.memory_space<vmem>> -> memref<48x128xf32, #tpu.memory_space<vmem>>
        %dma_wait3A_114 = arith.constant 0 : i32
        %dma_wait3A_115 = tpu.memref_slice %arg6[%add3A_99, %dma_wait3A_114] : memref<10000x128xf32, #tpu.memory_space<vmem_shared>> -> memref<48x128xf32, #tpu.memory_space<vmem_shared>>
        %dma_wait3A_116 = arith.constant 0 : i32
        %dma_wait3A_117 = tpu.memref_slice %arg6[%add3A_99, %dma_wait3A_116] : memref<10000x128xf32, #tpu.memory_space<vmem_shared>> -> memref<48x128xf32, #tpu.memory_space<vmem_shared>>
        %dma_wait3A_118 = arith.constant 0 : i32
        %dma_wait3A_119 = arith.constant 0 : i32
        %dma_wait3A_120 = tpu.memref_slice %arg9[%dma_wait3A_118, %dma_wait3A_119] : memref<80x128xf32, #tpu.memory_space<vmem>> -> memref<48x128xf32, #tpu.memory_space<vmem>>
        tpu.wait_dma2 semaphore(%run_scoped3A_100 : memref<!tpu.dma_semaphore, #tpu.memory_space<semaphore_mem>>) src(%dma_wait3A_120 : memref<48x128xf32, #tpu.memory_space<vmem>>) dst(%dma_wait3A_117 : memref<48x128xf32, #tpu.memory_space<vmem_shared>>)
        tpu.yield
      }) : () -> ()
    }
    %scan3A_25 = arith.constant 13 : i32
    %eq3A = arith.constant 15 : i32
    %eq3A_26 = arith.cmpi eq, %arg1, %eq3A : i32
    %convert_element_type3A = arith.extui %eq3A_26 : i1 to i32
    %cond3A = arith.constant 0 : i32
    %cond3A_27 = arith.cmpi ne, %convert_element_type3A, %cond3A : i32
    scf.if %cond3A_27 {
      "tpu.region"() ({
        %run_scoped3A_90 = tpu.sem_alloc : memref<!tpu.dma_semaphore, #tpu.memory_space<semaphore_mem>>
        %dma_start3A_91 = arith.constant 0 : i32
        %dma_start3A_92 = arith.constant 0 : i32
        %dma_start3A_93 = tpu.memref_slice %arg9[%dma_start3A_91, %dma_start3A_92] : memref<80x128xf32, #tpu.memory_space<vmem>> -> memref<16x128xf32, #tpu.memory_space<vmem>>
        %dma_start3A_94 = arith.constant 9984 : i32
        %dma_start3A_95 = arith.constant 0 : i32
        %dma_start3A_96 = tpu.memref_slice %arg6[%dma_start3A_94, %dma_start3A_95] : memref<10000x128xf32, #tpu.memory_space<vmem_shared>> -> memref<16x128xf32, #tpu.memory_space<vmem_shared>>
        %dma_start3A_97 = arith.constant 9984 : i32
        %dma_start3A_98 = arith.constant 0 : i32
        %dma_start3A_99 = tpu.memref_slice %arg6[%dma_start3A_97, %dma_start3A_98] : memref<10000x128xf32, #tpu.memory_space<vmem_shared>> -> memref<16x128xf32, #tpu.memory_space<vmem_shared>>
        %dma_start3A_100 = arith.constant 0 : i32
        %dma_start3A_101 = arith.constant 0 : i32
        %dma_start3A_102 = tpu.memref_slice %arg9[%dma_start3A_100, %dma_start3A_101] : memref<80x128xf32, #tpu.memory_space<vmem>> -> memref<16x128xf32, #tpu.memory_space<vmem>>
        tpu.enqueue_dma source(%dma_start3A_102 : memref<16x128xf32, #tpu.memory_space<vmem>>) target(%dma_start3A_99 : memref<16x128xf32, #tpu.memory_space<vmem_shared>>) target_semaphore(%run_scoped3A_90 : memref<!tpu.dma_semaphore, #tpu.memory_space<semaphore_mem>>)
        %dma_wait3A_103 = arith.constant 0 : i32
        %dma_wait3A_104 = arith.constant 0 : i32
        %dma_wait3A_105 = tpu.memref_slice %arg9[%dma_wait3A_103, %dma_wait3A_104] : memref<80x128xf32, #tpu.memory_space<vmem>> -> memref<16x128xf32, #tpu.memory_space<vmem>>
        %dma_wait3A_106 = arith.constant 9984 : i32
        %dma_wait3A_107 = arith.constant 0 : i32
        %dma_wait3A_108 = tpu.memref_slice %arg6[%dma_wait3A_106, %dma_wait3A_107] : memref<10000x128xf32, #tpu.memory_space<vmem_shared>> -> memref<16x128xf32, #tpu.memory_space<vmem_shared>>
        %dma_wait3A_109 = arith.constant 9984 : i32
        %dma_wait3A_110 = arith.constant 0 : i32
        %dma_wait3A_111 = tpu.memref_slice %arg6[%dma_wait3A_109, %dma_wait3A_110] : memref<10000x128xf32, #tpu.memory_space<vmem_shared>> -> memref<16x128xf32, #tpu.memory_space<vmem_shared>>
        %dma_wait3A_112 = arith.constant 0 : i32
        %dma_wait3A_113 = arith.constant 0 : i32
        %dma_wait3A_114 = tpu.memref_slice %arg9[%dma_wait3A_112, %dma_wait3A_113] : memref<80x128xf32, #tpu.memory_space<vmem>> -> memref<16x128xf32, #tpu.memory_space<vmem>>
        tpu.wait_dma2 semaphore(%run_scoped3A_90 : memref<!tpu.dma_semaphore, #tpu.memory_space<semaphore_mem>>) src(%dma_wait3A_114 : memref<16x128xf32, #tpu.memory_space<vmem>>) dst(%dma_wait3A_111 : memref<16x128xf32, #tpu.memory_space<vmem_shared>>)
        tpu.yield
      }) : () -> ()
    } else {
    }
    %dma_wait3A = arith.constant 0 : i32
    %dma_wait3A_28 = arith.constant 0 : i32
    %dma_wait3A_29 = tpu.memref_slice %arg3[%add3A, %dma_wait3A, %dma_wait3A_28] : memref<32x1x10000xi32, #tpu.memory_space<hbm>> -> memref<1x1x10000xi32, #tpu.memory_space<hbm>>
    %dma_wait3A_30 = tpu.memref_squeeze %dma_wait3A_29 : memref<1x1x10000xi32, #tpu.memory_space<hbm>> -> memref<1x10000xi32, #tpu.memory_space<hbm>>
    %dma_wait3A_31 = arith.constant 0 : i32
    %dma_wait3A_32 = arith.constant 0 : i32
    %dma_wait3A_33 = tpu.memref_slice %arg3[%add3A, %dma_wait3A_31, %dma_wait3A_32] : memref<32x1x10000xi32, #tpu.memory_space<hbm>> -> memref<1x1x10000xi32, #tpu.memory_space<hbm>>
    %dma_wait3A_34 = tpu.memref_squeeze %dma_wait3A_33 : memref<1x1x10000xi32, #tpu.memory_space<hbm>> -> memref<1x10000xi32, #tpu.memory_space<hbm>>
    tpu.wait_dma2 semaphore(%arg12 : memref<!tpu.dma_semaphore, #tpu.memory_space<semaphore_mem>>) src(%dma_wait3A_34 : memref<1x10000xi32, #tpu.memory_space<hbm>>) dst(%arg7 : memref<1x10000xi32, #tpu.memory_space<vmem>>)
    %dma_wait3A_35 = arith.constant 0 : i32
    %dma_wait3A_36 = arith.constant 0 : i32
    %dma_wait3A_37 = tpu.memref_slice %arg4[%add3A, %dma_wait3A_35, %dma_wait3A_36] : memref<32x125x80xi32, #tpu.memory_space<hbm>> -> memref<1x125x80xi32, #tpu.memory_space<hbm>>
    %dma_wait3A_38 = tpu.memref_squeeze %dma_wait3A_37 : memref<1x125x80xi32, #tpu.memory_space<hbm>> -> memref<125x80xi32, #tpu.memory_space<hbm>>
    %dma_wait3A_39 = arith.constant 0 : i32
    %dma_wait3A_40 = arith.constant 0 : i32
    %dma_wait3A_41 = tpu.memref_slice %arg4[%add3A, %dma_wait3A_39, %dma_wait3A_40] : memref<32x125x80xi32, #tpu.memory_space<hbm>> -> memref<1x125x80xi32, #tpu.memory_space<hbm>>
    %dma_wait3A_42 = tpu.memref_squeeze %dma_wait3A_41 : memref<1x125x80xi32, #tpu.memory_space<hbm>> -> memref<125x80xi32, #tpu.memory_space<hbm>>
    tpu.wait_dma2 semaphore(%arg12 : memref<!tpu.dma_semaphore, #tpu.memory_space<semaphore_mem>>) src(%dma_wait3A_42 : memref<125x80xi32, #tpu.memory_space<hbm>>) dst(%arg8 : memref<125x80xi32, #tpu.memory_space<vmem>>)
    %dma_start3A_43 = arith.constant 0 : i32
    %dma_start3A_44 = arith.constant 0 : i32
    %dma_start3A_45 = tpu.memref_slice %arg7[%dma_start3A_43, %dma_start3A_44] : memref<1x10000xi32, #tpu.memory_space<vmem>> -> memref<1x80xi32, #tpu.memory_space<vmem>>
    %dma_start3A_46 = tpu.memref_squeeze %dma_start3A_45 : memref<1x80xi32, #tpu.memory_space<vmem>> -> memref<80xi32, #tpu.memory_space<vmem>>
    %dma_start3A_47 = arith.constant 0 : i32
    %dma_start3A_48 = arith.constant 0 : i32
    %dma_start3A_49 = tpu.memref_slice %arg2[%dma_start3A_47, %dma_start3A_48] : memref<10000x128xf32, #tpu.memory_space<hbm>> -> memref<10000x128xf32, #tpu.memory_space<hbm>>
    tpu.enqueue_indirect_dma source(%dma_start3A_49 : memref<10000x128xf32, #tpu.memory_space<hbm>>) target(%arg9 : memref<80x128xf32, #tpu.memory_space<vmem>>) offsets(%dma_start3A_46 : memref<80xi32, #tpu.memory_space<vmem>>) semaphore(%arg13 : memref<!tpu.dma_semaphore, #tpu.memory_space<semaphore_mem>>)
    %dma_start3A_50 = arith.constant 0 : i32
    %dma_start3A_51 = arith.constant 80 : i32
    %dma_start3A_52 = tpu.memref_slice %arg7[%dma_start3A_50, %dma_start3A_51] : memref<1x10000xi32, #tpu.memory_space<vmem>> -> memref<1x80xi32, #tpu.memory_space<vmem>>
    %dma_start3A_53 = tpu.memref_squeeze %dma_start3A_52 : memref<1x80xi32, #tpu.memory_space<vmem>> -> memref<80xi32, #tpu.memory_space<vmem>>
    %dma_start3A_54 = arith.constant 0 : i32
    %dma_start3A_55 = arith.constant 0 : i32
    %dma_start3A_56 = tpu.memref_slice %arg2[%dma_start3A_54, %dma_start3A_55] : memref<10000x128xf32, #tpu.memory_space<hbm>> -> memref<10000x128xf32, #tpu.memory_space<hbm>>
    tpu.enqueue_indirect_dma source(%dma_start3A_56 : memref<10000x128xf32, #tpu.memory_space<hbm>>) target(%arg10 : memref<80x128xf32, #tpu.memory_space<vmem>>) offsets(%dma_start3A_53 : memref<80xi32, #tpu.memory_space<vmem>>) semaphore(%arg14 : memref<!tpu.dma_semaphore, #tpu.memory_space<semaphore_mem>>)
    %barrier3A = arith.constant 0 : index
    tpu.barrier barrier_id(%barrier3A)
    %scan3A_57 = arith.constant 0 : i32
    %scan3A_58 = arith.constant 41 : i32
    %scan3A_59 = arith.addi %scan3A_57, %scan3A_58 : i32
    %scan3A_60 = arith.constant 1 : i32
    scf.for %scan3A_90 = %scan3A_57 to %scan3A_59 step %scan3A_60  : i32 {
      %mul3A_91 = arith.constant 1 : i32
      %mul3A_92 = arith.muli %scan3A_90, %mul3A_91 : i32
      %add3A_93 = arith.constant 0 : i32
      %add3A_94 = arith.addi %add3A_93, %mul3A_92 : i32
      %mul3A_95 = arith.constant 3 : i32
      %mul3A_96 = arith.muli %mul3A_95, %add3A_94 : i32
      %mul3A_97 = arith.constant 80 : i32
      %mul3A_98 = arith.muli %mul3A_96, %mul3A_97 : i32
      %dma_wait3A_99 = arith.constant 0 : i32
      %dma_wait3A_100 = tpu.memref_slice %arg7[%dma_wait3A_99, %mul3A_98] : memref<1x10000xi32, #tpu.memory_space<vmem>> -> memref<1x80xi32, #tpu.memory_space<vmem>>
      %dma_wait3A_101 = tpu.memref_squeeze %dma_wait3A_100 : memref<1x80xi32, #tpu.memory_space<vmem>> -> memref<80xi32, #tpu.memory_space<vmem>>
      %dma_wait3A_102 = arith.constant 0 : i32
      %dma_wait3A_103 = arith.constant 0 : i32
      %dma_wait3A_104 = tpu.memref_slice %arg2[%dma_wait3A_102, %dma_wait3A_103] : memref<10000x128xf32, #tpu.memory_space<hbm>> -> memref<10000x128xf32, #tpu.memory_space<hbm>>
      tpu.wait_indirect_dma semaphore(%arg13 : memref<!tpu.dma_semaphore, #tpu.memory_space<semaphore_mem>>) src(%dma_wait3A_104 : memref<10000x128xf32, #tpu.memory_space<hbm>>) dst(%arg9 : memref<80x128xf32, #tpu.memory_space<vmem>>)
      %add3A_105 = arith.constant 2 : i32
      %add3A_106 = arith.addi %mul3A_96, %add3A_105 : i32
      %mul3A_107 = arith.constant 80 : i32
      %mul3A_108 = arith.muli %add3A_106, %mul3A_107 : i32
      %dma_start3A_109 = arith.constant 0 : i32
      %dma_start3A_110 = tpu.memref_slice %arg7[%dma_start3A_109, %mul3A_108] : memref<1x10000xi32, #tpu.memory_space<vmem>> -> memref<1x80xi32, #tpu.memory_space<vmem>>
      %dma_start3A_111 = tpu.memref_squeeze %dma_start3A_110 : memref<1x80xi32, #tpu.memory_space<vmem>> -> memref<80xi32, #tpu.memory_space<vmem>>
      %dma_start3A_112 = arith.constant 0 : i32
      %dma_start3A_113 = arith.constant 0 : i32
      %dma_start3A_114 = tpu.memref_slice %arg2[%dma_start3A_112, %dma_start3A_113] : memref<10000x128xf32, #tpu.memory_space<hbm>> -> memref<10000x128xf32, #tpu.memory_space<hbm>>
      tpu.enqueue_indirect_dma source(%dma_start3A_114 : memref<10000x128xf32, #tpu.memory_space<hbm>>) target(%arg11 : memref<80x128xf32, #tpu.memory_space<vmem>>) offsets(%dma_start3A_111 : memref<80xi32, #tpu.memory_space<vmem>>) semaphore(%arg15 : memref<!tpu.dma_semaphore, #tpu.memory_space<semaphore_mem>>)
      "tpu.region"() ({
        %run_scoped3A_159 = tpu.sem_alloc : memref<!tpu.dma_semaphore, #tpu.memory_space<semaphore_mem>>
        %dma_start3A_160 = arith.constant 0 : i32
        %dma_start3A_161 = tpu.memref_slice %arg8[%mul3A_96, %dma_start3A_160] : memref<125x80xi32, #tpu.memory_space<vmem>> -> memref<1x80xi32, #tpu.memory_space<vmem>>
        %dma_start3A_162 = tpu.memref_squeeze %dma_start3A_161 : memref<1x80xi32, #tpu.memory_space<vmem>> -> memref<80xi32, #tpu.memory_space<vmem>>
        %dma_start3A_163 = arith.constant 0 : i32
        %dma_start3A_164 = arith.constant 0 : i32
        %dma_start3A_165 = tpu.memref_slice %arg6[%dma_start3A_163, %dma_start3A_164] : memref<10000x128xf32, #tpu.memory_space<vmem_shared>> -> memref<10000x128xf32, #tpu.memory_space<vmem_shared>>
        tpu.enqueue_indirect_dma source(%arg9 : memref<80x128xf32, #tpu.memory_space<vmem>>) target(%dma_start3A_165 : memref<10000x128xf32, #tpu.memory_space<vmem_shared>>) offsets(%dma_start3A_162 : memref<80xi32, #tpu.memory_space<vmem>>) semaphore(%run_scoped3A_159 : memref<!tpu.dma_semaphore, #tpu.memory_space<semaphore_mem>>) {add = true}
        %dma_wait3A_166 = arith.constant 0 : i32
        %dma_wait3A_167 = tpu.memref_slice %arg8[%mul3A_96, %dma_wait3A_166] : memref<125x80xi32, #tpu.memory_space<vmem>> -> memref<1x80xi32, #tpu.memory_space<vmem>>
        %dma_wait3A_168 = tpu.memref_squeeze %dma_wait3A_167 : memref<1x80xi32, #tpu.memory_space<vmem>> -> memref<80xi32, #tpu.memory_space<vmem>>
        %dma_wait3A_169 = arith.constant 0 : i32
        %dma_wait3A_170 = arith.constant 0 : i32
        %dma_wait3A_171 = tpu.memref_slice %arg6[%dma_wait3A_169, %dma_wait3A_170] : memref<10000x128xf32, #tpu.memory_space<vmem_shared>> -> memref<10000x128xf32, #tpu.memory_space<vmem_shared>>
        tpu.wait_indirect_dma semaphore(%run_scoped3A_159 : memref<!tpu.dma_semaphore, #tpu.memory_space<semaphore_mem>>) src(%arg9 : memref<80x128xf32, #tpu.memory_space<vmem>>) dst(%dma_wait3A_171 : memref<10000x128xf32, #tpu.memory_space<vmem_shared>>)
        tpu.yield
      }) : () -> ()
      %add3A_115 = arith.constant 1 : i32
      %add3A_116 = arith.addi %mul3A_96, %add3A_115 : i32
      %mul3A_117 = arith.constant 80 : i32
      %mul3A_118 = arith.muli %add3A_116, %mul3A_117 : i32
      %dma_wait3A_119 = arith.constant 0 : i32
      %dma_wait3A_120 = tpu.memref_slice %arg7[%dma_wait3A_119, %mul3A_118] : memref<1x10000xi32, #tpu.memory_space<vmem>> -> memref<1x80xi32, #tpu.memory_space<vmem>>
      %dma_wait3A_121 = tpu.memref_squeeze %dma_wait3A_120 : memref<1x80xi32, #tpu.memory_space<vmem>> -> memref<80xi32, #tpu.memory_space<vmem>>
      %dma_wait3A_122 = arith.constant 0 : i32
      %dma_wait3A_123 = arith.constant 0 : i32
      %dma_wait3A_124 = tpu.memref_slice %arg2[%dma_wait3A_122, %dma_wait3A_123] : memref<10000x128xf32, #tpu.memory_space<hbm>> -> memref<10000x128xf32, #tpu.memory_space<hbm>>
      tpu.wait_indirect_dma semaphore(%arg14 : memref<!tpu.dma_semaphore, #tpu.memory_space<semaphore_mem>>) src(%dma_wait3A_124 : memref<10000x128xf32, #tpu.memory_space<hbm>>) dst(%arg10 : memref<80x128xf32, #tpu.memory_space<vmem>>)
      %add3A_125 = arith.constant 3 : i32
      %add3A_126 = arith.addi %mul3A_96, %add3A_125 : i32
      %mul3A_127 = arith.constant 80 : i32
      %mul3A_128 = arith.muli %add3A_126, %mul3A_127 : i32
      %dma_start3A_129 = arith.constant 0 : i32
      %dma_start3A_130 = tpu.memref_slice %arg7[%dma_start3A_129, %mul3A_128] : memref<1x10000xi32, #tpu.memory_space<vmem>> -> memref<1x80xi32, #tpu.memory_space<vmem>>
      %dma_start3A_131 = tpu.memref_squeeze %dma_start3A_130 : memref<1x80xi32, #tpu.memory_space<vmem>> -> memref<80xi32, #tpu.memory_space<vmem>>
      %dma_start3A_132 = arith.constant 0 : i32
      %dma_start3A_133 = arith.constant 0 : i32
      %dma_start3A_134 = tpu.memref_slice %arg2[%dma_start3A_132, %dma_start3A_133] : memref<10000x128xf32, #tpu.memory_space<hbm>> -> memref<10000x128xf32, #tpu.memory_space<hbm>>
      tpu.enqueue_indirect_dma source(%dma_start3A_134 : memref<10000x128xf32, #tpu.memory_space<hbm>>) target(%arg9 : memref<80x128xf32, #tpu.memory_space<vmem>>) offsets(%dma_start3A_131 : memref<80xi32, #tpu.memory_space<vmem>>) semaphore(%arg13 : memref<!tpu.dma_semaphore, #tpu.memory_space<semaphore_mem>>)
      %add3A_135 = arith.constant 1 : i32
      %add3A_136 = arith.addi %mul3A_96, %add3A_135 : i32
      "tpu.region"() ({
        %run_scoped3A_159 = tpu.sem_alloc : memref<!tpu.dma_semaphore, #tpu.memory_space<semaphore_mem>>
        %dma_start3A_160 = arith.constant 0 : i32
        %dma_start3A_161 = tpu.memref_slice %arg8[%add3A_136, %dma_start3A_160] : memref<125x80xi32, #tpu.memory_space<vmem>> -> memref<1x80xi32, #tpu.memory_space<vmem>>
        %dma_start3A_162 = tpu.memref_squeeze %dma_start3A_161 : memref<1x80xi32, #tpu.memory_space<vmem>> -> memref<80xi32, #tpu.memory_space<vmem>>
        %dma_start3A_163 = arith.constant 0 : i32
        %dma_start3A_164 = arith.constant 0 : i32
        %dma_start3A_165 = tpu.memref_slice %arg6[%dma_start3A_163, %dma_start3A_164] : memref<10000x128xf32, #tpu.memory_space<vmem_shared>> -> memref<10000x128xf32, #tpu.memory_space<vmem_shared>>
        tpu.enqueue_indirect_dma source(%arg10 : memref<80x128xf32, #tpu.memory_space<vmem>>) target(%dma_start3A_165 : memref<10000x128xf32, #tpu.memory_space<vmem_shared>>) offsets(%dma_start3A_162 : memref<80xi32, #tpu.memory_space<vmem>>) semaphore(%run_scoped3A_159 : memref<!tpu.dma_semaphore, #tpu.memory_space<semaphore_mem>>) {add = true}
        %dma_wait3A_166 = arith.constant 0 : i32
        %dma_wait3A_167 = tpu.memref_slice %arg8[%add3A_136, %dma_wait3A_166] : memref<125x80xi32, #tpu.memory_space<vmem>> -> memref<1x80xi32, #tpu.memory_space<vmem>>
        %dma_wait3A_168 = tpu.memref_squeeze %dma_wait3A_167 : memref<1x80xi32, #tpu.memory_space<vmem>> -> memref<80xi32, #tpu.memory_space<vmem>>
        %dma_wait3A_169 = arith.constant 0 : i32
        %dma_wait3A_170 = arith.constant 0 : i32
        %dma_wait3A_171 = tpu.memref_slice %arg6[%dma_wait3A_169, %dma_wait3A_170] : memref<10000x128xf32, #tpu.memory_space<vmem_shared>> -> memref<10000x128xf32, #tpu.memory_space<vmem_shared>>
        tpu.wait_indirect_dma semaphore(%run_scoped3A_159 : memref<!tpu.dma_semaphore, #tpu.memory_space<semaphore_mem>>) src(%arg10 : memref<80x128xf32, #tpu.memory_space<vmem>>) dst(%dma_wait3A_171 : memref<10000x128xf32, #tpu.memory_space<vmem_shared>>)
        tpu.yield
      }) : () -> ()
      %add3A_137 = arith.constant 2 : i32
      %add3A_138 = arith.addi %mul3A_96, %add3A_137 : i32
      %mul3A_139 = arith.constant 80 : i32
      %mul3A_140 = arith.muli %add3A_138, %mul3A_139 : i32
      %dma_wait3A_141 = arith.constant 0 : i32
      %dma_wait3A_142 = tpu.memref_slice %arg7[%dma_wait3A_141, %mul3A_140] : memref<1x10000xi32, #tpu.memory_space<vmem>> -> memref<1x80xi32, #tpu.memory_space<vmem>>
      %dma_wait3A_143 = tpu.memref_squeeze %dma_wait3A_142 : memref<1x80xi32, #tpu.memory_space<vmem>> -> memref<80xi32, #tpu.memory_space<vmem>>
      %dma_wait3A_144 = arith.constant 0 : i32
      %dma_wait3A_145 = arith.constant 0 : i32
      %dma_wait3A_146 = tpu.memref_slice %arg2[%dma_wait3A_144, %dma_wait3A_145] : memref<10000x128xf32, #tpu.memory_space<hbm>> -> memref<10000x128xf32, #tpu.memory_space<hbm>>
      tpu.wait_indirect_dma semaphore(%arg15 : memref<!tpu.dma_semaphore, #tpu.memory_space<semaphore_mem>>) src(%dma_wait3A_146 : memref<10000x128xf32, #tpu.memory_space<hbm>>) dst(%arg11 : memref<80x128xf32, #tpu.memory_space<vmem>>)
      %add3A_147 = arith.constant 4 : i32
      %add3A_148 = arith.addi %mul3A_96, %add3A_147 : i32
      %mul3A_149 = arith.constant 80 : i32
      %mul3A_150 = arith.muli %add3A_148, %mul3A_149 : i32
      %dma_start3A_151 = arith.constant 0 : i32
      %dma_start3A_152 = tpu.memref_slice %arg7[%dma_start3A_151, %mul3A_150] : memref<1x10000xi32, #tpu.memory_space<vmem>> -> memref<1x80xi32, #tpu.memory_space<vmem>>
      %dma_start3A_153 = tpu.memref_squeeze %dma_start3A_152 : memref<1x80xi32, #tpu.memory_space<vmem>> -> memref<80xi32, #tpu.memory_space<vmem>>
      %dma_start3A_154 = arith.constant 0 : i32
      %dma_start3A_155 = arith.constant 0 : i32
      %dma_start3A_156 = tpu.memref_slice %arg2[%dma_start3A_154, %dma_start3A_155] : memref<10000x128xf32, #tpu.memory_space<hbm>> -> memref<10000x128xf32, #tpu.memory_space<hbm>>
      tpu.enqueue_indirect_dma source(%dma_start3A_156 : memref<10000x128xf32, #tpu.memory_space<hbm>>) target(%arg10 : memref<80x128xf32, #tpu.memory_space<vmem>>) offsets(%dma_start3A_153 : memref<80xi32, #tpu.memory_space<vmem>>) semaphore(%arg14 : memref<!tpu.dma_semaphore, #tpu.memory_space<semaphore_mem>>)
      %add3A_157 = arith.constant 2 : i32
      %add3A_158 = arith.addi %mul3A_96, %add3A_157 : i32
      "tpu.region"() ({
        %run_scoped3A_159 = tpu.sem_alloc : memref<!tpu.dma_semaphore, #tpu.memory_space<semaphore_mem>>
        %dma_start3A_160 = arith.constant 0 : i32
        %dma_start3A_161 = tpu.memref_slice %arg8[%add3A_158, %dma_start3A_160] : memref<125x80xi32, #tpu.memory_space<vmem>> -> memref<1x80xi32, #tpu.memory_space<vmem>>
        %dma_start3A_162 = tpu.memref_squeeze %dma_start3A_161 : memref<1x80xi32, #tpu.memory_space<vmem>> -> memref<80xi32, #tpu.memory_space<vmem>>
        %dma_start3A_163 = arith.constant 0 : i32
        %dma_start3A_164 = arith.constant 0 : i32
        %dma_start3A_165 = tpu.memref_slice %arg6[%dma_start3A_163, %dma_start3A_164] : memref<10000x128xf32, #tpu.memory_space<vmem_shared>> -> memref<10000x128xf32, #tpu.memory_space<vmem_shared>>
        tpu.enqueue_indirect_dma source(%arg11 : memref<80x128xf32, #tpu.memory_space<vmem>>) target(%dma_start3A_165 : memref<10000x128xf32, #tpu.memory_space<vmem_shared>>) offsets(%dma_start3A_162 : memref<80xi32, #tpu.memory_space<vmem>>) semaphore(%run_scoped3A_159 : memref<!tpu.dma_semaphore, #tpu.memory_space<semaphore_mem>>) {add = true}
        %dma_wait3A_166 = arith.constant 0 : i32
        %dma_wait3A_167 = tpu.memref_slice %arg8[%add3A_158, %dma_wait3A_166] : memref<125x80xi32, #tpu.memory_space<vmem>> -> memref<1x80xi32, #tpu.memory_space<vmem>>
        %dma_wait3A_168 = tpu.memref_squeeze %dma_wait3A_167 : memref<1x80xi32, #tpu.memory_space<vmem>> -> memref<80xi32, #tpu.memory_space<vmem>>
        %dma_wait3A_169 = arith.constant 0 : i32
        %dma_wait3A_170 = arith.constant 0 : i32
        %dma_wait3A_171 = tpu.memref_slice %arg6[%dma_wait3A_169, %dma_wait3A_170] : memref<10000x128xf32, #tpu.memory_space<vmem_shared>> -> memref<10000x128xf32, #tpu.memory_space<vmem_shared>>
        tpu.wait_indirect_dma semaphore(%run_scoped3A_159 : memref<!tpu.dma_semaphore, #tpu.memory_space<semaphore_mem>>) src(%arg11 : memref<80x128xf32, #tpu.memory_space<vmem>>) dst(%dma_wait3A_171 : memref<10000x128xf32, #tpu.memory_space<vmem_shared>>)
        tpu.yield
      }) : () -> ()
    }
    %scan3A_61 = arith.constant 41 : i32
    %dma_wait3A_62 = arith.constant 0 : i32
    %dma_wait3A_63 = arith.constant 9840 : i32
    %dma_wait3A_64 = tpu.memref_slice %arg7[%dma_wait3A_62, %dma_wait3A_63] : memref<1x10000xi32, #tpu.memory_space<vmem>> -> memref<1x80xi32, #tpu.memory_space<vmem>>
    %dma_wait3A_65 = tpu.memref_squeeze %dma_wait3A_64 : memref<1x80xi32, #tpu.memory_space<vmem>> -> memref<80xi32, #tpu.memory_space<vmem>>
    %dma_wait3A_66 = arith.constant 0 : i32
    %dma_wait3A_67 = arith.constant 0 : i32
    %dma_wait3A_68 = tpu.memref_slice %arg2[%dma_wait3A_66, %dma_wait3A_67] : memref<10000x128xf32, #tpu.memory_space<hbm>> -> memref<10000x128xf32, #tpu.memory_space<hbm>>
    tpu.wait_indirect_dma semaphore(%arg13 : memref<!tpu.dma_semaphore, #tpu.memory_space<semaphore_mem>>) src(%dma_wait3A_68 : memref<10000x128xf32, #tpu.memory_space<hbm>>) dst(%arg9 : memref<80x128xf32, #tpu.memory_space<vmem>>)
    %run_scoped3A = arith.constant 123 : i32
    "tpu.region"() ({
      %run_scoped3A_90 = tpu.sem_alloc : memref<!tpu.dma_semaphore, #tpu.memory_space<semaphore_mem>>
      %dma_start3A_91 = arith.constant 0 : i32
      %dma_start3A_92 = tpu.memref_slice %arg8[%run_scoped3A, %dma_start3A_91] : memref<125x80xi32, #tpu.memory_space<vmem>> -> memref<1x80xi32, #tpu.memory_space<vmem>>
      %dma_start3A_93 = tpu.memref_squeeze %dma_start3A_92 : memref<1x80xi32, #tpu.memory_space<vmem>> -> memref<80xi32, #tpu.memory_space<vmem>>
      %dma_start3A_94 = arith.constant 0 : i32
      %dma_start3A_95 = arith.constant 0 : i32
      %dma_start3A_96 = tpu.memref_slice %arg6[%dma_start3A_94, %dma_start3A_95] : memref<10000x128xf32, #tpu.memory_space<vmem_shared>> -> memref<10000x128xf32, #tpu.memory_space<vmem_shared>>
      tpu.enqueue_indirect_dma source(%arg9 : memref<80x128xf32, #tpu.memory_space<vmem>>) target(%dma_start3A_96 : memref<10000x128xf32, #tpu.memory_space<vmem_shared>>) offsets(%dma_start3A_93 : memref<80xi32, #tpu.memory_space<vmem>>) semaphore(%run_scoped3A_90 : memref<!tpu.dma_semaphore, #tpu.memory_space<semaphore_mem>>) {add = true}
      %dma_wait3A_97 = arith.constant 0 : i32
      %dma_wait3A_98 = tpu.memref_slice %arg8[%run_scoped3A, %dma_wait3A_97] : memref<125x80xi32, #tpu.memory_space<vmem>> -> memref<1x80xi32, #tpu.memory_space<vmem>>
      %dma_wait3A_99 = tpu.memref_squeeze %dma_wait3A_98 : memref<1x80xi32, #tpu.memory_space<vmem>> -> memref<80xi32, #tpu.memory_space<vmem>>
      %dma_wait3A_100 = arith.constant 0 : i32
      %dma_wait3A_101 = arith.constant 0 : i32
      %dma_wait3A_102 = tpu.memref_slice %arg6[%dma_wait3A_100, %dma_wait3A_101] : memref<10000x128xf32, #tpu.memory_space<vmem_shared>> -> memref<10000x128xf32, #tpu.memory_space<vmem_shared>>
      tpu.wait_indirect_dma semaphore(%run_scoped3A_90 : memref<!tpu.dma_semaphore, #tpu.memory_space<semaphore_mem>>) src(%arg9 : memref<80x128xf32, #tpu.memory_space<vmem>>) dst(%dma_wait3A_102 : memref<10000x128xf32, #tpu.memory_space<vmem_shared>>)
      tpu.yield
    }) : () -> ()
    %dma_wait3A_69 = arith.constant 0 : i32
    %dma_wait3A_70 = arith.constant 9920 : i32
    %dma_wait3A_71 = tpu.memref_slice %arg7[%dma_wait3A_69, %dma_wait3A_70] : memref<1x10000xi32, #tpu.memory_space<vmem>> -> memref<1x80xi32, #tpu.memory_space<vmem>>
    %dma_wait3A_72 = tpu.memref_squeeze %dma_wait3A_71 : memref<1x80xi32, #tpu.memory_space<vmem>> -> memref<80xi32, #tpu.memory_space<vmem>>
    %dma_wait3A_73 = arith.constant 0 : i32
    %dma_wait3A_74 = arith.constant 0 : i32
    %dma_wait3A_75 = tpu.memref_slice %arg2[%dma_wait3A_73, %dma_wait3A_74] : memref<10000x128xf32, #tpu.memory_space<hbm>> -> memref<10000x128xf32, #tpu.memory_space<hbm>>
    tpu.wait_indirect_dma semaphore(%arg14 : memref<!tpu.dma_semaphore, #tpu.memory_space<semaphore_mem>>) src(%dma_wait3A_75 : memref<10000x128xf32, #tpu.memory_space<hbm>>) dst(%arg10 : memref<80x128xf32, #tpu.memory_space<vmem>>)
    %run_scoped3A_76 = arith.constant 124 : i32
    "tpu.region"() ({
      %run_scoped3A_90 = tpu.sem_alloc : memref<!tpu.dma_semaphore, #tpu.memory_space<semaphore_mem>>
      %dma_start3A_91 = arith.constant 0 : i32
      %dma_start3A_92 = tpu.memref_slice %arg8[%run_scoped3A_76, %dma_start3A_91] : memref<125x80xi32, #tpu.memory_space<vmem>> -> memref<1x80xi32, #tpu.memory_space<vmem>>
      %dma_start3A_93 = tpu.memref_squeeze %dma_start3A_92 : memref<1x80xi32, #tpu.memory_space<vmem>> -> memref<80xi32, #tpu.memory_space<vmem>>
      %dma_start3A_94 = arith.constant 0 : i32
      %dma_start3A_95 = arith.constant 0 : i32
      %dma_start3A_96 = tpu.memref_slice %arg6[%dma_start3A_94, %dma_start3A_95] : memref<10000x128xf32, #tpu.memory_space<vmem_shared>> -> memref<10000x128xf32, #tpu.memory_space<vmem_shared>>
      tpu.enqueue_indirect_dma source(%arg10 : memref<80x128xf32, #tpu.memory_space<vmem>>) target(%dma_start3A_96 : memref<10000x128xf32, #tpu.memory_space<vmem_shared>>) offsets(%dma_start3A_93 : memref<80xi32, #tpu.memory_space<vmem>>) semaphore(%run_scoped3A_90 : memref<!tpu.dma_semaphore, #tpu.memory_space<semaphore_mem>>) {add = true}
      %dma_wait3A_97 = arith.constant 0 : i32
      %dma_wait3A_98 = tpu.memref_slice %arg8[%run_scoped3A_76, %dma_wait3A_97] : memref<125x80xi32, #tpu.memory_space<vmem>> -> memref<1x80xi32, #tpu.memory_space<vmem>>
      %dma_wait3A_99 = tpu.memref_squeeze %dma_wait3A_98 : memref<1x80xi32, #tpu.memory_space<vmem>> -> memref<80xi32, #tpu.memory_space<vmem>>
      %dma_wait3A_100 = arith.constant 0 : i32
      %dma_wait3A_101 = arith.constant 0 : i32
      %dma_wait3A_102 = tpu.memref_slice %arg6[%dma_wait3A_100, %dma_wait3A_101] : memref<10000x128xf32, #tpu.memory_space<vmem_shared>> -> memref<10000x128xf32, #tpu.memory_space<vmem_shared>>
      tpu.wait_indirect_dma semaphore(%run_scoped3A_90 : memref<!tpu.dma_semaphore, #tpu.memory_space<semaphore_mem>>) src(%arg10 : memref<80x128xf32, #tpu.memory_space<vmem>>) dst(%dma_wait3A_102 : memref<10000x128xf32, #tpu.memory_space<vmem_shared>>)
      tpu.yield
    }) : () -> ()
    %barrier3A_77 = arith.constant 0 : index
    tpu.barrier barrier_id(%barrier3A_77)
    %mul3A_78 = arith.constant 624 : i32
    %mul3A_79 = arith.muli %arg1, %mul3A_78 : i32
    %mul3A_80 = arith.constant 10000 : i32
    %mul3A_81 = arith.muli %arg0, %mul3A_80 : i32
    %mul3A_82 = arith.constant 624 : i32
    %mul3A_83 = arith.muli %arg1, %mul3A_82 : i32
    %add3A_84 = arith.addi %mul3A_81, %mul3A_83 : i32
    "tpu.region"() ({
      %run_scoped3A_90 = tpu.sem_alloc : memref<!tpu.dma_semaphore, #tpu.memory_space<semaphore_mem>>
      %dma_start3A_91 = arith.constant 0 : i32
      %dma_start3A_92 = tpu.memref_slice %arg5[%add3A_84, %dma_start3A_91] : memref<20000x128xf32, #tpu.memory_space<hbm>> -> memref<624x128xf32, #tpu.memory_space<hbm>>
      %dma_start3A_93 = arith.constant 0 : i32
      %dma_start3A_94 = tpu.memref_slice %arg6[%mul3A_79, %dma_start3A_93] : memref<10000x128xf32, #tpu.memory_space<vmem_shared>> -> memref<624x128xf32, #tpu.memory_space<vmem_shared>>
      tpu.enqueue_dma source(%dma_start3A_94 : memref<624x128xf32, #tpu.memory_space<vmem_shared>>) target(%dma_start3A_92 : memref<624x128xf32, #tpu.memory_space<hbm>>) target_semaphore(%run_scoped3A_90 : memref<!tpu.dma_semaphore, #tpu.memory_space<semaphore_mem>>)
      %dma_wait3A_95 = arith.constant 0 : i32
      %dma_wait3A_96 = tpu.memref_slice %arg5[%add3A_84, %dma_wait3A_95] : memref<20000x128xf32, #tpu.memory_space<hbm>> -> memref<624x128xf32, #tpu.memory_space<hbm>>
      %dma_wait3A_97 = arith.constant 0 : i32
      %dma_wait3A_98 = tpu.memref_slice %arg6[%mul3A_79, %dma_wait3A_97] : memref<10000x128xf32, #tpu.memory_space<vmem_shared>> -> memref<624x128xf32, #tpu.memory_space<vmem_shared>>
      tpu.wait_dma2 semaphore(%run_scoped3A_90 : memref<!tpu.dma_semaphore, #tpu.memory_space<semaphore_mem>>) src(%dma_wait3A_98 : memref<624x128xf32, #tpu.memory_space<vmem_shared>>) dst(%dma_wait3A_96 : memref<624x128xf32, #tpu.memory_space<hbm>>)
      tpu.yield
    }) : () -> ()
    %eq3A_85 = arith.constant 15 : i32
    %eq3A_86 = arith.cmpi eq, %arg1, %eq3A_85 : i32
    %convert_element_type3A_87 = arith.extui %eq3A_86 : i1 to i32
    %cond3A_88 = arith.constant 0 : i32
    %cond3A_89 = arith.cmpi ne, %convert_element_type3A_87, %cond3A_88 : i32
    scf.if %cond3A_89 {
      %mul3A_90 = arith.constant 10000 : i32
      %mul3A_91 = arith.muli %arg0, %mul3A_90 : i32
      %add3A_92 = arith.constant 9984 : i32
      %add3A_93 = arith.addi %mul3A_91, %add3A_92 : i32
      "tpu.region"() ({
        %run_scoped3A_94 = tpu.sem_alloc : memref<!tpu.dma_semaphore, #tpu.memory_space<semaphore_mem>>
        %dma_start3A_95 = arith.constant 0 : i32
        %dma_start3A_96 = tpu.memref_slice %arg5[%add3A_93, %dma_start3A_95] : memref<20000x128xf32, #tpu.memory_space<hbm>> -> memref<16x128xf32, #tpu.memory_space<hbm>>
        %dma_start3A_97 = arith.constant 9984 : i32
        %dma_start3A_98 = arith.constant 0 : i32
        %dma_start3A_99 = tpu.memref_slice %arg6[%dma_start3A_97, %dma_start3A_98] : memref<10000x128xf32, #tpu.memory_space<vmem_shared>> -> memref<16x128xf32, #tpu.memory_space<vmem_shared>>
        tpu.enqueue_dma source(%dma_start3A_99 : memref<16x128xf32, #tpu.memory_space<vmem_shared>>) target(%dma_start3A_96 : memref<16x128xf32, #tpu.memory_space<hbm>>) target_semaphore(%run_scoped3A_94 : memref<!tpu.dma_semaphore, #tpu.memory_space<semaphore_mem>>)
        %dma_wait3A_100 = arith.constant 0 : i32
        %dma_wait3A_101 = tpu.memref_slice %arg5[%add3A_93, %dma_wait3A_100] : memref<20000x128xf32, #tpu.memory_space<hbm>> -> memref<16x128xf32, #tpu.memory_space<hbm>>
        %dma_wait3A_102 = arith.constant 9984 : i32
        %dma_wait3A_103 = arith.constant 0 : i32
        %dma_wait3A_104 = tpu.memref_slice %arg6[%dma_wait3A_102, %dma_wait3A_103] : memref<10000x128xf32, #tpu.memory_space<vmem_shared>> -> memref<16x128xf32, #tpu.memory_space<vmem_shared>>
        tpu.wait_dma2 semaphore(%run_scoped3A_94 : memref<!tpu.dma_semaphore, #tpu.memory_space<semaphore_mem>>) src(%dma_wait3A_104 : memref<16x128xf32, #tpu.memory_space<vmem_shared>>) dst(%dma_wait3A_101 : memref<16x128xf32, #tpu.memory_space<hbm>>)
        tpu.yield
      }) : () -> ()
    } else {
    }
    return
  }
}

#map = affine_map<(d0, d1) -> (0, 0)>
#map1 = affine_map<(d0, d1) -> (0, 0, 0)>
module attributes {stable_mosaic.version = 14 : i64} {
  func.func @agg_kernel(%arg0: i32, %arg1: i32, %arg2: memref<10000x128xf32, #tpu.memory_space<hbm>>, %arg3: memref<32x1x10000xi32, #tpu.memory_space<hbm>>, %arg4: memref<32x125x80xi32, #tpu.memory_space<hbm>>, %arg5: memref<20000x128xf32, #tpu.memory_space<hbm>>, %arg6: memref<10000x128xf32, #tpu.memory_space<vmem_shared>>, %arg7: memref<1x10000xi32, #tpu.memory_space<vmem>>, %arg8: memref<125x80xi32, #tpu.memory_space<vmem>>, %arg9: memref<80x128xf32, #tpu.memory_space<vmem>>, %arg10: memref<80x128xf32, #tpu.memory_space<vmem>>, %arg11: memref<80x128xf32, #tpu.memory_space<vmem>>, %arg12: memref<!tpu.dma_semaphore, #tpu.memory_space<semaphore_mem>>, %arg13: memref<!tpu.dma_semaphore, #tpu.memory_space<semaphore_mem>>, %arg14: memref<!tpu.dma_semaphore, #tpu.memory_space<semaphore_mem>>, %arg15: memref<!tpu.dma_semaphore, #tpu.memory_space<semaphore_mem>>) attributes {dimension_semantics = [#tpu.dimension_semantics<core_parallel>, #tpu.dimension_semantics<subcore_parallel>], iteration_bounds = array<i64: 2, 16>, scalar_prefetch = 0 : i64, scratch_operands = 10 : i64, tpu.core_type = #tpu.core_type<sc_vector_subcore>, window_params = [{transform_indices = #map}, {transform_indices = #map1}, {transform_indices = #map1}, {transform_indices = #map}]} {
    %mul3A = arith.constant 16 : i32
    %mul3A_0 = arith.muli %arg0, %mul3A : i32
    %add3A = arith.addi %mul3A_0, %arg1 : i32
    %broadcast_in_dim3A = arith.constant 0.000000e+00 : f32
    %broadcast_in_dim3A_1 = vector.broadcast %broadcast_in_dim3A : f32 to vector<16xf32>
    %dma_start3A = arith.constant 0 : i32
    %dma_start3A_2 = arith.constant 0 : i32
    %dma_start3A_3 = tpu.memref_slice %arg3[%add3A, %dma_start3A, %dma_start3A_2] : memref<32x1x10000xi32, #tpu.memory_space<hbm>> -> memref<1x1x10000xi32, #tpu.memory_space<hbm>>
    %dma_start3A_4 = tpu.memref_squeeze %dma_start3A_3 : memref<1x1x10000xi32, #tpu.memory_space<hbm>> -> memref<1x10000xi32, #tpu.memory_space<hbm>>
    %dma_start3A_5 = arith.constant 0 : i32
    %dma_start3A_6 = arith.constant 0 : i32
    %dma_start3A_7 = tpu.memref_slice %arg3[%add3A, %dma_start3A_5, %dma_start3A_6] : memref<32x1x10000xi32, #tpu.memory_space<hbm>> -> memref<1x1x10000xi32, #tpu.memory_space<hbm>>
    %dma_start3A_8 = tpu.memref_squeeze %dma_start3A_7 : memref<1x1x10000xi32, #tpu.memory_space<hbm>> -> memref<1x10000xi32, #tpu.memory_space<hbm>>
    tpu.enqueue_dma source(%dma_start3A_8 : memref<1x10000xi32, #tpu.memory_space<hbm>>) target(%arg7 : memref<1x10000xi32, #tpu.memory_space<vmem>>) target_semaphore(%arg12 : memref<!tpu.dma_semaphore, #tpu.memory_space<semaphore_mem>>)
    %dma_start3A_9 = arith.constant 0 : i32
    %dma_start3A_10 = arith.constant 0 : i32
    %dma_start3A_11 = tpu.memref_slice %arg4[%add3A, %dma_start3A_9, %dma_start3A_10] : memref<32x125x80xi32, #tpu.memory_space<hbm>> -> memref<1x125x80xi32, #tpu.memory_space<hbm>>
    %dma_start3A_12 = tpu.memref_squeeze %dma_start3A_11 : memref<1x125x80xi32, #tpu.memory_space<hbm>> -> memref<125x80xi32, #tpu.memory_space<hbm>>
    %dma_start3A_13 = arith.constant 0 : i32
    %dma_start3A_14 = arith.constant 0 : i32
    %dma_start3A_15 = tpu.memref_slice %arg4[%add3A, %dma_start3A_13, %dma_start3A_14] : memref<32x125x80xi32, #tpu.memory_space<hbm>> -> memref<1x125x80xi32, #tpu.memory_space<hbm>>
    %dma_start3A_16 = tpu.memref_squeeze %dma_start3A_15 : memref<1x125x80xi32, #tpu.memory_space<hbm>> -> memref<125x80xi32, #tpu.memory_space<hbm>>
    tpu.enqueue_dma source(%dma_start3A_16 : memref<125x80xi32, #tpu.memory_space<hbm>>) target(%arg8 : memref<125x80xi32, #tpu.memory_space<vmem>>) target_semaphore(%arg12 : memref<!tpu.dma_semaphore, #tpu.memory_space<semaphore_mem>>)
    %scan3A = arith.constant 0 : i32
    %scan3A_17 = arith.constant 48 : i32
    %scan3A_18 = arith.addi %scan3A, %scan3A_17 : i32
    %scan3A_19 = arith.constant 1 : i32
    scf.for %scan3A_90 = %scan3A to %scan3A_18 step %scan3A_19  : i32 {
      %mul3A_91 = arith.constant 1 : i32
      %mul3A_92 = arith.muli %scan3A_90, %mul3A_91 : i32
      %add3A_93 = arith.constant 0 : i32
      %add3A_94 = arith.addi %add3A_93, %mul3A_92 : i32
      %scan3A_95 = arith.constant 0 : i32
      %scan3A_96 = arith.constant 8 : i32
      %scan3A_97 = arith.addi %scan3A_95, %scan3A_96 : i32
      %scan3A_98 = arith.constant 1 : i32
      scf.for %scan3A_100 = %scan3A_95 to %scan3A_97 step %scan3A_98  : i32 {
        %mul3A_101 = arith.constant 16 : i32
        %mul3A_102 = arith.muli %scan3A_100, %mul3A_101 : i32
        %add3A_103 = arith.constant 0 : i32
        %add3A_104 = arith.addi %add3A_103, %mul3A_102 : i32
        %swap3A = arith.index_cast %add3A_94 : i32 to index
        %swap3A_105 = arith.index_cast %add3A_104 : i32 to index
        %swap3A_106 = tpu.vector_load %arg9[%swap3A, %swap3A_105] {strides = array<i32>} : memref<80x128xf32, #tpu.memory_space<vmem>>, vector<1x16xf32>,
        %swap3A_107 = vector.shape_cast %swap3A_106 : vector<1x16xf32> to vector<16xf32>
        %swap3A_108 = vector.shape_cast %broadcast_in_dim3A_1 : vector<16xf32> to vector<1x16xf32>
        tpu.vector_store %arg9[%swap3A, %swap3A_105], %swap3A_108 {strides = array<i32>} : memref<80x128xf32, #tpu.memory_space<vmem>>, vector<1x16xf32>,
      }
      %scan3A_99 = arith.constant 8 : i32
    }
    %scan3A_20 = arith.constant 48 : i32
    %scan3A_21 = arith.constant 0 : i32
    %scan3A_22 = arith.constant 13 : i32
    %scan3A_23 = arith.addi %scan3A_21, %scan3A_22 : i32
    %scan3A_24 = arith.constant 1 : i32
    scf.for %scan3A_90 = %scan3A_21 to %scan3A_23 step %scan3A_24  : i32 {
      %mul3A_91 = arith.constant 1 : i32
      %mul3A_92 = arith.muli %scan3A_90, %mul3A_91 : i32
      %add3A_93 = arith.constant 0 : i32
      %add3A_94 = arith.addi %add3A_93, %mul3A_92 : i32
      %mul3A_95 = arith.constant 624 : i32
      %mul3A_96 = arith.muli %arg1, %mul3A_95 : i32
      %mul3A_97 = arith.constant 48 : i32
      %mul3A_98 = arith.muli %add3A_94, %mul3A_97 : i32
      %add3A_99 = arith.addi %mul3A_96, %mul3A_98 : i32
      "tpu.region"() ({
        %run_scoped3A_100 = tpu.sem_alloc : memref<!tpu.dma_semaphore, #tpu.memory_space<semaphore_mem>>
        %dma_start3A_101 = arith.constant 0 : i32
        %dma_start3A_102 = arith.constant 0 : i32
        %dma_start3A_103 = tpu.memref_slice %arg9[%dma_start3A_101, %dma_start3A_102] : memref<80x128xf32, #tpu.memory_space<vmem>> -> memref<48x128xf32, #tpu.memory_space<vmem>>
        %dma_start3A_104 = arith.constant 0 : i32
        %dma_start3A_105 = tpu.memref_slice %arg6[%add3A_99, %dma_start3A_104] : memref<10000x128xf32, #tpu.memory_space<vmem_shared>> -> memref<48x128xf32, #tpu.memory_space<vmem_shared>>
        %dma_start3A_106 = arith.constant 0 : i32
        %dma_start3A_107 = tpu.memref_slice %arg6[%add3A_99, %dma_start3A_106] : memref<10000x128xf32, #tpu.memory_space<vmem_shared>> -> memref<48x128xf32, #tpu.memory_space<vmem_shared>>
        %dma_start3A_108 = arith.constant 0 : i32
        %dma_start3A_109 = arith.constant 0 : i32
        %dma_start3A_110 = tpu.memref_slice %arg9[%dma_start3A_108, %dma_start3A_109] : memref<80x128xf32, #tpu.memory_space<vmem>> -> memref<48x128xf32, #tpu.memory_space<vmem>>
        tpu.enqueue_dma source(%dma_start3A_110 : memref<48x128xf32, #tpu.memory_space<vmem>>) target(%dma_start3A_107 : memref<48x128xf32, #tpu.memory_space<vmem_shared>>) target_semaphore(%run_scoped3A_100 : memref<!tpu.dma_semaphore, #tpu.memory_space<semaphore_mem>>)
        %dma_wait3A_111 = arith.constant 0 : i32
        %dma_wait3A_112 = arith.constant 0 : i32
        %dma_wait3A_113 = tpu.memref_slice %arg9[%dma_wait3A_111, %dma_wait3A_112] : memref<80x128xf32, #tpu.memory_space<vmem>> -> memref<48x128xf32, #tpu.memory_space<vmem>>
        %dma_wait3A_114 = arith.constant 0 : i32
        %dma_wait3A_115 = tpu.memref_slice %arg6[%add3A_99, %dma_wait3A_114] : memref<10000x128xf32, #tpu.memory_space<vmem_shared>> -> memref<48x128xf32, #tpu.memory_space<vmem_shared>>
        %dma_wait3A_116 = arith.constant 0 : i32
        %dma_wait3A_117 = tpu.memref_slice %arg6[%add3A_99, %dma_wait3A_116] : memref<10000x128xf32, #tpu.memory_space<vmem_shared>> -> memref<48x128xf32, #tpu.memory_space<vmem_shared>>
        %dma_wait3A_118 = arith.constant 0 : i32
        %dma_wait3A_119 = arith.constant 0 : i32
        %dma_wait3A_120 = tpu.memref_slice %arg9[%dma_wait3A_118, %dma_wait3A_119] : memref<80x128xf32, #tpu.memory_space<vmem>> -> memref<48x128xf32, #tpu.memory_space<vmem>>
        tpu.wait_dma2 semaphore(%run_scoped3A_100 : memref<!tpu.dma_semaphore, #tpu.memory_space<semaphore_mem>>) src(%dma_wait3A_120 : memref<48x128xf32, #tpu.memory_space<vmem>>) dst(%dma_wait3A_117 : memref<48x128xf32, #tpu.memory_space<vmem_shared>>)
        tpu.yield
      }) : () -> ()
    }
    %scan3A_25 = arith.constant 13 : i32
    %eq3A = arith.constant 15 : i32
    %eq3A_26 = arith.cmpi eq, %arg1, %eq3A : i32
    %convert_element_type3A = arith.extui %eq3A_26 : i1 to i32
    %cond3A = arith.constant 0 : i32
    %cond3A_27 = arith.cmpi ne, %convert_element_type3A, %cond3A : i32
    scf.if %cond3A_27 {
      "tpu.region"() ({
        %run_scoped3A_90 = tpu.sem_alloc : memref<!tpu.dma_semaphore, #tpu.memory_space<semaphore_mem>>
        %dma_start3A_91 = arith.constant 0 : i32
        %dma_start3A_92 = arith.constant 0 : i32
        %dma_start3A_93 = tpu.memref_slice %arg9[%dma_start3A_91, %dma_start3A_92] : memref<80x128xf32, #tpu.memory_space<vmem>> -> memref<16x128xf32, #tpu.memory_space<vmem>>
        %dma_start3A_94 = arith.constant 9984 : i32
        %dma_start3A_95 = arith.constant 0 : i32
        %dma_start3A_96 = tpu.memref_slice %arg6[%dma_start3A_94, %dma_start3A_95] : memref<10000x128xf32, #tpu.memory_space<vmem_shared>> -> memref<16x128xf32, #tpu.memory_space<vmem_shared>>
        %dma_start3A_97 = arith.constant 9984 : i32
        %dma_start3A_98 = arith.constant 0 : i32
        %dma_start3A_99 = tpu.memref_slice %arg6[%dma_start3A_97, %dma_start3A_98] : memref<10000x128xf32, #tpu.memory_space<vmem_shared>> -> memref<16x128xf32, #tpu.memory_space<vmem_shared>>
        %dma_start3A_100 = arith.constant 0 : i32
        %dma_start3A_101 = arith.constant 0 : i32
        %dma_start3A_102 = tpu.memref_slice %arg9[%dma_start3A_100, %dma_start3A_101] : memref<80x128xf32, #tpu.memory_space<vmem>> -> memref<16x128xf32, #tpu.memory_space<vmem>>
        tpu.enqueue_dma source(%dma_start3A_102 : memref<16x128xf32, #tpu.memory_space<vmem>>) target(%dma_start3A_99 : memref<16x128xf32, #tpu.memory_space<vmem_shared>>) target_semaphore(%run_scoped3A_90 : memref<!tpu.dma_semaphore, #tpu.memory_space<semaphore_mem>>)
        %dma_wait3A_103 = arith.constant 0 : i32
        %dma_wait3A_104 = arith.constant 0 : i32
        %dma_wait3A_105 = tpu.memref_slice %arg9[%dma_wait3A_103, %dma_wait3A_104] : memref<80x128xf32, #tpu.memory_space<vmem>> -> memref<16x128xf32, #tpu.memory_space<vmem>>
        %dma_wait3A_106 = arith.constant 9984 : i32
        %dma_wait3A_107 = arith.constant 0 : i32
        %dma_wait3A_108 = tpu.memref_slice %arg6[%dma_wait3A_106, %dma_wait3A_107] : memref<10000x128xf32, #tpu.memory_space<vmem_shared>> -> memref<16x128xf32, #tpu.memory_space<vmem_shared>>
        %dma_wait3A_109 = arith.constant 9984 : i32
        %dma_wait3A_110 = arith.constant 0 : i32
        %dma_wait3A_111 = tpu.memref_slice %arg6[%dma_wait3A_109, %dma_wait3A_110] : memref<10000x128xf32, #tpu.memory_space<vmem_shared>> -> memref<16x128xf32, #tpu.memory_space<vmem_shared>>
        %dma_wait3A_112 = arith.constant 0 : i32
        %dma_wait3A_113 = arith.constant 0 : i32
        %dma_wait3A_114 = tpu.memref_slice %arg9[%dma_wait3A_112, %dma_wait3A_113] : memref<80x128xf32, #tpu.memory_space<vmem>> -> memref<16x128xf32, #tpu.memory_space<vmem>>
        tpu.wait_dma2 semaphore(%run_scoped3A_90 : memref<!tpu.dma_semaphore, #tpu.memory_space<semaphore_mem>>) src(%dma_wait3A_114 : memref<16x128xf32, #tpu.memory_space<vmem>>) dst(%dma_wait3A_111 : memref<16x128xf32, #tpu.memory_space<vmem_shared>>)
        tpu.yield
      }) : () -> ()
    } else {
    }
    %dma_wait3A = arith.constant 0 : i32
    %dma_wait3A_28 = arith.constant 0 : i32
    %dma_wait3A_29 = tpu.memref_slice %arg3[%add3A, %dma_wait3A, %dma_wait3A_28] : memref<32x1x10000xi32, #tpu.memory_space<hbm>> -> memref<1x1x10000xi32, #tpu.memory_space<hbm>>
    %dma_wait3A_30 = tpu.memref_squeeze %dma_wait3A_29 : memref<1x1x10000xi32, #tpu.memory_space<hbm>> -> memref<1x10000xi32, #tpu.memory_space<hbm>>
    %dma_wait3A_31 = arith.constant 0 : i32
    %dma_wait3A_32 = arith.constant 0 : i32
    %dma_wait3A_33 = tpu.memref_slice %arg3[%add3A, %dma_wait3A_31, %dma_wait3A_32] : memref<32x1x10000xi32, #tpu.memory_space<hbm>> -> memref<1x1x10000xi32, #tpu.memory_space<hbm>>
    %dma_wait3A_34 = tpu.memref_squeeze %dma_wait3A_33 : memref<1x1x10000xi32, #tpu.memory_space<hbm>> -> memref<1x10000xi32, #tpu.memory_space<hbm>>
    tpu.wait_dma2 semaphore(%arg12 : memref<!tpu.dma_semaphore, #tpu.memory_space<semaphore_mem>>) src(%dma_wait3A_34 : memref<1x10000xi32, #tpu.memory_space<hbm>>) dst(%arg7 : memref<1x10000xi32, #tpu.memory_space<vmem>>)
    %dma_wait3A_35 = arith.constant 0 : i32
    %dma_wait3A_36 = arith.constant 0 : i32
    %dma_wait3A_37 = tpu.memref_slice %arg4[%add3A, %dma_wait3A_35, %dma_wait3A_36] : memref<32x125x80xi32, #tpu.memory_space<hbm>> -> memref<1x125x80xi32, #tpu.memory_space<hbm>>
    %dma_wait3A_38 = tpu.memref_squeeze %dma_wait3A_37 : memref<1x125x80xi32, #tpu.memory_space<hbm>> -> memref<125x80xi32, #tpu.memory_space<hbm>>
    %dma_wait3A_39 = arith.constant 0 : i32
    %dma_wait3A_40 = arith.constant 0 : i32
    %dma_wait3A_41 = tpu.memref_slice %arg4[%add3A, %dma_wait3A_39, %dma_wait3A_40] : memref<32x125x80xi32, #tpu.memory_space<hbm>> -> memref<1x125x80xi32, #tpu.memory_space<hbm>>
    %dma_wait3A_42 = tpu.memref_squeeze %dma_wait3A_41 : memref<1x125x80xi32, #tpu.memory_space<hbm>> -> memref<125x80xi32, #tpu.memory_space<hbm>>
    tpu.wait_dma2 semaphore(%arg12 : memref<!tpu.dma_semaphore, #tpu.memory_space<semaphore_mem>>) src(%dma_wait3A_42 : memref<125x80xi32, #tpu.memory_space<hbm>>) dst(%arg8 : memref<125x80xi32, #tpu.memory_space<vmem>>)
    %dma_start3A_43 = arith.constant 0 : i32
    %dma_start3A_44 = arith.constant 0 : i32
    %dma_start3A_45 = tpu.memref_slice %arg7[%dma_start3A_43, %dma_start3A_44] : memref<1x10000xi32, #tpu.memory_space<vmem>> -> memref<1x80xi32, #tpu.memory_space<vmem>>
    %dma_start3A_46 = tpu.memref_squeeze %dma_start3A_45 : memref<1x80xi32, #tpu.memory_space<vmem>> -> memref<80xi32, #tpu.memory_space<vmem>>
    %dma_start3A_47 = arith.constant 0 : i32
    %dma_start3A_48 = arith.constant 0 : i32
    %dma_start3A_49 = tpu.memref_slice %arg2[%dma_start3A_47, %dma_start3A_48] : memref<10000x128xf32, #tpu.memory_space<hbm>> -> memref<10000x128xf32, #tpu.memory_space<hbm>>
    tpu.enqueue_indirect_dma source(%dma_start3A_49 : memref<10000x128xf32, #tpu.memory_space<hbm>>) target(%arg9 : memref<80x128xf32, #tpu.memory_space<vmem>>) offsets(%dma_start3A_46 : memref<80xi32, #tpu.memory_space<vmem>>) semaphore(%arg13 : memref<!tpu.dma_semaphore, #tpu.memory_space<semaphore_mem>>)
    %dma_start3A_50 = arith.constant 0 : i32
    %dma_start3A_51 = arith.constant 80 : i32
    %dma_start3A_52 = tpu.memref_slice %arg7[%dma_start3A_50, %dma_start3A_51] : memref<1x10000xi32, #tpu.memory_space<vmem>> -> memref<1x80xi32, #tpu.memory_space<vmem>>
    %dma_start3A_53 = tpu.memref_squeeze %dma_start3A_52 : memref<1x80xi32, #tpu.memory_space<vmem>> -> memref<80xi32, #tpu.memory_space<vmem>>
    %dma_start3A_54 = arith.constant 0 : i32
    %dma_start3A_55 = arith.constant 0 : i32
    %dma_start3A_56 = tpu.memref_slice %arg2[%dma_start3A_54, %dma_start3A_55] : memref<10000x128xf32, #tpu.memory_space<hbm>> -> memref<10000x128xf32, #tpu.memory_space<hbm>>
    tpu.enqueue_indirect_dma source(%dma_start3A_56 : memref<10000x128xf32, #tpu.memory_space<hbm>>) target(%arg10 : memref<80x128xf32, #tpu.memory_space<vmem>>) offsets(%dma_start3A_53 : memref<80xi32, #tpu.memory_space<vmem>>) semaphore(%arg14 : memref<!tpu.dma_semaphore, #tpu.memory_space<semaphore_mem>>)
    %barrier3A = arith.constant 0 : index
    tpu.barrier barrier_id(%barrier3A)
    %scan3A_57 = arith.constant 0 : i32
    %scan3A_58 = arith.constant 41 : i32
    %scan3A_59 = arith.addi %scan3A_57, %scan3A_58 : i32
    %scan3A_60 = arith.constant 1 : i32
    scf.for %scan3A_90 = %scan3A_57 to %scan3A_59 step %scan3A_60  : i32 {
      %mul3A_91 = arith.constant 1 : i32
      %mul3A_92 = arith.muli %scan3A_90, %mul3A_91 : i32
      %add3A_93 = arith.constant 0 : i32
      %add3A_94 = arith.addi %add3A_93, %mul3A_92 : i32
      %mul3A_95 = arith.constant 3 : i32
      %mul3A_96 = arith.muli %mul3A_95, %add3A_94 : i32
      %mul3A_97 = arith.constant 80 : i32
      %mul3A_98 = arith.muli %mul3A_96, %mul3A_97 : i32
      %dma_wait3A_99 = arith.constant 0 : i32
      %dma_wait3A_100 = tpu.memref_slice %arg7[%dma_wait3A_99, %mul3A_98] : memref<1x10000xi32, #tpu.memory_space<vmem>> -> memref<1x80xi32, #tpu.memory_space<vmem>>
      %dma_wait3A_101 = tpu.memref_squeeze %dma_wait3A_100 : memref<1x80xi32, #tpu.memory_space<vmem>> -> memref<80xi32, #tpu.memory_space<vmem>>
      %dma_wait3A_102 = arith.constant 0 : i32
      %dma_wait3A_103 = arith.constant 0 : i32
      %dma_wait3A_104 = tpu.memref_slice %arg2[%dma_wait3A_102, %dma_wait3A_103] : memref<10000x128xf32, #tpu.memory_space<hbm>> -> memref<10000x128xf32, #tpu.memory_space<hbm>>
      tpu.wait_indirect_dma semaphore(%arg13 : memref<!tpu.dma_semaphore, #tpu.memory_space<semaphore_mem>>) src(%dma_wait3A_104 : memref<10000x128xf32, #tpu.memory_space<hbm>>) dst(%arg9 : memref<80x128xf32, #tpu.memory_space<vmem>>)
      %add3A_105 = arith.constant 2 : i32
      %add3A_106 = arith.addi %mul3A_96, %add3A_105 : i32
      %mul3A_107 = arith.constant 80 : i32
      %mul3A_108 = arith.muli %add3A_106, %mul3A_107 : i32
      %dma_start3A_109 = arith.constant 0 : i32
      %dma_start3A_110 = tpu.memref_slice %arg7[%dma_start3A_109, %mul3A_108] : memref<1x10000xi32, #tpu.memory_space<vmem>> -> memref<1x80xi32, #tpu.memory_space<vmem>>
      %dma_start3A_111 = tpu.memref_squeeze %dma_start3A_110 : memref<1x80xi32, #tpu.memory_space<vmem>> -> memref<80xi32, #tpu.memory_space<vmem>>
      %dma_start3A_112 = arith.constant 0 : i32
      %dma_start3A_113 = arith.constant 0 : i32
      %dma_start3A_114 = tpu.memref_slice %arg2[%dma_start3A_112, %dma_start3A_113] : memref<10000x128xf32, #tpu.memory_space<hbm>> -> memref<10000x128xf32, #tpu.memory_space<hbm>>
      tpu.enqueue_indirect_dma source(%dma_start3A_114 : memref<10000x128xf32, #tpu.memory_space<hbm>>) target(%arg11 : memref<80x128xf32, #tpu.memory_space<vmem>>) offsets(%dma_start3A_111 : memref<80xi32, #tpu.memory_space<vmem>>) semaphore(%arg15 : memref<!tpu.dma_semaphore, #tpu.memory_space<semaphore_mem>>)
      "tpu.region"() ({
        %run_scoped3A_159 = tpu.sem_alloc : memref<!tpu.dma_semaphore, #tpu.memory_space<semaphore_mem>>
        %dma_start3A_160 = arith.constant 0 : i32
        %dma_start3A_161 = tpu.memref_slice %arg8[%mul3A_96, %dma_start3A_160] : memref<125x80xi32, #tpu.memory_space<vmem>> -> memref<1x80xi32, #tpu.memory_space<vmem>>
        %dma_start3A_162 = tpu.memref_squeeze %dma_start3A_161 : memref<1x80xi32, #tpu.memory_space<vmem>> -> memref<80xi32, #tpu.memory_space<vmem>>
        %dma_start3A_163 = arith.constant 0 : i32
        %dma_start3A_164 = arith.constant 0 : i32
        %dma_start3A_165 = tpu.memref_slice %arg6[%dma_start3A_163, %dma_start3A_164] : memref<10000x128xf32, #tpu.memory_space<vmem_shared>> -> memref<10000x128xf32, #tpu.memory_space<vmem_shared>>
        tpu.enqueue_indirect_dma source(%arg9 : memref<80x128xf32, #tpu.memory_space<vmem>>) target(%dma_start3A_165 : memref<10000x128xf32, #tpu.memory_space<vmem_shared>>) offsets(%dma_start3A_162 : memref<80xi32, #tpu.memory_space<vmem>>) semaphore(%run_scoped3A_159 : memref<!tpu.dma_semaphore, #tpu.memory_space<semaphore_mem>>) {add = true}
        %dma_wait3A_166 = arith.constant 0 : i32
        %dma_wait3A_167 = tpu.memref_slice %arg8[%mul3A_96, %dma_wait3A_166] : memref<125x80xi32, #tpu.memory_space<vmem>> -> memref<1x80xi32, #tpu.memory_space<vmem>>
        %dma_wait3A_168 = tpu.memref_squeeze %dma_wait3A_167 : memref<1x80xi32, #tpu.memory_space<vmem>> -> memref<80xi32, #tpu.memory_space<vmem>>
        %dma_wait3A_169 = arith.constant 0 : i32
        %dma_wait3A_170 = arith.constant 0 : i32
        %dma_wait3A_171 = tpu.memref_slice %arg6[%dma_wait3A_169, %dma_wait3A_170] : memref<10000x128xf32, #tpu.memory_space<vmem_shared>> -> memref<10000x128xf32, #tpu.memory_space<vmem_shared>>
        tpu.wait_indirect_dma semaphore(%run_scoped3A_159 : memref<!tpu.dma_semaphore, #tpu.memory_space<semaphore_mem>>) src(%arg9 : memref<80x128xf32, #tpu.memory_space<vmem>>) dst(%dma_wait3A_171 : memref<10000x128xf32, #tpu.memory_space<vmem_shared>>)
        tpu.yield
      }) : () -> ()
      %add3A_115 = arith.constant 1 : i32
      %add3A_116 = arith.addi %mul3A_96, %add3A_115 : i32
      %mul3A_117 = arith.constant 80 : i32
      %mul3A_118 = arith.muli %add3A_116, %mul3A_117 : i32
      %dma_wait3A_119 = arith.constant 0 : i32
      %dma_wait3A_120 = tpu.memref_slice %arg7[%dma_wait3A_119, %mul3A_118] : memref<1x10000xi32, #tpu.memory_space<vmem>> -> memref<1x80xi32, #tpu.memory_space<vmem>>
      %dma_wait3A_121 = tpu.memref_squeeze %dma_wait3A_120 : memref<1x80xi32, #tpu.memory_space<vmem>> -> memref<80xi32, #tpu.memory_space<vmem>>
      %dma_wait3A_122 = arith.constant 0 : i32
      %dma_wait3A_123 = arith.constant 0 : i32
      %dma_wait3A_124 = tpu.memref_slice %arg2[%dma_wait3A_122, %dma_wait3A_123] : memref<10000x128xf32, #tpu.memory_space<hbm>> -> memref<10000x128xf32, #tpu.memory_space<hbm>>
      tpu.wait_indirect_dma semaphore(%arg14 : memref<!tpu.dma_semaphore, #tpu.memory_space<semaphore_mem>>) src(%dma_wait3A_124 : memref<10000x128xf32, #tpu.memory_space<hbm>>) dst(%arg10 : memref<80x128xf32, #tpu.memory_space<vmem>>)
      %add3A_125 = arith.constant 3 : i32
      %add3A_126 = arith.addi %mul3A_96, %add3A_125 : i32
      %mul3A_127 = arith.constant 80 : i32
      %mul3A_128 = arith.muli %add3A_126, %mul3A_127 : i32
      %dma_start3A_129 = arith.constant 0 : i32
      %dma_start3A_130 = tpu.memref_slice %arg7[%dma_start3A_129, %mul3A_128] : memref<1x10000xi32, #tpu.memory_space<vmem>> -> memref<1x80xi32, #tpu.memory_space<vmem>>
      %dma_start3A_131 = tpu.memref_squeeze %dma_start3A_130 : memref<1x80xi32, #tpu.memory_space<vmem>> -> memref<80xi32, #tpu.memory_space<vmem>>
      %dma_start3A_132 = arith.constant 0 : i32
      %dma_start3A_133 = arith.constant 0 : i32
      %dma_start3A_134 = tpu.memref_slice %arg2[%dma_start3A_132, %dma_start3A_133] : memref<10000x128xf32, #tpu.memory_space<hbm>> -> memref<10000x128xf32, #tpu.memory_space<hbm>>
      tpu.enqueue_indirect_dma source(%dma_start3A_134 : memref<10000x128xf32, #tpu.memory_space<hbm>>) target(%arg9 : memref<80x128xf32, #tpu.memory_space<vmem>>) offsets(%dma_start3A_131 : memref<80xi32, #tpu.memory_space<vmem>>) semaphore(%arg13 : memref<!tpu.dma_semaphore, #tpu.memory_space<semaphore_mem>>)
      %add3A_135 = arith.constant 1 : i32
      %add3A_136 = arith.addi %mul3A_96, %add3A_135 : i32
      "tpu.region"() ({
        %run_scoped3A_159 = tpu.sem_alloc : memref<!tpu.dma_semaphore, #tpu.memory_space<semaphore_mem>>
        %dma_start3A_160 = arith.constant 0 : i32
        %dma_start3A_161 = tpu.memref_slice %arg8[%add3A_136, %dma_start3A_160] : memref<125x80xi32, #tpu.memory_space<vmem>> -> memref<1x80xi32, #tpu.memory_space<vmem>>
        %dma_start3A_162 = tpu.memref_squeeze %dma_start3A_161 : memref<1x80xi32, #tpu.memory_space<vmem>> -> memref<80xi32, #tpu.memory_space<vmem>>
        %dma_start3A_163 = arith.constant 0 : i32
        %dma_start3A_164 = arith.constant 0 : i32
        %dma_start3A_165 = tpu.memref_slice %arg6[%dma_start3A_163, %dma_start3A_164] : memref<10000x128xf32, #tpu.memory_space<vmem_shared>> -> memref<10000x128xf32, #tpu.memory_space<vmem_shared>>
        tpu.enqueue_indirect_dma source(%arg10 : memref<80x128xf32, #tpu.memory_space<vmem>>) target(%dma_start3A_165 : memref<10000x128xf32, #tpu.memory_space<vmem_shared>>) offsets(%dma_start3A_162 : memref<80xi32, #tpu.memory_space<vmem>>) semaphore(%run_scoped3A_159 : memref<!tpu.dma_semaphore, #tpu.memory_space<semaphore_mem>>) {add = true}
        %dma_wait3A_166 = arith.constant 0 : i32
        %dma_wait3A_167 = tpu.memref_slice %arg8[%add3A_136, %dma_wait3A_166] : memref<125x80xi32, #tpu.memory_space<vmem>> -> memref<1x80xi32, #tpu.memory_space<vmem>>
        %dma_wait3A_168 = tpu.memref_squeeze %dma_wait3A_167 : memref<1x80xi32, #tpu.memory_space<vmem>> -> memref<80xi32, #tpu.memory_space<vmem>>
        %dma_wait3A_169 = arith.constant 0 : i32
        %dma_wait3A_170 = arith.constant 0 : i32
        %dma_wait3A_171 = tpu.memref_slice %arg6[%dma_wait3A_169, %dma_wait3A_170] : memref<10000x128xf32, #tpu.memory_space<vmem_shared>> -> memref<10000x128xf32, #tpu.memory_space<vmem_shared>>
        tpu.wait_indirect_dma semaphore(%run_scoped3A_159 : memref<!tpu.dma_semaphore, #tpu.memory_space<semaphore_mem>>) src(%arg10 : memref<80x128xf32, #tpu.memory_space<vmem>>) dst(%dma_wait3A_171 : memref<10000x128xf32, #tpu.memory_space<vmem_shared>>)
        tpu.yield
      }) : () -> ()
      %add3A_137 = arith.constant 2 : i32
      %add3A_138 = arith.addi %mul3A_96, %add3A_137 : i32
      %mul3A_139 = arith.constant 80 : i32
      %mul3A_140 = arith.muli %add3A_138, %mul3A_139 : i32
      %dma_wait3A_141 = arith.constant 0 : i32
      %dma_wait3A_142 = tpu.memref_slice %arg7[%dma_wait3A_141, %mul3A_140] : memref<1x10000xi32, #tpu.memory_space<vmem>> -> memref<1x80xi32, #tpu.memory_space<vmem>>
      %dma_wait3A_143 = tpu.memref_squeeze %dma_wait3A_142 : memref<1x80xi32, #tpu.memory_space<vmem>> -> memref<80xi32, #tpu.memory_space<vmem>>
      %dma_wait3A_144 = arith.constant 0 : i32
      %dma_wait3A_145 = arith.constant 0 : i32
      %dma_wait3A_146 = tpu.memref_slice %arg2[%dma_wait3A_144, %dma_wait3A_145] : memref<10000x128xf32, #tpu.memory_space<hbm>> -> memref<10000x128xf32, #tpu.memory_space<hbm>>
      tpu.wait_indirect_dma semaphore(%arg15 : memref<!tpu.dma_semaphore, #tpu.memory_space<semaphore_mem>>) src(%dma_wait3A_146 : memref<10000x128xf32, #tpu.memory_space<hbm>>) dst(%arg11 : memref<80x128xf32, #tpu.memory_space<vmem>>)
      %add3A_147 = arith.constant 4 : i32
      %add3A_148 = arith.addi %mul3A_96, %add3A_147 : i32
      %mul3A_149 = arith.constant 80 : i32
      %mul3A_150 = arith.muli %add3A_148, %mul3A_149 : i32
      %dma_start3A_151 = arith.constant 0 : i32
      %dma_start3A_152 = tpu.memref_slice %arg7[%dma_start3A_151, %mul3A_150] : memref<1x10000xi32, #tpu.memory_space<vmem>> -> memref<1x80xi32, #tpu.memory_space<vmem>>
      %dma_start3A_153 = tpu.memref_squeeze %dma_start3A_152 : memref<1x80xi32, #tpu.memory_space<vmem>> -> memref<80xi32, #tpu.memory_space<vmem>>
      %dma_start3A_154 = arith.constant 0 : i32
      %dma_start3A_155 = arith.constant 0 : i32
      %dma_start3A_156 = tpu.memref_slice %arg2[%dma_start3A_154, %dma_start3A_155] : memref<10000x128xf32, #tpu.memory_space<hbm>> -> memref<10000x128xf32, #tpu.memory_space<hbm>>
      tpu.enqueue_indirect_dma source(%dma_start3A_156 : memref<10000x128xf32, #tpu.memory_space<hbm>>) target(%arg10 : memref<80x128xf32, #tpu.memory_space<vmem>>) offsets(%dma_start3A_153 : memref<80xi32, #tpu.memory_space<vmem>>) semaphore(%arg14 : memref<!tpu.dma_semaphore, #tpu.memory_space<semaphore_mem>>)
      %add3A_157 = arith.constant 2 : i32
      %add3A_158 = arith.addi %mul3A_96, %add3A_157 : i32
      "tpu.region"() ({
        %run_scoped3A_159 = tpu.sem_alloc : memref<!tpu.dma_semaphore, #tpu.memory_space<semaphore_mem>>
        %dma_start3A_160 = arith.constant 0 : i32
        %dma_start3A_161 = tpu.memref_slice %arg8[%add3A_158, %dma_start3A_160] : memref<125x80xi32, #tpu.memory_space<vmem>> -> memref<1x80xi32, #tpu.memory_space<vmem>>
        %dma_start3A_162 = tpu.memref_squeeze %dma_start3A_161 : memref<1x80xi32, #tpu.memory_space<vmem>> -> memref<80xi32, #tpu.memory_space<vmem>>
        %dma_start3A_163 = arith.constant 0 : i32
        %dma_start3A_164 = arith.constant 0 : i32
        %dma_start3A_165 = tpu.memref_slice %arg6[%dma_start3A_163, %dma_start3A_164] : memref<10000x128xf32, #tpu.memory_space<vmem_shared>> -> memref<10000x128xf32, #tpu.memory_space<vmem_shared>>
        tpu.enqueue_indirect_dma source(%arg11 : memref<80x128xf32, #tpu.memory_space<vmem>>) target(%dma_start3A_165 : memref<10000x128xf32, #tpu.memory_space<vmem_shared>>) offsets(%dma_start3A_162 : memref<80xi32, #tpu.memory_space<vmem>>) semaphore(%run_scoped3A_159 : memref<!tpu.dma_semaphore, #tpu.memory_space<semaphore_mem>>) {add = true}
        %dma_wait3A_166 = arith.constant 0 : i32
        %dma_wait3A_167 = tpu.memref_slice %arg8[%add3A_158, %dma_wait3A_166] : memref<125x80xi32, #tpu.memory_space<vmem>> -> memref<1x80xi32, #tpu.memory_space<vmem>>
        %dma_wait3A_168 = tpu.memref_squeeze %dma_wait3A_167 : memref<1x80xi32, #tpu.memory_space<vmem>> -> memref<80xi32, #tpu.memory_space<vmem>>
        %dma_wait3A_169 = arith.constant 0 : i32
        %dma_wait3A_170 = arith.constant 0 : i32
        %dma_wait3A_171 = tpu.memref_slice %arg6[%dma_wait3A_169, %dma_wait3A_170] : memref<10000x128xf32, #tpu.memory_space<vmem_shared>> -> memref<10000x128xf32, #tpu.memory_space<vmem_shared>>
        tpu.wait_indirect_dma semaphore(%run_scoped3A_159 : memref<!tpu.dma_semaphore, #tpu.memory_space<semaphore_mem>>) src(%arg11 : memref<80x128xf32, #tpu.memory_space<vmem>>) dst(%dma_wait3A_171 : memref<10000x128xf32, #tpu.memory_space<vmem_shared>>)
        tpu.yield
      }) : () -> ()
    }
    %scan3A_61 = arith.constant 41 : i32
    %dma_wait3A_62 = arith.constant 0 : i32
    %dma_wait3A_63 = arith.constant 9840 : i32
    %dma_wait3A_64 = tpu.memref_slice %arg7[%dma_wait3A_62, %dma_wait3A_63] : memref<1x10000xi32, #tpu.memory_space<vmem>> -> memref<1x80xi32, #tpu.memory_space<vmem>>
    %dma_wait3A_65 = tpu.memref_squeeze %dma_wait3A_64 : memref<1x80xi32, #tpu.memory_space<vmem>> -> memref<80xi32, #tpu.memory_space<vmem>>
    %dma_wait3A_66 = arith.constant 0 : i32
    %dma_wait3A_67 = arith.constant 0 : i32
    %dma_wait3A_68 = tpu.memref_slice %arg2[%dma_wait3A_66, %dma_wait3A_67] : memref<10000x128xf32, #tpu.memory_space<hbm>> -> memref<10000x128xf32, #tpu.memory_space<hbm>>
    tpu.wait_indirect_dma semaphore(%arg13 : memref<!tpu.dma_semaphore, #tpu.memory_space<semaphore_mem>>) src(%dma_wait3A_68 : memref<10000x128xf32, #tpu.memory_space<hbm>>) dst(%arg9 : memref<80x128xf32, #tpu.memory_space<vmem>>)
    %run_scoped3A = arith.constant 123 : i32
    "tpu.region"() ({
      %run_scoped3A_90 = tpu.sem_alloc : memref<!tpu.dma_semaphore, #tpu.memory_space<semaphore_mem>>
      %dma_start3A_91 = arith.constant 0 : i32
      %dma_start3A_92 = tpu.memref_slice %arg8[%run_scoped3A, %dma_start3A_91] : memref<125x80xi32, #tpu.memory_space<vmem>> -> memref<1x80xi32, #tpu.memory_space<vmem>>
      %dma_start3A_93 = tpu.memref_squeeze %dma_start3A_92 : memref<1x80xi32, #tpu.memory_space<vmem>> -> memref<80xi32, #tpu.memory_space<vmem>>
      %dma_start3A_94 = arith.constant 0 : i32
      %dma_start3A_95 = arith.constant 0 : i32
      %dma_start3A_96 = tpu.memref_slice %arg6[%dma_start3A_94, %dma_start3A_95] : memref<10000x128xf32, #tpu.memory_space<vmem_shared>> -> memref<10000x128xf32, #tpu.memory_space<vmem_shared>>
      tpu.enqueue_indirect_dma source(%arg9 : memref<80x128xf32, #tpu.memory_space<vmem>>) target(%dma_start3A_96 : memref<10000x128xf32, #tpu.memory_space<vmem_shared>>) offsets(%dma_start3A_93 : memref<80xi32, #tpu.memory_space<vmem>>) semaphore(%run_scoped3A_90 : memref<!tpu.dma_semaphore, #tpu.memory_space<semaphore_mem>>) {add = true}
      %dma_wait3A_97 = arith.constant 0 : i32
      %dma_wait3A_98 = tpu.memref_slice %arg8[%run_scoped3A, %dma_wait3A_97] : memref<125x80xi32, #tpu.memory_space<vmem>> -> memref<1x80xi32, #tpu.memory_space<vmem>>
      %dma_wait3A_99 = tpu.memref_squeeze %dma_wait3A_98 : memref<1x80xi32, #tpu.memory_space<vmem>> -> memref<80xi32, #tpu.memory_space<vmem>>
      %dma_wait3A_100 = arith.constant 0 : i32
      %dma_wait3A_101 = arith.constant 0 : i32
      %dma_wait3A_102 = tpu.memref_slice %arg6[%dma_wait3A_100, %dma_wait3A_101] : memref<10000x128xf32, #tpu.memory_space<vmem_shared>> -> memref<10000x128xf32, #tpu.memory_space<vmem_shared>>
      tpu.wait_indirect_dma semaphore(%run_scoped3A_90 : memref<!tpu.dma_semaphore, #tpu.memory_space<semaphore_mem>>) src(%arg9 : memref<80x128xf32, #tpu.memory_space<vmem>>) dst(%dma_wait3A_102 : memref<10000x128xf32, #tpu.memory_space<vmem_shared>>)
      tpu.yield
    }) : () -> ()
    %dma_wait3A_69 = arith.constant 0 : i32
    %dma_wait3A_70 = arith.constant 9920 : i32
    %dma_wait3A_71 = tpu.memref_slice %arg7[%dma_wait3A_69, %dma_wait3A_70] : memref<1x10000xi32, #tpu.memory_space<vmem>> -> memref<1x80xi32, #tpu.memory_space<vmem>>
    %dma_wait3A_72 = tpu.memref_squeeze %dma_wait3A_71 : memref<1x80xi32, #tpu.memory_space<vmem>> -> memref<80xi32, #tpu.memory_space<vmem>>
    %dma_wait3A_73 = arith.constant 0 : i32
    %dma_wait3A_74 = arith.constant 0 : i32
    %dma_wait3A_75 = tpu.memref_slice %arg2[%dma_wait3A_73, %dma_wait3A_74] : memref<10000x128xf32, #tpu.memory_space<hbm>> -> memref<10000x128xf32, #tpu.memory_space<hbm>>
    tpu.wait_indirect_dma semaphore(%arg14 : memref<!tpu.dma_semaphore, #tpu.memory_space<semaphore_mem>>) src(%dma_wait3A_75 : memref<10000x128xf32, #tpu.memory_space<hbm>>) dst(%arg10 : memref<80x128xf32, #tpu.memory_space<vmem>>)
    %run_scoped3A_76 = arith.constant 124 : i32
    "tpu.region"() ({
      %run_scoped3A_90 = tpu.sem_alloc : memref<!tpu.dma_semaphore, #tpu.memory_space<semaphore_mem>>
      %dma_start3A_91 = arith.constant 0 : i32
      %dma_start3A_92 = tpu.memref_slice %arg8[%run_scoped3A_76, %dma_start3A_91] : memref<125x80xi32, #tpu.memory_space<vmem>> -> memref<1x80xi32, #tpu.memory_space<vmem>>
      %dma_start3A_93 = tpu.memref_squeeze %dma_start3A_92 : memref<1x80xi32, #tpu.memory_space<vmem>> -> memref<80xi32, #tpu.memory_space<vmem>>
      %dma_start3A_94 = arith.constant 0 : i32
      %dma_start3A_95 = arith.constant 0 : i32
      %dma_start3A_96 = tpu.memref_slice %arg6[%dma_start3A_94, %dma_start3A_95] : memref<10000x128xf32, #tpu.memory_space<vmem_shared>> -> memref<10000x128xf32, #tpu.memory_space<vmem_shared>>
      tpu.enqueue_indirect_dma source(%arg10 : memref<80x128xf32, #tpu.memory_space<vmem>>) target(%dma_start3A_96 : memref<10000x128xf32, #tpu.memory_space<vmem_shared>>) offsets(%dma_start3A_93 : memref<80xi32, #tpu.memory_space<vmem>>) semaphore(%run_scoped3A_90 : memref<!tpu.dma_semaphore, #tpu.memory_space<semaphore_mem>>) {add = true}
      %dma_wait3A_97 = arith.constant 0 : i32
      %dma_wait3A_98 = tpu.memref_slice %arg8[%run_scoped3A_76, %dma_wait3A_97] : memref<125x80xi32, #tpu.memory_space<vmem>> -> memref<1x80xi32, #tpu.memory_space<vmem>>
      %dma_wait3A_99 = tpu.memref_squeeze %dma_wait3A_98 : memref<1x80xi32, #tpu.memory_space<vmem>> -> memref<80xi32, #tpu.memory_space<vmem>>
      %dma_wait3A_100 = arith.constant 0 : i32
      %dma_wait3A_101 = arith.constant 0 : i32
      %dma_wait3A_102 = tpu.memref_slice %arg6[%dma_wait3A_100, %dma_wait3A_101] : memref<10000x128xf32, #tpu.memory_space<vmem_shared>> -> memref<10000x128xf32, #tpu.memory_space<vmem_shared>>
      tpu.wait_indirect_dma semaphore(%run_scoped3A_90 : memref<!tpu.dma_semaphore, #tpu.memory_space<semaphore_mem>>) src(%arg10 : memref<80x128xf32, #tpu.memory_space<vmem>>) dst(%dma_wait3A_102 : memref<10000x128xf32, #tpu.memory_space<vmem_shared>>)
      tpu.yield
    }) : () -> ()
    %barrier3A_77 = arith.constant 0 : index
    tpu.barrier barrier_id(%barrier3A_77)
    %mul3A_78 = arith.constant 624 : i32
    %mul3A_79 = arith.muli %arg1, %mul3A_78 : i32
    %mul3A_80 = arith.constant 10000 : i32
    %mul3A_81 = arith.muli %arg0, %mul3A_80 : i32
    %mul3A_82 = arith.constant 624 : i32
    %mul3A_83 = arith.muli %arg1, %mul3A_82 : i32
    %add3A_84 = arith.addi %mul3A_81, %mul3A_83 : i32
    "tpu.region"() ({
      %run_scoped3A_90 = tpu.sem_alloc : memref<!tpu.dma_semaphore, #tpu.memory_space<semaphore_mem>>
      %dma_start3A_91 = arith.constant 0 : i32
      %dma_start3A_92 = tpu.memref_slice %arg5[%add3A_84, %dma_start3A_91] : memref<20000x128xf32, #tpu.memory_space<hbm>> -> memref<624x128xf32, #tpu.memory_space<hbm>>
      %dma_start3A_93 = arith.constant 0 : i32
      %dma_start3A_94 = tpu.memref_slice %arg6[%mul3A_79, %dma_start3A_93] : memref<10000x128xf32, #tpu.memory_space<vmem_shared>> -> memref<624x128xf32, #tpu.memory_space<vmem_shared>>
      tpu.enqueue_dma source(%dma_start3A_94 : memref<624x128xf32, #tpu.memory_space<vmem_shared>>) target(%dma_start3A_92 : memref<624x128xf32, #tpu.memory_space<hbm>>) target_semaphore(%run_scoped3A_90 : memref<!tpu.dma_semaphore, #tpu.memory_space<semaphore_mem>>)
      %dma_wait3A_95 = arith.constant 0 : i32
      %dma_wait3A_96 = tpu.memref_slice %arg5[%add3A_84, %dma_wait3A_95] : memref<20000x128xf32, #tpu.memory_space<hbm>> -> memref<624x128xf32, #tpu.memory_space<hbm>>
      %dma_wait3A_97 = arith.constant 0 : i32
      %dma_wait3A_98 = tpu.memref_slice %arg6[%mul3A_79, %dma_wait3A_97] : memref<10000x128xf32, #tpu.memory_space<vmem_shared>> -> memref<624x128xf32, #tpu.memory_space<vmem_shared>>
      tpu.wait_dma2 semaphore(%run_scoped3A_90 : memref<!tpu.dma_semaphore, #tpu.memory_space<semaphore_mem>>) src(%dma_wait3A_98 : memref<624x128xf32, #tpu.memory_space<vmem_shared>>) dst(%dma_wait3A_96 : memref<624x128xf32, #tpu.memory_space<hbm>>)
      tpu.yield
    }) : () -> ()
    %eq3A_85 = arith.constant 15 : i32
    %eq3A_86 = arith.cmpi eq, %arg1, %eq3A_85 : i32
    %convert_element_type3A_87 = arith.extui %eq3A_86 : i1 to i32
    %cond3A_88 = arith.constant 0 : i32
    %cond3A_89 = arith.cmpi ne, %convert_element_type3A_87, %cond3A_88 : i32
    scf.if %cond3A_89 {
      %mul3A_90 = arith.constant 10000 : i32
      %mul3A_91 = arith.muli %arg0, %mul3A_90 : i32
      %add3A_92 = arith.constant 9984 : i32
      %add3A_93 = arith.addi %mul3A_91, %add3A_92 : i32
      "tpu.region"() ({
        %run_scoped3A_94 = tpu.sem_alloc : memref<!tpu.dma_semaphore, #tpu.memory_space<semaphore_mem>>
        %dma_start3A_95 = arith.constant 0 : i32
        %dma_start3A_96 = tpu.memref_slice %arg5[%add3A_93, %dma_start3A_95] : memref<20000x128xf32, #tpu.memory_space<hbm>> -> memref<16x128xf32, #tpu.memory_space<hbm>>
        %dma_start3A_97 = arith.constant 9984 : i32
        %dma_start3A_98 = arith.constant 0 : i32
        %dma_start3A_99 = tpu.memref_slice %arg6[%dma_start3A_97, %dma_start3A_98] : memref<10000x128xf32, #tpu.memory_space<vmem_shared>> -> memref<16x128xf32, #tpu.memory_space<vmem_shared>>
        tpu.enqueue_dma source(%dma_start3A_99 : memref<16x128xf32, #tpu.memory_space<vmem_shared>>) target(%dma_start3A_96 : memref<16x128xf32, #tpu.memory_space<hbm>>) target_semaphore(%run_scoped3A_94 : memref<!tpu.dma_semaphore, #tpu.memory_space<semaphore_mem>>)
        %dma_wait3A_100 = arith.constant 0 : i32
        %dma_wait3A_101 = tpu.memref_slice %arg5[%add3A_93, %dma_wait3A_100] : memref<20000x128xf32, #tpu.memory_space<hbm>> -> memref<16x128xf32, #tpu.memory_space<hbm>>
        %dma_wait3A_102 = arith.constant 9984 : i32
        %dma_wait3A_103 = arith.constant 0 : i32
        %dma_wait3A_104 = tpu.memref_slice %arg6[%dma_wait3A_102, %dma_wait3A_103] : memref<10000x128xf32, #tpu.memory_space<vmem_shared>> -> memref<16x128xf32, #tpu.memory_space<vmem_shared>>
        tpu.wait_dma2 semaphore(%run_scoped3A_94 : memref<!tpu.dma_semaphore, #tpu.memory_space<semaphore_mem>>) src(%dma_wait3A_104 : memref<16x128xf32, #tpu.memory_space<vmem_shared>>) dst(%dma_wait3A_101 : memref<16x128xf32, #tpu.memory_space<hbm>>)
        tpu.yield
      }) : () -> ()
    } else {
    }
    return
  }
}

#map = affine_map<(d0, d1) -> (0, 0)>
#map1 = affine_map<(d0, d1) -> (0, 0, 0)>
module attributes {stable_mosaic.version = 14 : i64} {
  func.func @agg_kernel(%arg0: i32, %arg1: i32, %arg2: memref<10000x128xf32, #tpu.memory_space<hbm>>, %arg3: memref<32x1x10000xi32, #tpu.memory_space<hbm>>, %arg4: memref<32x125x80xi32, #tpu.memory_space<hbm>>, %arg5: memref<20000x128xf32, #tpu.memory_space<hbm>>, %arg6: memref<10000x128xf32, #tpu.memory_space<vmem_shared>>, %arg7: memref<1x10000xi32, #tpu.memory_space<vmem>>, %arg8: memref<125x80xi32, #tpu.memory_space<vmem>>, %arg9: memref<80x128xf32, #tpu.memory_space<vmem>>, %arg10: memref<80x128xf32, #tpu.memory_space<vmem>>, %arg11: memref<80x128xf32, #tpu.memory_space<vmem>>, %arg12: memref<!tpu.dma_semaphore, #tpu.memory_space<semaphore_mem>>, %arg13: memref<!tpu.dma_semaphore, #tpu.memory_space<semaphore_mem>>, %arg14: memref<!tpu.dma_semaphore, #tpu.memory_space<semaphore_mem>>, %arg15: memref<!tpu.dma_semaphore, #tpu.memory_space<semaphore_mem>>) attributes {dimension_semantics = [#tpu.dimension_semantics<core_parallel>, #tpu.dimension_semantics<subcore_parallel>], iteration_bounds = array<i64: 2, 16>, scalar_prefetch = 0 : i64, scratch_operands = 10 : i64, tpu.core_type = #tpu.core_type<sc_vector_subcore>, window_params = [{transform_indices = #map}, {transform_indices = #map1}, {transform_indices = #map1}, {transform_indices = #map}]} {
    %mul3A = arith.constant 16 : i32
    %mul3A_0 = arith.muli %arg0, %mul3A : i32
    %add3A = arith.addi %mul3A_0, %arg1 : i32
    %broadcast_in_dim3A = arith.constant 0.000000e+00 : f32
    %broadcast_in_dim3A_1 = vector.broadcast %broadcast_in_dim3A : f32 to vector<16xf32>
    %dma_start3A = arith.constant 0 : i32
    %dma_start3A_2 = arith.constant 0 : i32
    %dma_start3A_3 = tpu.memref_slice %arg3[%add3A, %dma_start3A, %dma_start3A_2] : memref<32x1x10000xi32, #tpu.memory_space<hbm>> -> memref<1x1x10000xi32, #tpu.memory_space<hbm>>
    %dma_start3A_4 = tpu.memref_squeeze %dma_start3A_3 : memref<1x1x10000xi32, #tpu.memory_space<hbm>> -> memref<1x10000xi32, #tpu.memory_space<hbm>>
    %dma_start3A_5 = arith.constant 0 : i32
    %dma_start3A_6 = arith.constant 0 : i32
    %dma_start3A_7 = tpu.memref_slice %arg3[%add3A, %dma_start3A_5, %dma_start3A_6] : memref<32x1x10000xi32, #tpu.memory_space<hbm>> -> memref<1x1x10000xi32, #tpu.memory_space<hbm>>
    %dma_start3A_8 = tpu.memref_squeeze %dma_start3A_7 : memref<1x1x10000xi32, #tpu.memory_space<hbm>> -> memref<1x10000xi32, #tpu.memory_space<hbm>>
    tpu.enqueue_dma source(%dma_start3A_8 : memref<1x10000xi32, #tpu.memory_space<hbm>>) target(%arg7 : memref<1x10000xi32, #tpu.memory_space<vmem>>) target_semaphore(%arg12 : memref<!tpu.dma_semaphore, #tpu.memory_space<semaphore_mem>>)
    %dma_start3A_9 = arith.constant 0 : i32
    %dma_start3A_10 = arith.constant 0 : i32
    %dma_start3A_11 = tpu.memref_slice %arg4[%add3A, %dma_start3A_9, %dma_start3A_10] : memref<32x125x80xi32, #tpu.memory_space<hbm>> -> memref<1x125x80xi32, #tpu.memory_space<hbm>>
    %dma_start3A_12 = tpu.memref_squeeze %dma_start3A_11 : memref<1x125x80xi32, #tpu.memory_space<hbm>> -> memref<125x80xi32, #tpu.memory_space<hbm>>
    %dma_start3A_13 = arith.constant 0 : i32
    %dma_start3A_14 = arith.constant 0 : i32
    %dma_start3A_15 = tpu.memref_slice %arg4[%add3A, %dma_start3A_13, %dma_start3A_14] : memref<32x125x80xi32, #tpu.memory_space<hbm>> -> memref<1x125x80xi32, #tpu.memory_space<hbm>>
    %dma_start3A_16 = tpu.memref_squeeze %dma_start3A_15 : memref<1x125x80xi32, #tpu.memory_space<hbm>> -> memref<125x80xi32, #tpu.memory_space<hbm>>
    tpu.enqueue_dma source(%dma_start3A_16 : memref<125x80xi32, #tpu.memory_space<hbm>>) target(%arg8 : memref<125x80xi32, #tpu.memory_space<vmem>>) target_semaphore(%arg12 : memref<!tpu.dma_semaphore, #tpu.memory_space<semaphore_mem>>)
    %scan3A = arith.constant 0 : i32
    %scan3A_17 = arith.constant 48 : i32
    %scan3A_18 = arith.addi %scan3A, %scan3A_17 : i32
    %scan3A_19 = arith.constant 1 : i32
    scf.for %scan3A_90 = %scan3A to %scan3A_18 step %scan3A_19  : i32 {
      %mul3A_91 = arith.constant 1 : i32
      %mul3A_92 = arith.muli %scan3A_90, %mul3A_91 : i32
      %add3A_93 = arith.constant 0 : i32
      %add3A_94 = arith.addi %add3A_93, %mul3A_92 : i32
      %scan3A_95 = arith.constant 0 : i32
      %scan3A_96 = arith.constant 8 : i32
      %scan3A_97 = arith.addi %scan3A_95, %scan3A_96 : i32
      %scan3A_98 = arith.constant 1 : i32
      scf.for %scan3A_100 = %scan3A_95 to %scan3A_97 step %scan3A_98  : i32 {
        %mul3A_101 = arith.constant 16 : i32
        %mul3A_102 = arith.muli %scan3A_100, %mul3A_101 : i32
        %add3A_103 = arith.constant 0 : i32
        %add3A_104 = arith.addi %add3A_103, %mul3A_102 : i32
        %swap3A = arith.index_cast %add3A_94 : i32 to index
        %swap3A_105 = arith.index_cast %add3A_104 : i32 to index
        %swap3A_106 = tpu.vector_load %arg9[%swap3A, %swap3A_105] {strides = array<i32>} : memref<80x128xf32, #tpu.memory_space<vmem>>, vector<1x16xf32>,
        %swap3A_107 = vector.shape_cast %swap3A_106 : vector<1x16xf32> to vector<16xf32>
        %swap3A_108 = vector.shape_cast %broadcast_in_dim3A_1 : vector<16xf32> to vector<1x16xf32>
        tpu.vector_store %arg9[%swap3A, %swap3A_105], %swap3A_108 {strides = array<i32>} : memref<80x128xf32, #tpu.memory_space<vmem>>, vector<1x16xf32>,
      }
      %scan3A_99 = arith.constant 8 : i32
    }
    %scan3A_20 = arith.constant 48 : i32
    %scan3A_21 = arith.constant 0 : i32
    %scan3A_22 = arith.constant 13 : i32
    %scan3A_23 = arith.addi %scan3A_21, %scan3A_22 : i32
    %scan3A_24 = arith.constant 1 : i32
    scf.for %scan3A_90 = %scan3A_21 to %scan3A_23 step %scan3A_24  : i32 {
      %mul3A_91 = arith.constant 1 : i32
      %mul3A_92 = arith.muli %scan3A_90, %mul3A_91 : i32
      %add3A_93 = arith.constant 0 : i32
      %add3A_94 = arith.addi %add3A_93, %mul3A_92 : i32
      %mul3A_95 = arith.constant 624 : i32
      %mul3A_96 = arith.muli %arg1, %mul3A_95 : i32
      %mul3A_97 = arith.constant 48 : i32
      %mul3A_98 = arith.muli %add3A_94, %mul3A_97 : i32
      %add3A_99 = arith.addi %mul3A_96, %mul3A_98 : i32
      "tpu.region"() ({
        %run_scoped3A_100 = tpu.sem_alloc : memref<!tpu.dma_semaphore, #tpu.memory_space<semaphore_mem>>
        %dma_start3A_101 = arith.constant 0 : i32
        %dma_start3A_102 = arith.constant 0 : i32
        %dma_start3A_103 = tpu.memref_slice %arg9[%dma_start3A_101, %dma_start3A_102] : memref<80x128xf32, #tpu.memory_space<vmem>> -> memref<48x128xf32, #tpu.memory_space<vmem>>
        %dma_start3A_104 = arith.constant 0 : i32
        %dma_start3A_105 = tpu.memref_slice %arg6[%add3A_99, %dma_start3A_104] : memref<10000x128xf32, #tpu.memory_space<vmem_shared>> -> memref<48x128xf32, #tpu.memory_space<vmem_shared>>
        %dma_start3A_106 = arith.constant 0 : i32
        %dma_start3A_107 = tpu.memref_slice %arg6[%add3A_99, %dma_start3A_106] : memref<10000x128xf32, #tpu.memory_space<vmem_shared>> -> memref<48x128xf32, #tpu.memory_space<vmem_shared>>
        %dma_start3A_108 = arith.constant 0 : i32
        %dma_start3A_109 = arith.constant 0 : i32
        %dma_start3A_110 = tpu.memref_slice %arg9[%dma_start3A_108, %dma_start3A_109] : memref<80x128xf32, #tpu.memory_space<vmem>> -> memref<48x128xf32, #tpu.memory_space<vmem>>
        tpu.enqueue_dma source(%dma_start3A_110 : memref<48x128xf32, #tpu.memory_space<vmem>>) target(%dma_start3A_107 : memref<48x128xf32, #tpu.memory_space<vmem_shared>>) target_semaphore(%run_scoped3A_100 : memref<!tpu.dma_semaphore, #tpu.memory_space<semaphore_mem>>)
        %dma_wait3A_111 = arith.constant 0 : i32
        %dma_wait3A_112 = arith.constant 0 : i32
        %dma_wait3A_113 = tpu.memref_slice %arg9[%dma_wait3A_111, %dma_wait3A_112] : memref<80x128xf32, #tpu.memory_space<vmem>> -> memref<48x128xf32, #tpu.memory_space<vmem>>
        %dma_wait3A_114 = arith.constant 0 : i32
        %dma_wait3A_115 = tpu.memref_slice %arg6[%add3A_99, %dma_wait3A_114] : memref<10000x128xf32, #tpu.memory_space<vmem_shared>> -> memref<48x128xf32, #tpu.memory_space<vmem_shared>>
        %dma_wait3A_116 = arith.constant 0 : i32
        %dma_wait3A_117 = tpu.memref_slice %arg6[%add3A_99, %dma_wait3A_116] : memref<10000x128xf32, #tpu.memory_space<vmem_shared>> -> memref<48x128xf32, #tpu.memory_space<vmem_shared>>
        %dma_wait3A_118 = arith.constant 0 : i32
        %dma_wait3A_119 = arith.constant 0 : i32
        %dma_wait3A_120 = tpu.memref_slice %arg9[%dma_wait3A_118, %dma_wait3A_119] : memref<80x128xf32, #tpu.memory_space<vmem>> -> memref<48x128xf32, #tpu.memory_space<vmem>>
        tpu.wait_dma2 semaphore(%run_scoped3A_100 : memref<!tpu.dma_semaphore, #tpu.memory_space<semaphore_mem>>) src(%dma_wait3A_120 : memref<48x128xf32, #tpu.memory_space<vmem>>) dst(%dma_wait3A_117 : memref<48x128xf32, #tpu.memory_space<vmem_shared>>)
        tpu.yield
      }) : () -> ()
    }
    %scan3A_25 = arith.constant 13 : i32
    %eq3A = arith.constant 15 : i32
    %eq3A_26 = arith.cmpi eq, %arg1, %eq3A : i32
    %convert_element_type3A = arith.extui %eq3A_26 : i1 to i32
    %cond3A = arith.constant 0 : i32
    %cond3A_27 = arith.cmpi ne, %convert_element_type3A, %cond3A : i32
    scf.if %cond3A_27 {
      "tpu.region"() ({
        %run_scoped3A_90 = tpu.sem_alloc : memref<!tpu.dma_semaphore, #tpu.memory_space<semaphore_mem>>
        %dma_start3A_91 = arith.constant 0 : i32
        %dma_start3A_92 = arith.constant 0 : i32
        %dma_start3A_93 = tpu.memref_slice %arg9[%dma_start3A_91, %dma_start3A_92] : memref<80x128xf32, #tpu.memory_space<vmem>> -> memref<16x128xf32, #tpu.memory_space<vmem>>
        %dma_start3A_94 = arith.constant 9984 : i32
        %dma_start3A_95 = arith.constant 0 : i32
        %dma_start3A_96 = tpu.memref_slice %arg6[%dma_start3A_94, %dma_start3A_95] : memref<10000x128xf32, #tpu.memory_space<vmem_shared>> -> memref<16x128xf32, #tpu.memory_space<vmem_shared>>
        %dma_start3A_97 = arith.constant 9984 : i32
        %dma_start3A_98 = arith.constant 0 : i32
        %dma_start3A_99 = tpu.memref_slice %arg6[%dma_start3A_97, %dma_start3A_98] : memref<10000x128xf32, #tpu.memory_space<vmem_shared>> -> memref<16x128xf32, #tpu.memory_space<vmem_shared>>
        %dma_start3A_100 = arith.constant 0 : i32
        %dma_start3A_101 = arith.constant 0 : i32
        %dma_start3A_102 = tpu.memref_slice %arg9[%dma_start3A_100, %dma_start3A_101] : memref<80x128xf32, #tpu.memory_space<vmem>> -> memref<16x128xf32, #tpu.memory_space<vmem>>
        tpu.enqueue_dma source(%dma_start3A_102 : memref<16x128xf32, #tpu.memory_space<vmem>>) target(%dma_start3A_99 : memref<16x128xf32, #tpu.memory_space<vmem_shared>>) target_semaphore(%run_scoped3A_90 : memref<!tpu.dma_semaphore, #tpu.memory_space<semaphore_mem>>)
        %dma_wait3A_103 = arith.constant 0 : i32
        %dma_wait3A_104 = arith.constant 0 : i32
        %dma_wait3A_105 = tpu.memref_slice %arg9[%dma_wait3A_103, %dma_wait3A_104] : memref<80x128xf32, #tpu.memory_space<vmem>> -> memref<16x128xf32, #tpu.memory_space<vmem>>
        %dma_wait3A_106 = arith.constant 9984 : i32
        %dma_wait3A_107 = arith.constant 0 : i32
        %dma_wait3A_108 = tpu.memref_slice %arg6[%dma_wait3A_106, %dma_wait3A_107] : memref<10000x128xf32, #tpu.memory_space<vmem_shared>> -> memref<16x128xf32, #tpu.memory_space<vmem_shared>>
        %dma_wait3A_109 = arith.constant 9984 : i32
        %dma_wait3A_110 = arith.constant 0 : i32
        %dma_wait3A_111 = tpu.memref_slice %arg6[%dma_wait3A_109, %dma_wait3A_110] : memref<10000x128xf32, #tpu.memory_space<vmem_shared>> -> memref<16x128xf32, #tpu.memory_space<vmem_shared>>
        %dma_wait3A_112 = arith.constant 0 : i32
        %dma_wait3A_113 = arith.constant 0 : i32
        %dma_wait3A_114 = tpu.memref_slice %arg9[%dma_wait3A_112, %dma_wait3A_113] : memref<80x128xf32, #tpu.memory_space<vmem>> -> memref<16x128xf32, #tpu.memory_space<vmem>>
        tpu.wait_dma2 semaphore(%run_scoped3A_90 : memref<!tpu.dma_semaphore, #tpu.memory_space<semaphore_mem>>) src(%dma_wait3A_114 : memref<16x128xf32, #tpu.memory_space<vmem>>) dst(%dma_wait3A_111 : memref<16x128xf32, #tpu.memory_space<vmem_shared>>)
        tpu.yield
      }) : () -> ()
    } else {
    }
    %dma_wait3A = arith.constant 0 : i32
    %dma_wait3A_28 = arith.constant 0 : i32
    %dma_wait3A_29 = tpu.memref_slice %arg3[%add3A, %dma_wait3A, %dma_wait3A_28] : memref<32x1x10000xi32, #tpu.memory_space<hbm>> -> memref<1x1x10000xi32, #tpu.memory_space<hbm>>
    %dma_wait3A_30 = tpu.memref_squeeze %dma_wait3A_29 : memref<1x1x10000xi32, #tpu.memory_space<hbm>> -> memref<1x10000xi32, #tpu.memory_space<hbm>>
    %dma_wait3A_31 = arith.constant 0 : i32
    %dma_wait3A_32 = arith.constant 0 : i32
    %dma_wait3A_33 = tpu.memref_slice %arg3[%add3A, %dma_wait3A_31, %dma_wait3A_32] : memref<32x1x10000xi32, #tpu.memory_space<hbm>> -> memref<1x1x10000xi32, #tpu.memory_space<hbm>>
    %dma_wait3A_34 = tpu.memref_squeeze %dma_wait3A_33 : memref<1x1x10000xi32, #tpu.memory_space<hbm>> -> memref<1x10000xi32, #tpu.memory_space<hbm>>
    tpu.wait_dma2 semaphore(%arg12 : memref<!tpu.dma_semaphore, #tpu.memory_space<semaphore_mem>>) src(%dma_wait3A_34 : memref<1x10000xi32, #tpu.memory_space<hbm>>) dst(%arg7 : memref<1x10000xi32, #tpu.memory_space<vmem>>)
    %dma_wait3A_35 = arith.constant 0 : i32
    %dma_wait3A_36 = arith.constant 0 : i32
    %dma_wait3A_37 = tpu.memref_slice %arg4[%add3A, %dma_wait3A_35, %dma_wait3A_36] : memref<32x125x80xi32, #tpu.memory_space<hbm>> -> memref<1x125x80xi32, #tpu.memory_space<hbm>>
    %dma_wait3A_38 = tpu.memref_squeeze %dma_wait3A_37 : memref<1x125x80xi32, #tpu.memory_space<hbm>> -> memref<125x80xi32, #tpu.memory_space<hbm>>
    %dma_wait3A_39 = arith.constant 0 : i32
    %dma_wait3A_40 = arith.constant 0 : i32
    %dma_wait3A_41 = tpu.memref_slice %arg4[%add3A, %dma_wait3A_39, %dma_wait3A_40] : memref<32x125x80xi32, #tpu.memory_space<hbm>> -> memref<1x125x80xi32, #tpu.memory_space<hbm>>
    %dma_wait3A_42 = tpu.memref_squeeze %dma_wait3A_41 : memref<1x125x80xi32, #tpu.memory_space<hbm>> -> memref<125x80xi32, #tpu.memory_space<hbm>>
    tpu.wait_dma2 semaphore(%arg12 : memref<!tpu.dma_semaphore, #tpu.memory_space<semaphore_mem>>) src(%dma_wait3A_42 : memref<125x80xi32, #tpu.memory_space<hbm>>) dst(%arg8 : memref<125x80xi32, #tpu.memory_space<vmem>>)
    %dma_start3A_43 = arith.constant 0 : i32
    %dma_start3A_44 = arith.constant 0 : i32
    %dma_start3A_45 = tpu.memref_slice %arg7[%dma_start3A_43, %dma_start3A_44] : memref<1x10000xi32, #tpu.memory_space<vmem>> -> memref<1x80xi32, #tpu.memory_space<vmem>>
    %dma_start3A_46 = tpu.memref_squeeze %dma_start3A_45 : memref<1x80xi32, #tpu.memory_space<vmem>> -> memref<80xi32, #tpu.memory_space<vmem>>
    %dma_start3A_47 = arith.constant 0 : i32
    %dma_start3A_48 = arith.constant 0 : i32
    %dma_start3A_49 = tpu.memref_slice %arg2[%dma_start3A_47, %dma_start3A_48] : memref<10000x128xf32, #tpu.memory_space<hbm>> -> memref<10000x128xf32, #tpu.memory_space<hbm>>
    tpu.enqueue_indirect_dma source(%dma_start3A_49 : memref<10000x128xf32, #tpu.memory_space<hbm>>) target(%arg9 : memref<80x128xf32, #tpu.memory_space<vmem>>) offsets(%dma_start3A_46 : memref<80xi32, #tpu.memory_space<vmem>>) semaphore(%arg13 : memref<!tpu.dma_semaphore, #tpu.memory_space<semaphore_mem>>)
    %dma_start3A_50 = arith.constant 0 : i32
    %dma_start3A_51 = arith.constant 80 : i32
    %dma_start3A_52 = tpu.memref_slice %arg7[%dma_start3A_50, %dma_start3A_51] : memref<1x10000xi32, #tpu.memory_space<vmem>> -> memref<1x80xi32, #tpu.memory_space<vmem>>
    %dma_start3A_53 = tpu.memref_squeeze %dma_start3A_52 : memref<1x80xi32, #tpu.memory_space<vmem>> -> memref<80xi32, #tpu.memory_space<vmem>>
    %dma_start3A_54 = arith.constant 0 : i32
    %dma_start3A_55 = arith.constant 0 : i32
    %dma_start3A_56 = tpu.memref_slice %arg2[%dma_start3A_54, %dma_start3A_55] : memref<10000x128xf32, #tpu.memory_space<hbm>> -> memref<10000x128xf32, #tpu.memory_space<hbm>>
    tpu.enqueue_indirect_dma source(%dma_start3A_56 : memref<10000x128xf32, #tpu.memory_space<hbm>>) target(%arg10 : memref<80x128xf32, #tpu.memory_space<vmem>>) offsets(%dma_start3A_53 : memref<80xi32, #tpu.memory_space<vmem>>) semaphore(%arg14 : memref<!tpu.dma_semaphore, #tpu.memory_space<semaphore_mem>>)
    %barrier3A = arith.constant 0 : index
    tpu.barrier barrier_id(%barrier3A)
    %scan3A_57 = arith.constant 0 : i32
    %scan3A_58 = arith.constant 41 : i32
    %scan3A_59 = arith.addi %scan3A_57, %scan3A_58 : i32
    %scan3A_60 = arith.constant 1 : i32
    scf.for %scan3A_90 = %scan3A_57 to %scan3A_59 step %scan3A_60  : i32 {
      %mul3A_91 = arith.constant 1 : i32
      %mul3A_92 = arith.muli %scan3A_90, %mul3A_91 : i32
      %add3A_93 = arith.constant 0 : i32
      %add3A_94 = arith.addi %add3A_93, %mul3A_92 : i32
      %mul3A_95 = arith.constant 3 : i32
      %mul3A_96 = arith.muli %mul3A_95, %add3A_94 : i32
      %mul3A_97 = arith.constant 80 : i32
      %mul3A_98 = arith.muli %mul3A_96, %mul3A_97 : i32
      %dma_wait3A_99 = arith.constant 0 : i32
      %dma_wait3A_100 = tpu.memref_slice %arg7[%dma_wait3A_99, %mul3A_98] : memref<1x10000xi32, #tpu.memory_space<vmem>> -> memref<1x80xi32, #tpu.memory_space<vmem>>
      %dma_wait3A_101 = tpu.memref_squeeze %dma_wait3A_100 : memref<1x80xi32, #tpu.memory_space<vmem>> -> memref<80xi32, #tpu.memory_space<vmem>>
      %dma_wait3A_102 = arith.constant 0 : i32
      %dma_wait3A_103 = arith.constant 0 : i32
      %dma_wait3A_104 = tpu.memref_slice %arg2[%dma_wait3A_102, %dma_wait3A_103] : memref<10000x128xf32, #tpu.memory_space<hbm>> -> memref<10000x128xf32, #tpu.memory_space<hbm>>
      tpu.wait_indirect_dma semaphore(%arg13 : memref<!tpu.dma_semaphore, #tpu.memory_space<semaphore_mem>>) src(%dma_wait3A_104 : memref<10000x128xf32, #tpu.memory_space<hbm>>) dst(%arg9 : memref<80x128xf32, #tpu.memory_space<vmem>>)
      %add3A_105 = arith.constant 2 : i32
      %add3A_106 = arith.addi %mul3A_96, %add3A_105 : i32
      %mul3A_107 = arith.constant 80 : i32
      %mul3A_108 = arith.muli %add3A_106, %mul3A_107 : i32
      %dma_start3A_109 = arith.constant 0 : i32
      %dma_start3A_110 = tpu.memref_slice %arg7[%dma_start3A_109, %mul3A_108] : memref<1x10000xi32, #tpu.memory_space<vmem>> -> memref<1x80xi32, #tpu.memory_space<vmem>>
      %dma_start3A_111 = tpu.memref_squeeze %dma_start3A_110 : memref<1x80xi32, #tpu.memory_space<vmem>> -> memref<80xi32, #tpu.memory_space<vmem>>
      %dma_start3A_112 = arith.constant 0 : i32
      %dma_start3A_113 = arith.constant 0 : i32
      %dma_start3A_114 = tpu.memref_slice %arg2[%dma_start3A_112, %dma_start3A_113] : memref<10000x128xf32, #tpu.memory_space<hbm>> -> memref<10000x128xf32, #tpu.memory_space<hbm>>
      tpu.enqueue_indirect_dma source(%dma_start3A_114 : memref<10000x128xf32, #tpu.memory_space<hbm>>) target(%arg11 : memref<80x128xf32, #tpu.memory_space<vmem>>) offsets(%dma_start3A_111 : memref<80xi32, #tpu.memory_space<vmem>>) semaphore(%arg15 : memref<!tpu.dma_semaphore, #tpu.memory_space<semaphore_mem>>)
      "tpu.region"() ({
        %run_scoped3A_159 = tpu.sem_alloc : memref<!tpu.dma_semaphore, #tpu.memory_space<semaphore_mem>>
        %dma_start3A_160 = arith.constant 0 : i32
        %dma_start3A_161 = tpu.memref_slice %arg8[%mul3A_96, %dma_start3A_160] : memref<125x80xi32, #tpu.memory_space<vmem>> -> memref<1x80xi32, #tpu.memory_space<vmem>>
        %dma_start3A_162 = tpu.memref_squeeze %dma_start3A_161 : memref<1x80xi32, #tpu.memory_space<vmem>> -> memref<80xi32, #tpu.memory_space<vmem>>
        %dma_start3A_163 = arith.constant 0 : i32
        %dma_start3A_164 = arith.constant 0 : i32
        %dma_start3A_165 = tpu.memref_slice %arg6[%dma_start3A_163, %dma_start3A_164] : memref<10000x128xf32, #tpu.memory_space<vmem_shared>> -> memref<10000x128xf32, #tpu.memory_space<vmem_shared>>
        tpu.enqueue_indirect_dma source(%arg9 : memref<80x128xf32, #tpu.memory_space<vmem>>) target(%dma_start3A_165 : memref<10000x128xf32, #tpu.memory_space<vmem_shared>>) offsets(%dma_start3A_162 : memref<80xi32, #tpu.memory_space<vmem>>) semaphore(%run_scoped3A_159 : memref<!tpu.dma_semaphore, #tpu.memory_space<semaphore_mem>>) {add = true}
        %dma_wait3A_166 = arith.constant 0 : i32
        %dma_wait3A_167 = tpu.memref_slice %arg8[%mul3A_96, %dma_wait3A_166] : memref<125x80xi32, #tpu.memory_space<vmem>> -> memref<1x80xi32, #tpu.memory_space<vmem>>
        %dma_wait3A_168 = tpu.memref_squeeze %dma_wait3A_167 : memref<1x80xi32, #tpu.memory_space<vmem>> -> memref<80xi32, #tpu.memory_space<vmem>>
        %dma_wait3A_169 = arith.constant 0 : i32
        %dma_wait3A_170 = arith.constant 0 : i32
        %dma_wait3A_171 = tpu.memref_slice %arg6[%dma_wait3A_169, %dma_wait3A_170] : memref<10000x128xf32, #tpu.memory_space<vmem_shared>> -> memref<10000x128xf32, #tpu.memory_space<vmem_shared>>
        tpu.wait_indirect_dma semaphore(%run_scoped3A_159 : memref<!tpu.dma_semaphore, #tpu.memory_space<semaphore_mem>>) src(%arg9 : memref<80x128xf32, #tpu.memory_space<vmem>>) dst(%dma_wait3A_171 : memref<10000x128xf32, #tpu.memory_space<vmem_shared>>)
        tpu.yield
      }) : () -> ()
      %add3A_115 = arith.constant 1 : i32
      %add3A_116 = arith.addi %mul3A_96, %add3A_115 : i32
      %mul3A_117 = arith.constant 80 : i32
      %mul3A_118 = arith.muli %add3A_116, %mul3A_117 : i32
      %dma_wait3A_119 = arith.constant 0 : i32
      %dma_wait3A_120 = tpu.memref_slice %arg7[%dma_wait3A_119, %mul3A_118] : memref<1x10000xi32, #tpu.memory_space<vmem>> -> memref<1x80xi32, #tpu.memory_space<vmem>>
      %dma_wait3A_121 = tpu.memref_squeeze %dma_wait3A_120 : memref<1x80xi32, #tpu.memory_space<vmem>> -> memref<80xi32, #tpu.memory_space<vmem>>
      %dma_wait3A_122 = arith.constant 0 : i32
      %dma_wait3A_123 = arith.constant 0 : i32
      %dma_wait3A_124 = tpu.memref_slice %arg2[%dma_wait3A_122, %dma_wait3A_123] : memref<10000x128xf32, #tpu.memory_space<hbm>> -> memref<10000x128xf32, #tpu.memory_space<hbm>>
      tpu.wait_indirect_dma semaphore(%arg14 : memref<!tpu.dma_semaphore, #tpu.memory_space<semaphore_mem>>) src(%dma_wait3A_124 : memref<10000x128xf32, #tpu.memory_space<hbm>>) dst(%arg10 : memref<80x128xf32, #tpu.memory_space<vmem>>)
      %add3A_125 = arith.constant 3 : i32
      %add3A_126 = arith.addi %mul3A_96, %add3A_125 : i32
      %mul3A_127 = arith.constant 80 : i32
      %mul3A_128 = arith.muli %add3A_126, %mul3A_127 : i32
      %dma_start3A_129 = arith.constant 0 : i32
      %dma_start3A_130 = tpu.memref_slice %arg7[%dma_start3A_129, %mul3A_128] : memref<1x10000xi32, #tpu.memory_space<vmem>> -> memref<1x80xi32, #tpu.memory_space<vmem>>
      %dma_start3A_131 = tpu.memref_squeeze %dma_start3A_130 : memref<1x80xi32, #tpu.memory_space<vmem>> -> memref<80xi32, #tpu.memory_space<vmem>>
      %dma_start3A_132 = arith.constant 0 : i32
      %dma_start3A_133 = arith.constant 0 : i32
      %dma_start3A_134 = tpu.memref_slice %arg2[%dma_start3A_132, %dma_start3A_133] : memref<10000x128xf32, #tpu.memory_space<hbm>> -> memref<10000x128xf32, #tpu.memory_space<hbm>>
      tpu.enqueue_indirect_dma source(%dma_start3A_134 : memref<10000x128xf32, #tpu.memory_space<hbm>>) target(%arg9 : memref<80x128xf32, #tpu.memory_space<vmem>>) offsets(%dma_start3A_131 : memref<80xi32, #tpu.memory_space<vmem>>) semaphore(%arg13 : memref<!tpu.dma_semaphore, #tpu.memory_space<semaphore_mem>>)
      %add3A_135 = arith.constant 1 : i32
      %add3A_136 = arith.addi %mul3A_96, %add3A_135 : i32
      "tpu.region"() ({
        %run_scoped3A_159 = tpu.sem_alloc : memref<!tpu.dma_semaphore, #tpu.memory_space<semaphore_mem>>
        %dma_start3A_160 = arith.constant 0 : i32
        %dma_start3A_161 = tpu.memref_slice %arg8[%add3A_136, %dma_start3A_160] : memref<125x80xi32, #tpu.memory_space<vmem>> -> memref<1x80xi32, #tpu.memory_space<vmem>>
        %dma_start3A_162 = tpu.memref_squeeze %dma_start3A_161 : memref<1x80xi32, #tpu.memory_space<vmem>> -> memref<80xi32, #tpu.memory_space<vmem>>
        %dma_start3A_163 = arith.constant 0 : i32
        %dma_start3A_164 = arith.constant 0 : i32
        %dma_start3A_165 = tpu.memref_slice %arg6[%dma_start3A_163, %dma_start3A_164] : memref<10000x128xf32, #tpu.memory_space<vmem_shared>> -> memref<10000x128xf32, #tpu.memory_space<vmem_shared>>
        tpu.enqueue_indirect_dma source(%arg10 : memref<80x128xf32, #tpu.memory_space<vmem>>) target(%dma_start3A_165 : memref<10000x128xf32, #tpu.memory_space<vmem_shared>>) offsets(%dma_start3A_162 : memref<80xi32, #tpu.memory_space<vmem>>) semaphore(%run_scoped3A_159 : memref<!tpu.dma_semaphore, #tpu.memory_space<semaphore_mem>>) {add = true}
        %dma_wait3A_166 = arith.constant 0 : i32
        %dma_wait3A_167 = tpu.memref_slice %arg8[%add3A_136, %dma_wait3A_166] : memref<125x80xi32, #tpu.memory_space<vmem>> -> memref<1x80xi32, #tpu.memory_space<vmem>>
        %dma_wait3A_168 = tpu.memref_squeeze %dma_wait3A_167 : memref<1x80xi32, #tpu.memory_space<vmem>> -> memref<80xi32, #tpu.memory_space<vmem>>
        %dma_wait3A_169 = arith.constant 0 : i32
        %dma_wait3A_170 = arith.constant 0 : i32
        %dma_wait3A_171 = tpu.memref_slice %arg6[%dma_wait3A_169, %dma_wait3A_170] : memref<10000x128xf32, #tpu.memory_space<vmem_shared>> -> memref<10000x128xf32, #tpu.memory_space<vmem_shared>>
        tpu.wait_indirect_dma semaphore(%run_scoped3A_159 : memref<!tpu.dma_semaphore, #tpu.memory_space<semaphore_mem>>) src(%arg10 : memref<80x128xf32, #tpu.memory_space<vmem>>) dst(%dma_wait3A_171 : memref<10000x128xf32, #tpu.memory_space<vmem_shared>>)
        tpu.yield
      }) : () -> ()
      %add3A_137 = arith.constant 2 : i32
      %add3A_138 = arith.addi %mul3A_96, %add3A_137 : i32
      %mul3A_139 = arith.constant 80 : i32
      %mul3A_140 = arith.muli %add3A_138, %mul3A_139 : i32
      %dma_wait3A_141 = arith.constant 0 : i32
      %dma_wait3A_142 = tpu.memref_slice %arg7[%dma_wait3A_141, %mul3A_140] : memref<1x10000xi32, #tpu.memory_space<vmem>> -> memref<1x80xi32, #tpu.memory_space<vmem>>
      %dma_wait3A_143 = tpu.memref_squeeze %dma_wait3A_142 : memref<1x80xi32, #tpu.memory_space<vmem>> -> memref<80xi32, #tpu.memory_space<vmem>>
      %dma_wait3A_144 = arith.constant 0 : i32
      %dma_wait3A_145 = arith.constant 0 : i32
      %dma_wait3A_146 = tpu.memref_slice %arg2[%dma_wait3A_144, %dma_wait3A_145] : memref<10000x128xf32, #tpu.memory_space<hbm>> -> memref<10000x128xf32, #tpu.memory_space<hbm>>
      tpu.wait_indirect_dma semaphore(%arg15 : memref<!tpu.dma_semaphore, #tpu.memory_space<semaphore_mem>>) src(%dma_wait3A_146 : memref<10000x128xf32, #tpu.memory_space<hbm>>) dst(%arg11 : memref<80x128xf32, #tpu.memory_space<vmem>>)
      %add3A_147 = arith.constant 4 : i32
      %add3A_148 = arith.addi %mul3A_96, %add3A_147 : i32
      %mul3A_149 = arith.constant 80 : i32
      %mul3A_150 = arith.muli %add3A_148, %mul3A_149 : i32
      %dma_start3A_151 = arith.constant 0 : i32
      %dma_start3A_152 = tpu.memref_slice %arg7[%dma_start3A_151, %mul3A_150] : memref<1x10000xi32, #tpu.memory_space<vmem>> -> memref<1x80xi32, #tpu.memory_space<vmem>>
      %dma_start3A_153 = tpu.memref_squeeze %dma_start3A_152 : memref<1x80xi32, #tpu.memory_space<vmem>> -> memref<80xi32, #tpu.memory_space<vmem>>
      %dma_start3A_154 = arith.constant 0 : i32
      %dma_start3A_155 = arith.constant 0 : i32
      %dma_start3A_156 = tpu.memref_slice %arg2[%dma_start3A_154, %dma_start3A_155] : memref<10000x128xf32, #tpu.memory_space<hbm>> -> memref<10000x128xf32, #tpu.memory_space<hbm>>
      tpu.enqueue_indirect_dma source(%dma_start3A_156 : memref<10000x128xf32, #tpu.memory_space<hbm>>) target(%arg10 : memref<80x128xf32, #tpu.memory_space<vmem>>) offsets(%dma_start3A_153 : memref<80xi32, #tpu.memory_space<vmem>>) semaphore(%arg14 : memref<!tpu.dma_semaphore, #tpu.memory_space<semaphore_mem>>)
      %add3A_157 = arith.constant 2 : i32
      %add3A_158 = arith.addi %mul3A_96, %add3A_157 : i32
      "tpu.region"() ({
        %run_scoped3A_159 = tpu.sem_alloc : memref<!tpu.dma_semaphore, #tpu.memory_space<semaphore_mem>>
        %dma_start3A_160 = arith.constant 0 : i32
        %dma_start3A_161 = tpu.memref_slice %arg8[%add3A_158, %dma_start3A_160] : memref<125x80xi32, #tpu.memory_space<vmem>> -> memref<1x80xi32, #tpu.memory_space<vmem>>
        %dma_start3A_162 = tpu.memref_squeeze %dma_start3A_161 : memref<1x80xi32, #tpu.memory_space<vmem>> -> memref<80xi32, #tpu.memory_space<vmem>>
        %dma_start3A_163 = arith.constant 0 : i32
        %dma_start3A_164 = arith.constant 0 : i32
        %dma_start3A_165 = tpu.memref_slice %arg6[%dma_start3A_163, %dma_start3A_164] : memref<10000x128xf32, #tpu.memory_space<vmem_shared>> -> memref<10000x128xf32, #tpu.memory_space<vmem_shared>>
        tpu.enqueue_indirect_dma source(%arg11 : memref<80x128xf32, #tpu.memory_space<vmem>>) target(%dma_start3A_165 : memref<10000x128xf32, #tpu.memory_space<vmem_shared>>) offsets(%dma_start3A_162 : memref<80xi32, #tpu.memory_space<vmem>>) semaphore(%run_scoped3A_159 : memref<!tpu.dma_semaphore, #tpu.memory_space<semaphore_mem>>) {add = true}
        %dma_wait3A_166 = arith.constant 0 : i32
        %dma_wait3A_167 = tpu.memref_slice %arg8[%add3A_158, %dma_wait3A_166] : memref<125x80xi32, #tpu.memory_space<vmem>> -> memref<1x80xi32, #tpu.memory_space<vmem>>
        %dma_wait3A_168 = tpu.memref_squeeze %dma_wait3A_167 : memref<1x80xi32, #tpu.memory_space<vmem>> -> memref<80xi32, #tpu.memory_space<vmem>>
        %dma_wait3A_169 = arith.constant 0 : i32
        %dma_wait3A_170 = arith.constant 0 : i32
        %dma_wait3A_171 = tpu.memref_slice %arg6[%dma_wait3A_169, %dma_wait3A_170] : memref<10000x128xf32, #tpu.memory_space<vmem_shared>> -> memref<10000x128xf32, #tpu.memory_space<vmem_shared>>
        tpu.wait_indirect_dma semaphore(%run_scoped3A_159 : memref<!tpu.dma_semaphore, #tpu.memory_space<semaphore_mem>>) src(%arg11 : memref<80x128xf32, #tpu.memory_space<vmem>>) dst(%dma_wait3A_171 : memref<10000x128xf32, #tpu.memory_space<vmem_shared>>)
        tpu.yield
      }) : () -> ()
    }
    %scan3A_61 = arith.constant 41 : i32
    %dma_wait3A_62 = arith.constant 0 : i32
    %dma_wait3A_63 = arith.constant 9840 : i32
    %dma_wait3A_64 = tpu.memref_slice %arg7[%dma_wait3A_62, %dma_wait3A_63] : memref<1x10000xi32, #tpu.memory_space<vmem>> -> memref<1x80xi32, #tpu.memory_space<vmem>>
    %dma_wait3A_65 = tpu.memref_squeeze %dma_wait3A_64 : memref<1x80xi32, #tpu.memory_space<vmem>> -> memref<80xi32, #tpu.memory_space<vmem>>
    %dma_wait3A_66 = arith.constant 0 : i32
    %dma_wait3A_67 = arith.constant 0 : i32
    %dma_wait3A_68 = tpu.memref_slice %arg2[%dma_wait3A_66, %dma_wait3A_67] : memref<10000x128xf32, #tpu.memory_space<hbm>> -> memref<10000x128xf32, #tpu.memory_space<hbm>>
    tpu.wait_indirect_dma semaphore(%arg13 : memref<!tpu.dma_semaphore, #tpu.memory_space<semaphore_mem>>) src(%dma_wait3A_68 : memref<10000x128xf32, #tpu.memory_space<hbm>>) dst(%arg9 : memref<80x128xf32, #tpu.memory_space<vmem>>)
    %run_scoped3A = arith.constant 123 : i32
    "tpu.region"() ({
      %run_scoped3A_90 = tpu.sem_alloc : memref<!tpu.dma_semaphore, #tpu.memory_space<semaphore_mem>>
      %dma_start3A_91 = arith.constant 0 : i32
      %dma_start3A_92 = tpu.memref_slice %arg8[%run_scoped3A, %dma_start3A_91] : memref<125x80xi32, #tpu.memory_space<vmem>> -> memref<1x80xi32, #tpu.memory_space<vmem>>
      %dma_start3A_93 = tpu.memref_squeeze %dma_start3A_92 : memref<1x80xi32, #tpu.memory_space<vmem>> -> memref<80xi32, #tpu.memory_space<vmem>>
      %dma_start3A_94 = arith.constant 0 : i32
      %dma_start3A_95 = arith.constant 0 : i32
      %dma_start3A_96 = tpu.memref_slice %arg6[%dma_start3A_94, %dma_start3A_95] : memref<10000x128xf32, #tpu.memory_space<vmem_shared>> -> memref<10000x128xf32, #tpu.memory_space<vmem_shared>>
      tpu.enqueue_indirect_dma source(%arg9 : memref<80x128xf32, #tpu.memory_space<vmem>>) target(%dma_start3A_96 : memref<10000x128xf32, #tpu.memory_space<vmem_shared>>) offsets(%dma_start3A_93 : memref<80xi32, #tpu.memory_space<vmem>>) semaphore(%run_scoped3A_90 : memref<!tpu.dma_semaphore, #tpu.memory_space<semaphore_mem>>) {add = true}
      %dma_wait3A_97 = arith.constant 0 : i32
      %dma_wait3A_98 = tpu.memref_slice %arg8[%run_scoped3A, %dma_wait3A_97] : memref<125x80xi32, #tpu.memory_space<vmem>> -> memref<1x80xi32, #tpu.memory_space<vmem>>
      %dma_wait3A_99 = tpu.memref_squeeze %dma_wait3A_98 : memref<1x80xi32, #tpu.memory_space<vmem>> -> memref<80xi32, #tpu.memory_space<vmem>>
      %dma_wait3A_100 = arith.constant 0 : i32
      %dma_wait3A_101 = arith.constant 0 : i32
      %dma_wait3A_102 = tpu.memref_slice %arg6[%dma_wait3A_100, %dma_wait3A_101] : memref<10000x128xf32, #tpu.memory_space<vmem_shared>> -> memref<10000x128xf32, #tpu.memory_space<vmem_shared>>
      tpu.wait_indirect_dma semaphore(%run_scoped3A_90 : memref<!tpu.dma_semaphore, #tpu.memory_space<semaphore_mem>>) src(%arg9 : memref<80x128xf32, #tpu.memory_space<vmem>>) dst(%dma_wait3A_102 : memref<10000x128xf32, #tpu.memory_space<vmem_shared>>)
      tpu.yield
    }) : () -> ()
    %dma_wait3A_69 = arith.constant 0 : i32
    %dma_wait3A_70 = arith.constant 9920 : i32
    %dma_wait3A_71 = tpu.memref_slice %arg7[%dma_wait3A_69, %dma_wait3A_70] : memref<1x10000xi32, #tpu.memory_space<vmem>> -> memref<1x80xi32, #tpu.memory_space<vmem>>
    %dma_wait3A_72 = tpu.memref_squeeze %dma_wait3A_71 : memref<1x80xi32, #tpu.memory_space<vmem>> -> memref<80xi32, #tpu.memory_space<vmem>>
    %dma_wait3A_73 = arith.constant 0 : i32
    %dma_wait3A_74 = arith.constant 0 : i32
    %dma_wait3A_75 = tpu.memref_slice %arg2[%dma_wait3A_73, %dma_wait3A_74] : memref<10000x128xf32, #tpu.memory_space<hbm>> -> memref<10000x128xf32, #tpu.memory_space<hbm>>
    tpu.wait_indirect_dma semaphore(%arg14 : memref<!tpu.dma_semaphore, #tpu.memory_space<semaphore_mem>>) src(%dma_wait3A_75 : memref<10000x128xf32, #tpu.memory_space<hbm>>) dst(%arg10 : memref<80x128xf32, #tpu.memory_space<vmem>>)
    %run_scoped3A_76 = arith.constant 124 : i32
    "tpu.region"() ({
      %run_scoped3A_90 = tpu.sem_alloc : memref<!tpu.dma_semaphore, #tpu.memory_space<semaphore_mem>>
      %dma_start3A_91 = arith.constant 0 : i32
      %dma_start3A_92 = tpu.memref_slice %arg8[%run_scoped3A_76, %dma_start3A_91] : memref<125x80xi32, #tpu.memory_space<vmem>> -> memref<1x80xi32, #tpu.memory_space<vmem>>
      %dma_start3A_93 = tpu.memref_squeeze %dma_start3A_92 : memref<1x80xi32, #tpu.memory_space<vmem>> -> memref<80xi32, #tpu.memory_space<vmem>>
      %dma_start3A_94 = arith.constant 0 : i32
      %dma_start3A_95 = arith.constant 0 : i32
      %dma_start3A_96 = tpu.memref_slice %arg6[%dma_start3A_94, %dma_start3A_95] : memref<10000x128xf32, #tpu.memory_space<vmem_shared>> -> memref<10000x128xf32, #tpu.memory_space<vmem_shared>>
      tpu.enqueue_indirect_dma source(%arg10 : memref<80x128xf32, #tpu.memory_space<vmem>>) target(%dma_start3A_96 : memref<10000x128xf32, #tpu.memory_space<vmem_shared>>) offsets(%dma_start3A_93 : memref<80xi32, #tpu.memory_space<vmem>>) semaphore(%run_scoped3A_90 : memref<!tpu.dma_semaphore, #tpu.memory_space<semaphore_mem>>) {add = true}
      %dma_wait3A_97 = arith.constant 0 : i32
      %dma_wait3A_98 = tpu.memref_slice %arg8[%run_scoped3A_76, %dma_wait3A_97] : memref<125x80xi32, #tpu.memory_space<vmem>> -> memref<1x80xi32, #tpu.memory_space<vmem>>
      %dma_wait3A_99 = tpu.memref_squeeze %dma_wait3A_98 : memref<1x80xi32, #tpu.memory_space<vmem>> -> memref<80xi32, #tpu.memory_space<vmem>>
      %dma_wait3A_100 = arith.constant 0 : i32
      %dma_wait3A_101 = arith.constant 0 : i32
      %dma_wait3A_102 = tpu.memref_slice %arg6[%dma_wait3A_100, %dma_wait3A_101] : memref<10000x128xf32, #tpu.memory_space<vmem_shared>> -> memref<10000x128xf32, #tpu.memory_space<vmem_shared>>
      tpu.wait_indirect_dma semaphore(%run_scoped3A_90 : memref<!tpu.dma_semaphore, #tpu.memory_space<semaphore_mem>>) src(%arg10 : memref<80x128xf32, #tpu.memory_space<vmem>>) dst(%dma_wait3A_102 : memref<10000x128xf32, #tpu.memory_space<vmem_shared>>)
      tpu.yield
    }) : () -> ()
    %barrier3A_77 = arith.constant 0 : index
    tpu.barrier barrier_id(%barrier3A_77)
    %mul3A_78 = arith.constant 624 : i32
    %mul3A_79 = arith.muli %arg1, %mul3A_78 : i32
    %mul3A_80 = arith.constant 10000 : i32
    %mul3A_81 = arith.muli %arg0, %mul3A_80 : i32
    %mul3A_82 = arith.constant 624 : i32
    %mul3A_83 = arith.muli %arg1, %mul3A_82 : i32
    %add3A_84 = arith.addi %mul3A_81, %mul3A_83 : i32
    "tpu.region"() ({
      %run_scoped3A_90 = tpu.sem_alloc : memref<!tpu.dma_semaphore, #tpu.memory_space<semaphore_mem>>
      %dma_start3A_91 = arith.constant 0 : i32
      %dma_start3A_92 = tpu.memref_slice %arg5[%add3A_84, %dma_start3A_91] : memref<20000x128xf32, #tpu.memory_space<hbm>> -> memref<624x128xf32, #tpu.memory_space<hbm>>
      %dma_start3A_93 = arith.constant 0 : i32
      %dma_start3A_94 = tpu.memref_slice %arg6[%mul3A_79, %dma_start3A_93] : memref<10000x128xf32, #tpu.memory_space<vmem_shared>> -> memref<624x128xf32, #tpu.memory_space<vmem_shared>>
      tpu.enqueue_dma source(%dma_start3A_94 : memref<624x128xf32, #tpu.memory_space<vmem_shared>>) target(%dma_start3A_92 : memref<624x128xf32, #tpu.memory_space<hbm>>) target_semaphore(%run_scoped3A_90 : memref<!tpu.dma_semaphore, #tpu.memory_space<semaphore_mem>>)
      %dma_wait3A_95 = arith.constant 0 : i32
      %dma_wait3A_96 = tpu.memref_slice %arg5[%add3A_84, %dma_wait3A_95] : memref<20000x128xf32, #tpu.memory_space<hbm>> -> memref<624x128xf32, #tpu.memory_space<hbm>>
      %dma_wait3A_97 = arith.constant 0 : i32
      %dma_wait3A_98 = tpu.memref_slice %arg6[%mul3A_79, %dma_wait3A_97] : memref<10000x128xf32, #tpu.memory_space<vmem_shared>> -> memref<624x128xf32, #tpu.memory_space<vmem_shared>>
      tpu.wait_dma2 semaphore(%run_scoped3A_90 : memref<!tpu.dma_semaphore, #tpu.memory_space<semaphore_mem>>) src(%dma_wait3A_98 : memref<624x128xf32, #tpu.memory_space<vmem_shared>>) dst(%dma_wait3A_96 : memref<624x128xf32, #tpu.memory_space<hbm>>)
      tpu.yield
    }) : () -> ()
    %eq3A_85 = arith.constant 15 : i32
    %eq3A_86 = arith.cmpi eq, %arg1, %eq3A_85 : i32
    %convert_element_type3A_87 = arith.extui %eq3A_86 : i1 to i32
    %cond3A_88 = arith.constant 0 : i32
    %cond3A_89 = arith.cmpi ne, %convert_element_type3A_87, %cond3A_88 : i32
    scf.if %cond3A_89 {
      %mul3A_90 = arith.constant 10000 : i32
      %mul3A_91 = arith.muli %arg0, %mul3A_90 : i32
      %add3A_92 = arith.constant 9984 : i32
      %add3A_93 = arith.addi %mul3A_91, %add3A_92 : i32
      "tpu.region"() ({
        %run_scoped3A_94 = tpu.sem_alloc : memref<!tpu.dma_semaphore, #tpu.memory_space<semaphore_mem>>
        %dma_start3A_95 = arith.constant 0 : i32
        %dma_start3A_96 = tpu.memref_slice %arg5[%add3A_93, %dma_start3A_95] : memref<20000x128xf32, #tpu.memory_space<hbm>> -> memref<16x128xf32, #tpu.memory_space<hbm>>
        %dma_start3A_97 = arith.constant 9984 : i32
        %dma_start3A_98 = arith.constant 0 : i32
        %dma_start3A_99 = tpu.memref_slice %arg6[%dma_start3A_97, %dma_start3A_98] : memref<10000x128xf32, #tpu.memory_space<vmem_shared>> -> memref<16x128xf32, #tpu.memory_space<vmem_shared>>
        tpu.enqueue_dma source(%dma_start3A_99 : memref<16x128xf32, #tpu.memory_space<vmem_shared>>) target(%dma_start3A_96 : memref<16x128xf32, #tpu.memory_space<hbm>>) target_semaphore(%run_scoped3A_94 : memref<!tpu.dma_semaphore, #tpu.memory_space<semaphore_mem>>)
        %dma_wait3A_100 = arith.constant 0 : i32
        %dma_wait3A_101 = tpu.memref_slice %arg5[%add3A_93, %dma_wait3A_100] : memref<20000x128xf32, #tpu.memory_space<hbm>> -> memref<16x128xf32, #tpu.memory_space<hbm>>
        %dma_wait3A_102 = arith.constant 9984 : i32
        %dma_wait3A_103 = arith.constant 0 : i32
        %dma_wait3A_104 = tpu.memref_slice %arg6[%dma_wait3A_102, %dma_wait3A_103] : memref<10000x128xf32, #tpu.memory_space<vmem_shared>> -> memref<16x128xf32, #tpu.memory_space<vmem_shared>>
        tpu.wait_dma2 semaphore(%run_scoped3A_94 : memref<!tpu.dma_semaphore, #tpu.memory_space<semaphore_mem>>) src(%dma_wait3A_104 : memref<16x128xf32, #tpu.memory_space<vmem_shared>>) dst(%dma_wait3A_101 : memref<16x128xf32, #tpu.memory_space<hbm>>)
        tpu.yield
      }) : () -> ()
    } else {
    }
    return
  }
}

module attributes {stable_mosaic.version = 14 : i64} {
  func.func @_tc_layer_body(%arg0: i32, %arg1: memref<2000x128xf32, #tpu.memory_space<vmem>>, %arg2: memref<2000x128xf32, #tpu.memory_space<vmem>>, %arg3: memref<2000x128xf32, #tpu.memory_space<vmem>>, %arg4: memref<128x128xf32, #tpu.memory_space<vmem>>, %arg5: memref<1x128xf32, #tpu.memory_space<vmem>>, %arg6: memref<1x128xf32, #tpu.memory_space<vmem>>, %arg7: memref<1x128xf32, #tpu.memory_space<vmem>>, %arg8: memref<128x128xf32, #tpu.memory_space<vmem>>, %arg9: memref<1x128xf32, #tpu.memory_space<vmem>>, %arg10: memref<2000x128xf32, #tpu.memory_space<vmem>>) attributes {dimension_semantics = [#tpu.dimension_semantics<arbitrary>], iteration_bounds = array<i64: 5>, scalar_prefetch = 0 : i64, scratch_operands = 0 : i64, tpu.core_type = #tpu.core_type<tc>, window_params = [{transform_indices = @transform_0, window_bounds = array<i64: 2000, 128>}, {transform_indices = @transform_1, window_bounds = array<i64: 2000, 128>}, {transform_indices = @transform_2, window_bounds = array<i64: 2000, 128>}, {pipeline_mode = #tpu.pipeline_mode<synchronous>, transform_indices = @transform_3, window_bounds = array<i64: 128, 128>}, {pipeline_mode = #tpu.pipeline_mode<synchronous>, transform_indices = @transform_4, window_bounds = array<i64: 1, 128>}, {pipeline_mode = #tpu.pipeline_mode<synchronous>, transform_indices = @transform_5, window_bounds = array<i64: 1, 128>}, {pipeline_mode = #tpu.pipeline_mode<synchronous>, transform_indices = @transform_6, window_bounds = array<i64: 1, 128>}, {pipeline_mode = #tpu.pipeline_mode<synchronous>, transform_indices = @transform_7, window_bounds = array<i64: 128, 128>}, {pipeline_mode = #tpu.pipeline_mode<synchronous>, transform_indices = @transform_8, window_bounds = array<i64: 1, 128>}, {transform_indices = @transform_9, window_bounds = array<i64: 2000, 128>}]} {
    %get3A = arith.constant 0 : index
    %get3A_0 = arith.constant 0 : index
    %get3A_1 = vector.load %arg1[%get3A, %get3A_0] : memref<2000x128xf32, #tpu.memory_space<vmem>>, vector<2000x128xf32>
    %get3A_2 = arith.constant 0 : index
    %get3A_3 = arith.constant 0 : index
    %get3A_4 = vector.load %arg2[%get3A_2, %get3A_3] : memref<2000x128xf32, #tpu.memory_space<vmem>>, vector<2000x128xf32>
    %add3A = arith.addf %get3A_1, %get3A_4 : vector<2000x128xf32>
    %get3A_5 = arith.constant 0 : index
    %get3A_6 = arith.constant 0 : index
    %get3A_7 = vector.load %arg3[%get3A_5, %get3A_6] : memref<2000x128xf32, #tpu.memory_space<vmem>>, vector<2000x128xf32>
    %add3A_8 = arith.addf %add3A, %get3A_7 : vector<2000x128xf32>
    %get3A_9 = arith.constant 0 : index
    %get3A_10 = arith.constant 0 : index
    %get3A_11 = vector.load %arg4[%get3A_9, %get3A_10] : memref<128x128xf32, #tpu.memory_space<vmem>>, vector<128x128xf32>
    %dot_general3A = arith.constant dense<0.000000e+00> : vector<2000x128xf32>
    %dot_general3A_12 = tpu.matmul %add3A_8, %get3A_11, %dot_general3A {dimension_numbers = #tpu.dot_dimension_numbers<[1], [0], [0], [1], [0, 0, 1, 1], [], []>, transpose_lhs_hint = false} : vector<2000x128xf32>, vector<128x128xf32>, vector<2000x128xf32> -> vector<2000x128xf32>
    %get3A_13 = arith.constant 0 : index
    %get3A_14 = arith.constant 0 : index
    %get3A_15 = vector.load %arg5[%get3A_13, %get3A_14] : memref<1x128xf32, #tpu.memory_space<vmem>>, vector<1x128xf32>
    %add3A_16 = vector.broadcast %get3A_15 : vector<1x128xf32> to vector<2000x128xf32>
    %add3A_17 = arith.addf %dot_general3A_12, %add3A_16 : vector<2000x128xf32>
    %get3A_18 = arith.constant 0 : index
    %get3A_19 = arith.constant 0 : index
    %get3A_20 = vector.load %arg6[%get3A_18, %get3A_19] : memref<1x128xf32, #tpu.memory_space<vmem>>, vector<1x128xf32>
    %mul3A = arith.constant 0.999994993 : f32
    %mul3A_21 = vector.broadcast %mul3A : f32 to vector<1x128xf32>
    %mul3A_22 = arith.mulf %get3A_20, %mul3A_21 : vector<1x128xf32>
    %mul3A_23 = vector.broadcast %mul3A_22 : vector<1x128xf32> to vector<2000x128xf32>
    %mul3A_24 = arith.mulf %add3A_17, %mul3A_23 : vector<2000x128xf32>
    %get3A_25 = arith.constant 0 : index
    %get3A_26 = arith.constant 0 : index
    %get3A_27 = vector.load %arg7[%get3A_25, %get3A_26] : memref<1x128xf32, #tpu.memory_space<vmem>>, vector<1x128xf32>
    %add3A_28 = vector.broadcast %get3A_27 : vector<1x128xf32> to vector<2000x128xf32>
    %add3A_29 = arith.addf %mul3A_24, %add3A_28 : vector<2000x128xf32>
    %max3A = arith.constant 0.000000e+00 : f32
    %max3A_30 = vector.broadcast %max3A : f32 to vector<2000x128xf32>
    %max3A_31 = arith.maximumf %add3A_29, %max3A_30 : vector<2000x128xf32>
    %get3A_32 = arith.constant 0 : index
    %get3A_33 = arith.constant 0 : index
    %get3A_34 = vector.load %arg8[%get3A_32, %get3A_33] : memref<128x128xf32, #tpu.memory_space<vmem>>, vector<128x128xf32>
    %dot_general3A_35 = arith.constant dense<0.000000e+00> : vector<2000x128xf32>
    %dot_general3A_36 = tpu.matmul %max3A_31, %get3A_34, %dot_general3A_35 {dimension_numbers = #tpu.dot_dimension_numbers<[1], [0], [0], [1], [0, 0, 1, 1], [], []>, transpose_lhs_hint = false} : vector<2000x128xf32>, vector<128x128xf32>, vector<2000x128xf32> -> vector<2000x128xf32>
    %get3A_37 = arith.constant 0 : index
    %get3A_38 = arith.constant 0 : index
    %get3A_39 = vector.load %arg9[%get3A_37, %get3A_38] : memref<1x128xf32, #tpu.memory_space<vmem>>, vector<1x128xf32>
    %add3A_40 = vector.broadcast %get3A_39 : vector<1x128xf32> to vector<2000x128xf32>
    %add3A_41 = arith.addf %dot_general3A_36, %add3A_40 : vector<2000x128xf32>
    %max3A_42 = arith.constant 0.000000e+00 : f32
    %max3A_43 = vector.broadcast %max3A_42 : f32 to vector<2000x128xf32>
    %max3A_44 = arith.maximumf %add3A_41, %max3A_43 : vector<2000x128xf32>
    %swap3A = arith.constant 0 : index
    %swap3A_45 = arith.constant 0 : index
    %swap3A_46 = vector.load %arg10[%swap3A, %swap3A_45] : memref<2000x128xf32, #tpu.memory_space<vmem>>, vector<2000x128xf32>
    tpu.vector_store %arg10[%swap3A, %swap3A_45], %max3A_44 {strides = array<i32>} : memref<2000x128xf32, #tpu.memory_space<vmem>>, vector<2000x128xf32>,
    return
  }
  func.func @transform_0(%arg0: i32) -> (i32, i32) {
    %c0_i32 = arith.constant 0 : i32
    %c0_i32_0 = arith.constant 0 : i32
    return %arg0, %c0_i32 : i32, i32
  }
  func.func @transform_1(%arg0: i32) -> (i32, i32) {
    %c0_i32 = arith.constant 0 : i32
    %c0_i32_0 = arith.constant 0 : i32
    return %arg0, %c0_i32 : i32, i32
  }
  func.func @transform_2(%arg0: i32) -> (i32, i32) {
    %add3A = arith.constant 5 : i32
    %add3A_0 = arith.addi %arg0, %add3A : i32
    %c0_i32 = arith.constant 0 : i32
    %c0_i32_1 = arith.constant 0 : i32
    return %add3A_0, %c0_i32 : i32, i32
  }
  func.func @transform_3(%arg0: i32) -> (i32, i32) {
    %c0_i32 = arith.constant 0 : i32
    %c0_i32_0 = arith.constant 0 : i32
    %c0_i32_1 = arith.constant 0 : i32
    return %c0_i32, %c0_i32_0 : i32, i32
  }
  func.func @transform_4(%arg0: i32) -> (i32, i32) {
    %c0_i32 = arith.constant 0 : i32
    %c0_i32_0 = arith.constant 0 : i32
    %c0_i32_1 = arith.constant 0 : i32
    return %c0_i32, %c0_i32_0 : i32, i32
  }
  func.func @transform_5(%arg0: i32) -> (i32, i32) {
    %c0_i32 = arith.constant 0 : i32
    %c0_i32_0 = arith.constant 0 : i32
    %c0_i32_1 = arith.constant 0 : i32
    return %c0_i32, %c0_i32_0 : i32, i32
  }
  func.func @transform_6(%arg0: i32) -> (i32, i32) {
    %c0_i32 = arith.constant 0 : i32
    %c0_i32_0 = arith.constant 0 : i32
    %c0_i32_1 = arith.constant 0 : i32
    return %c0_i32, %c0_i32_0 : i32, i32
  }
  func.func @transform_7(%arg0: i32) -> (i32, i32) {
    %c0_i32 = arith.constant 0 : i32
    %c0_i32_0 = arith.constant 0 : i32
    %c0_i32_1 = arith.constant 0 : i32
    return %c0_i32, %c0_i32_0 : i32, i32
  }
  func.func @transform_8(%arg0: i32) -> (i32, i32) {
    %c0_i32 = arith.constant 0 : i32
    %c0_i32_0 = arith.constant 0 : i32
    %c0_i32_1 = arith.constant 0 : i32
    return %c0_i32, %c0_i32_0 : i32, i32
  }
  func.func @transform_9(%arg0: i32) -> (i32, i32) {
    %c0_i32 = arith.constant 0 : i32
    %c0_i32_0 = arith.constant 0 : i32
    return %arg0, %c0_i32 : i32, i32
  }
}

module attributes {stable_mosaic.version = 14 : i64} {
  func.func @_tc_pool_body(%arg0: i32, %arg1: memref<2000x128xf32, #tpu.memory_space<vmem>>, %arg2: memref<1x1x2000xi32, #tpu.memory_space<vmem>>, %arg3: memref<128x128xf32, #tpu.memory_space<vmem>>) attributes {dimension_semantics = [#tpu.dimension_semantics<arbitrary>], iteration_bounds = array<i64: 5>, scalar_prefetch = 0 : i64, scratch_operands = 0 : i64, tpu.core_type = #tpu.core_type<tc>, window_params = [{transform_indices = @transform_0, window_bounds = array<i64: 2000, 128>}, {transform_indices = @transform_1, window_bounds = array<i64: 1, 1, 2000>}, {pipeline_mode = #tpu.pipeline_mode<synchronous>, transform_indices = @transform_2, window_bounds = array<i64: 128, 128>}]} {
    %get3A = arith.constant 0 : index
    %get3A_0 = arith.constant 0 : index
    %get3A_1 = vector.load %arg1[%get3A, %get3A_0] : memref<2000x128xf32, #tpu.memory_space<vmem>>, vector<2000x128xf32>
    %get3A_2 = arith.constant 0 : index
    %get3A_3 = arith.constant 0 : index
    %get3A_4 = arith.constant 0 : index
    %get3A_5 = vector.load %arg2[%get3A_2, %get3A_3, %get3A_4] : memref<1x1x2000xi32, #tpu.memory_space<vmem>>, vector<1x1x2000xi32>
    %get3A_6 = vector.shape_cast %get3A_5 : vector<1x1x2000xi32> to vector<2000xi32>
    %broadcast_in_dim3A = vector.shape_cast %get3A_6 : vector<2000xi32> to vector<2000x1xi32>
    %iota3A = tpu.iota {dimensions = array<i32: 1>} : vector<1x128xi32>
    %eq3A = vector.broadcast %broadcast_in_dim3A : vector<2000x1xi32> to vector<2000x128xi32>
    %eq3A_7 = vector.broadcast %iota3A : vector<1x128xi32> to vector<2000x128xi32>
    %eq3A_8 = arith.cmpi eq, %eq3A, %eq3A_7 : vector<2000x128xi32>
    %convert_element_type3A = arith.extui %eq3A_8 : vector<2000x128xi1> to vector<2000x128xi32>
    %convert_element_type3A_9 = arith.sitofp %convert_element_type3A : vector<2000x128xi32> to vector<2000x128xf32>
    %dot_general3A = arith.constant dense<0.000000e+00> : vector<128x128xf32>
    %dot_general3A_10 = tpu.matmul %convert_element_type3A_9, %get3A_1, %dot_general3A {dimension_numbers = #tpu.dot_dimension_numbers<[0], [0], [1], [1], [0, 1, 1, 1], [], []>, transpose_lhs_hint = false} : vector<2000x128xf32>, vector<2000x128xf32>, vector<128x128xf32> -> vector<128x128xf32>
    %eq3A_11 = arith.constant 0 : i32
    %eq3A_12 = arith.cmpi eq, %arg0, %eq3A_11 : i32
    %convert_element_type3A_13 = arith.extui %eq3A_12 : i1 to i32
    %cond3A = arith.constant 0 : i32
    %cond3A_14 = arith.cmpi ne, %convert_element_type3A_13, %cond3A : i32
    scf.if %cond3A_14 {
      %swap3A = arith.constant 0 : index
      %swap3A_19 = arith.constant 0 : index
      %swap3A_20 = vector.load %arg3[%swap3A, %swap3A_19] : memref<128x128xf32, #tpu.memory_space<vmem>>, vector<128x128xf32>
      tpu.vector_store %arg3[%swap3A, %swap3A_19], %dot_general3A_10 {strides = array<i32>} : memref<128x128xf32, #tpu.memory_space<vmem>>, vector<128x128xf32>,
    } else {
    }
    %gt3A = arith.constant 0 : i32
    %gt3A_15 = arith.cmpi sgt, %arg0, %gt3A : i32
    %convert_element_type3A_16 = arith.extui %gt3A_15 : i1 to i32
    %cond3A_17 = arith.constant 0 : i32
    %cond3A_18 = arith.cmpi ne, %convert_element_type3A_16, %cond3A_17 : i32
    scf.if %cond3A_18 {
      %get3A_19 = arith.constant 0 : index
      %get3A_20 = arith.constant 0 : index
      %get3A_21 = vector.load %arg3[%get3A_19, %get3A_20] : memref<128x128xf32, #tpu.memory_space<vmem>>, vector<128x128xf32>
      %add3A = arith.addf %get3A_21, %dot_general3A_10 : vector<128x128xf32>
      %swap3A = arith.constant 0 : index
      %swap3A_22 = arith.constant 0 : index
      %swap3A_23 = vector.load %arg3[%swap3A, %swap3A_22] : memref<128x128xf32, #tpu.memory_space<vmem>>, vector<128x128xf32>
      tpu.vector_store %arg3[%swap3A, %swap3A_22], %add3A {strides = array<i32>} : memref<128x128xf32, #tpu.memory_space<vmem>>, vector<128x128xf32>,
    } else {
    }
    return
  }
  func.func @transform_0(%arg0: i32) -> (i32, i32) {
    %c0_i32 = arith.constant 0 : i32
    %c0_i32_0 = arith.constant 0 : i32
    return %arg0, %c0_i32 : i32, i32
  }
  func.func @transform_1(%arg0: i32) -> (i32, i32, i32) {
    %c0_i32 = arith.constant 0 : i32
    %c0_i32_0 = arith.constant 0 : i32
    %c0_i32_1 = arith.constant 0 : i32
    return %arg0, %c0_i32, %c0_i32_0 : i32, i32, i32
  }
  func.func @transform_2(%arg0: i32) -> (i32, i32) {
    %c0_i32 = arith.constant 0 : i32
    %c0_i32_0 = arith.constant 0 : i32
    %c0_i32_1 = arith.constant 0 : i32
    return %c0_i32, %c0_i32_0 : i32, i32
  }
}

module attributes {stable_mosaic.version = 14 : i64} {
  func.func @_pool3_head_body(%arg0: i32, %arg1: memref<2000x128xf32, #tpu.memory_space<vmem>>, %arg2: memref<2000x128xf32, #tpu.memory_space<vmem>>, %arg3: memref<2000x128xf32, #tpu.memory_space<vmem>>, %arg4: memref<128x128xf32, #tpu.memory_space<vmem>>, %arg5: memref<1x128xf32, #tpu.memory_space<vmem>>, %arg6: memref<1x128xf32, #tpu.memory_space<vmem>>, %arg7: memref<1x128xf32, #tpu.memory_space<vmem>>, %arg8: memref<128x128xf32, #tpu.memory_space<vmem>>, %arg9: memref<1x128xf32, #tpu.memory_space<vmem>>, %arg10: memref<1x1x2000xi32, #tpu.memory_space<vmem>>, %arg11: memref<128x128xf32, #tpu.memory_space<vmem>>, %arg12: memref<128x128xf32, #tpu.memory_space<vmem>>, %arg13: memref<384x384xf32, #tpu.memory_space<vmem>>, %arg14: memref<1x384xf32, #tpu.memory_space<vmem>>, %arg15: memref<384x10xf32, #tpu.memory_space<vmem>>, %arg16: memref<1x10xf32, #tpu.memory_space<vmem>>, %arg17: memref<128x10xf32, #tpu.memory_space<vmem>>, %arg18: memref<128x128xf32, #tpu.memory_space<vmem>>) attributes {dimension_semantics = [#tpu.dimension_semantics<arbitrary>], iteration_bounds = array<i64: 5>, scalar_prefetch = 0 : i64, scratch_operands = 1 : i64, tpu.core_type = #tpu.core_type<tc>, window_params = [{transform_indices = @transform_0, window_bounds = array<i64: 2000, 128>}, {transform_indices = @transform_1, window_bounds = array<i64: 2000, 128>}, {transform_indices = @transform_2, window_bounds = array<i64: 2000, 128>}, {pipeline_mode = #tpu.pipeline_mode<synchronous>, transform_indices = @transform_3, window_bounds = array<i64: 128, 128>}, {pipeline_mode = #tpu.pipeline_mode<synchronous>, transform_indices = @transform_4, window_bounds = array<i64: 1, 128>}, {pipeline_mode = #tpu.pipeline_mode<synchronous>, transform_indices = @transform_5, window_bounds = array<i64: 1, 128>}, {pipeline_mode = #tpu.pipeline_mode<synchronous>, transform_indices = @transform_6, window_bounds = array<i64: 1, 128>}, {pipeline_mode = #tpu.pipeline_mode<synchronous>, transform_indices = @transform_7, window_bounds = array<i64: 128, 128>}, {pipeline_mode = #tpu.pipeline_mode<synchronous>, transform_indices = @transform_8, window_bounds = array<i64: 1, 128>}, {transform_indices = @transform_9, window_bounds = array<i64: 1, 1, 2000>}, {pipeline_mode = #tpu.pipeline_mode<synchronous>, transform_indices = @transform_10, window_bounds = array<i64: 128, 128>}, {pipeline_mode = #tpu.pipeline_mode<synchronous>, transform_indices = @transform_11, window_bounds = array<i64: 128, 128>}, {pipeline_mode = #tpu.pipeline_mode<synchronous>, transform_indices = @transform_12, window_bounds = array<i64: 384, 384>}, {pipeline_mode = #tpu.pipeline_mode<synchronous>, transform_indices = @transform_13, window_bounds = array<i64: 1, 384>}, {pipeline_mode = #tpu.pipeline_mode<synchronous>, transform_indices = @transform_14, window_bounds = array<i64: 384, 10>}, {pipeline_mode = #tpu.pipeline_mode<synchronous>, transform_indices = @transform_15, window_bounds = array<i64: 1, 10>}, {pipeline_mode = #tpu.pipeline_mode<synchronous>, transform_indices = @transform_16, window_bounds = array<i64: 128, 10>}]} {
    %get3A = arith.constant 0 : index
    %get3A_0 = arith.constant 0 : index
    %get3A_1 = vector.load %arg1[%get3A, %get3A_0] : memref<2000x128xf32, #tpu.memory_space<vmem>>, vector<2000x128xf32>
    %get3A_2 = arith.constant 0 : index
    %get3A_3 = arith.constant 0 : index
    %get3A_4 = vector.load %arg2[%get3A_2, %get3A_3] : memref<2000x128xf32, #tpu.memory_space<vmem>>, vector<2000x128xf32>
    %add3A = arith.addf %get3A_1, %get3A_4 : vector<2000x128xf32>
    %get3A_5 = arith.constant 0 : index
    %get3A_6 = arith.constant 0 : index
    %get3A_7 = vector.load %arg3[%get3A_5, %get3A_6] : memref<2000x128xf32, #tpu.memory_space<vmem>>, vector<2000x128xf32>
    %add3A_8 = arith.addf %add3A, %get3A_7 : vector<2000x128xf32>
    %get3A_9 = arith.constant 0 : index
    %get3A_10 = arith.constant 0 : index
    %get3A_11 = vector.load %arg4[%get3A_9, %get3A_10] : memref<128x128xf32, #tpu.memory_space<vmem>>, vector<128x128xf32>
    %dot_general3A = arith.constant dense<0.000000e+00> : vector<2000x128xf32>
    %dot_general3A_12 = tpu.matmul %add3A_8, %get3A_11, %dot_general3A {dimension_numbers = #tpu.dot_dimension_numbers<[1], [0], [0], [1], [0, 0, 1, 1], [], []>, transpose_lhs_hint = false} : vector<2000x128xf32>, vector<128x128xf32>, vector<2000x128xf32> -> vector<2000x128xf32>
    %get3A_13 = arith.constant 0 : index
    %get3A_14 = arith.constant 0 : index
    %get3A_15 = vector.load %arg5[%get3A_13, %get3A_14] : memref<1x128xf32, #tpu.memory_space<vmem>>, vector<1x128xf32>
    %add3A_16 = vector.broadcast %get3A_15 : vector<1x128xf32> to vector<2000x128xf32>
    %add3A_17 = arith.addf %dot_general3A_12, %add3A_16 : vector<2000x128xf32>
    %get3A_18 = arith.constant 0 : index
    %get3A_19 = arith.constant 0 : index
    %get3A_20 = vector.load %arg6[%get3A_18, %get3A_19] : memref<1x128xf32, #tpu.memory_space<vmem>>, vector<1x128xf32>
    %mul3A = arith.constant 0.999994993 : f32
    %mul3A_21 = vector.broadcast %mul3A : f32 to vector<1x128xf32>
    %mul3A_22 = arith.mulf %get3A_20, %mul3A_21 : vector<1x128xf32>
    %mul3A_23 = vector.broadcast %mul3A_22 : vector<1x128xf32> to vector<2000x128xf32>
    %mul3A_24 = arith.mulf %add3A_17, %mul3A_23 : vector<2000x128xf32>
    %get3A_25 = arith.constant 0 : index
    %get3A_26 = arith.constant 0 : index
    %get3A_27 = vector.load %arg7[%get3A_25, %get3A_26] : memref<1x128xf32, #tpu.memory_space<vmem>>, vector<1x128xf32>
    %add3A_28 = vector.broadcast %get3A_27 : vector<1x128xf32> to vector<2000x128xf32>
    %add3A_29 = arith.addf %mul3A_24, %add3A_28 : vector<2000x128xf32>
    %max3A = arith.constant 0.000000e+00 : f32
    %max3A_30 = vector.broadcast %max3A : f32 to vector<2000x128xf32>
    %max3A_31 = arith.maximumf %add3A_29, %max3A_30 : vector<2000x128xf32>
    %get3A_32 = arith.constant 0 : index
    %get3A_33 = arith.constant 0 : index
    %get3A_34 = vector.load %arg8[%get3A_32, %get3A_33] : memref<128x128xf32, #tpu.memory_space<vmem>>, vector<128x128xf32>
    %dot_general3A_35 = arith.constant dense<0.000000e+00> : vector<2000x128xf32>
    %dot_general3A_36 = tpu.matmul %max3A_31, %get3A_34, %dot_general3A_35 {dimension_numbers = #tpu.dot_dimension_numbers<[1], [0], [0], [1], [0, 0, 1, 1], [], []>, transpose_lhs_hint = false} : vector<2000x128xf32>, vector<128x128xf32>, vector<2000x128xf32> -> vector<2000x128xf32>
    %get3A_37 = arith.constant 0 : index
    %get3A_38 = arith.constant 0 : index
    %get3A_39 = vector.load %arg9[%get3A_37, %get3A_38] : memref<1x128xf32, #tpu.memory_space<vmem>>, vector<1x128xf32>
    %add3A_40 = vector.broadcast %get3A_39 : vector<1x128xf32> to vector<2000x128xf32>
    %add3A_41 = arith.addf %dot_general3A_36, %add3A_40 : vector<2000x128xf32>
    %max3A_42 = arith.constant 0.000000e+00 : f32
    %max3A_43 = vector.broadcast %max3A_42 : f32 to vector<2000x128xf32>
    %max3A_44 = arith.maximumf %add3A_41, %max3A_43 : vector<2000x128xf32>
    %get3A_45 = arith.constant 0 : index
    %get3A_46 = arith.constant 0 : index
    %get3A_47 = arith.constant 0 : index
    %get3A_48 = vector.load %arg10[%get3A_45, %get3A_46, %get3A_47] : memref<1x1x2000xi32, #tpu.memory_space<vmem>>, vector<1x1x2000xi32>
    %get3A_49 = vector.shape_cast %get3A_48 : vector<1x1x2000xi32> to vector<2000xi32>
    %broadcast_in_dim3A = vector.shape_cast %get3A_49 : vector<2000xi32> to vector<2000x1xi32>
    %iota3A = tpu.iota {dimensions = array<i32: 1>} : vector<1x128xi32>
    %eq3A = vector.broadcast %broadcast_in_dim3A : vector<2000x1xi32> to vector<2000x128xi32>
    %eq3A_50 = vector.broadcast %iota3A : vector<1x128xi32> to vector<2000x128xi32>
    %eq3A_51 = arith.cmpi eq, %eq3A, %eq3A_50 : vector<2000x128xi32>
    %convert_element_type3A = arith.extui %eq3A_51 : vector<2000x128xi1> to vector<2000x128xi32>
    %convert_element_type3A_52 = arith.sitofp %convert_element_type3A : vector<2000x128xi32> to vector<2000x128xf32>
    %dot_general3A_53 = arith.constant dense<0.000000e+00> : vector<128x128xf32>
    %dot_general3A_54 = tpu.matmul %convert_element_type3A_52, %max3A_44, %dot_general3A_53 {dimension_numbers = #tpu.dot_dimension_numbers<[0], [0], [1], [1], [0, 1, 1, 1], [], []>, transpose_lhs_hint = false} : vector<2000x128xf32>, vector<2000x128xf32>, vector<128x128xf32> -> vector<128x128xf32>
    %eq3A_55 = arith.constant 0 : i32
    %eq3A_56 = arith.cmpi eq, %arg0, %eq3A_55 : i32
    %convert_element_type3A_57 = arith.extui %eq3A_56 : i1 to i32
    %cond3A = arith.constant 0 : i32
    %cond3A_58 = arith.cmpi ne, %convert_element_type3A_57, %cond3A : i32
    scf.if %cond3A_58 {
      %swap3A = arith.constant 0 : index
      %swap3A_68 = arith.constant 0 : index
      %swap3A_69 = vector.load %arg18[%swap3A, %swap3A_68] : memref<128x128xf32, #tpu.memory_space<vmem>>, vector<128x128xf32>
      tpu.vector_store %arg18[%swap3A, %swap3A_68], %dot_general3A_54 {strides = array<i32>} : memref<128x128xf32, #tpu.memory_space<vmem>>, vector<128x128xf32>,
    } else {
    }
    %gt3A = arith.constant 0 : i32
    %gt3A_59 = arith.cmpi sgt, %arg0, %gt3A : i32
    %convert_element_type3A_60 = arith.extui %gt3A_59 : i1 to i32
    %cond3A_61 = arith.constant 0 : i32
    %cond3A_62 = arith.cmpi ne, %convert_element_type3A_60, %cond3A_61 : i32
    scf.if %cond3A_62 {
      %get3A_68 = arith.constant 0 : index
      %get3A_69 = arith.constant 0 : index
      %get3A_70 = vector.load %arg18[%get3A_68, %get3A_69] : memref<128x128xf32, #tpu.memory_space<vmem>>, vector<128x128xf32>
      %add3A_71 = arith.addf %get3A_70, %dot_general3A_54 : vector<128x128xf32>
      %swap3A = arith.constant 0 : index
      %swap3A_72 = arith.constant 0 : index
      %swap3A_73 = vector.load %arg18[%swap3A, %swap3A_72] : memref<128x128xf32, #tpu.memory_space<vmem>>, vector<128x128xf32>
      tpu.vector_store %arg18[%swap3A, %swap3A_72], %add3A_71 {strides = array<i32>} : memref<128x128xf32, #tpu.memory_space<vmem>>, vector<128x128xf32>,
    } else {
    }
    %eq3A_63 = arith.constant 4 : i32
    %eq3A_64 = arith.cmpi eq, %arg0, %eq3A_63 : i32
    %convert_element_type3A_65 = arith.extui %eq3A_64 : i1 to i32
    %cond3A_66 = arith.constant 0 : i32
    %cond3A_67 = arith.cmpi ne, %convert_element_type3A_65, %cond3A_66 : i32
    scf.if %cond3A_67 {
      %get3A_68 = arith.constant 0 : index
      %get3A_69 = arith.constant 0 : index
      %get3A_70 = vector.load %arg11[%get3A_68, %get3A_69] : memref<128x128xf32, #tpu.memory_space<vmem>>, vector<128x128xf32>
      %get3A_71 = arith.constant 0 : index
      %get3A_72 = arith.constant 0 : index
      %get3A_73 = vector.load %arg13[%get3A_71, %get3A_72] : memref<384x384xf32, #tpu.memory_space<vmem>>, vector<128x384xf32>
      %dot_general3A_74 = arith.constant dense<0.000000e+00> : vector<128x384xf32>
      %dot_general3A_75 = tpu.matmul %get3A_70, %get3A_73, %dot_general3A_74 {dimension_numbers = #tpu.dot_dimension_numbers<[1], [0], [0], [1], [0, 0, 1, 1], [], []>, transpose_lhs_hint = false} : vector<128x128xf32>, vector<128x384xf32>, vector<128x384xf32> -> vector<128x384xf32>
      %get3A_76 = arith.constant 0 : index
      %get3A_77 = arith.constant 0 : index
      %get3A_78 = vector.load %arg12[%get3A_76, %get3A_77] : memref<128x128xf32, #tpu.memory_space<vmem>>, vector<128x128xf32>
      %get3A_79 = arith.constant 128 : index
      %get3A_80 = arith.constant 0 : index
      %get3A_81 = vector.load %arg13[%get3A_79, %get3A_80] : memref<384x384xf32, #tpu.memory_space<vmem>>, vector<128x384xf32>
      %dot_general3A_82 = arith.constant dense<0.000000e+00> : vector<128x384xf32>
      %dot_general3A_83 = tpu.matmul %get3A_78, %get3A_81, %dot_general3A_82 {dimension_numbers = #tpu.dot_dimension_numbers<[1], [0], [0], [1], [0, 0, 1, 1], [], []>, transpose_lhs_hint = false} : vector<128x128xf32>, vector<128x384xf32>, vector<128x384xf32> -> vector<128x384xf32>
      %add3A_84 = arith.addf %dot_general3A_75, %dot_general3A_83 : vector<128x384xf32>
      %get3A_85 = arith.constant 0 : index
      %get3A_86 = arith.constant 0 : index
      %get3A_87 = vector.load %arg18[%get3A_85, %get3A_86] : memref<128x128xf32, #tpu.memory_space<vmem>>, vector<128x128xf32>
      %get3A_88 = arith.constant 256 : index
      %get3A_89 = arith.constant 0 : index
      %get3A_90 = vector.load %arg13[%get3A_88, %get3A_89] : memref<384x384xf32, #tpu.memory_space<vmem>>, vector<128x384xf32>
      %dot_general3A_91 = arith.constant dense<0.000000e+00> : vector<128x384xf32>
      %dot_general3A_92 = tpu.matmul %get3A_87, %get3A_90, %dot_general3A_91 {dimension_numbers = #tpu.dot_dimension_numbers<[1], [0], [0], [1], [0, 0, 1, 1], [], []>, transpose_lhs_hint = false} : vector<128x128xf32>, vector<128x384xf32>, vector<128x384xf32> -> vector<128x384xf32>
      %add3A_93 = arith.addf %add3A_84, %dot_general3A_92 : vector<128x384xf32>
      %get3A_94 = arith.constant 0 : index
      %get3A_95 = arith.constant 0 : index
      %get3A_96 = vector.load %arg14[%get3A_94, %get3A_95] : memref<1x384xf32, #tpu.memory_space<vmem>>, vector<1x384xf32>
      %add3A_97 = vector.broadcast %get3A_96 : vector<1x384xf32> to vector<128x384xf32>
      %add3A_98 = arith.addf %add3A_93, %add3A_97 : vector<128x384xf32>
      %max3A_99 = arith.constant 0.000000e+00 : f32
      %max3A_100 = vector.broadcast %max3A_99 : f32 to vector<128x384xf32>
      %max3A_101 = arith.maximumf %add3A_98, %max3A_100 : vector<128x384xf32>
      %get3A_102 = arith.constant 0 : index
      %get3A_103 = arith.constant 0 : index
      %get3A_104 = vector.load %arg15[%get3A_102, %get3A_103] : memref<384x10xf32, #tpu.memory_space<vmem>>, vector<384x10xf32>
      %dot_general3A_105 = arith.constant dense<0.000000e+00> : vector<128x10xf32>
      %dot_general3A_106 = tpu.matmul %max3A_101, %get3A_104, %dot_general3A_105 {dimension_numbers = #tpu.dot_dimension_numbers<[1], [0], [0], [1], [0, 0, 1, 1], [], []>, transpose_lhs_hint = false} : vector<128x384xf32>, vector<384x10xf32>, vector<128x10xf32> -> vector<128x10xf32>
      %get3A_107 = arith.constant 0 : index
      %get3A_108 = arith.constant 0 : index
      %get3A_109 = vector.load %arg16[%get3A_107, %get3A_108] : memref<1x10xf32, #tpu.memory_space<vmem>>, vector<1x10xf32>
      %add3A_110 = vector.broadcast %get3A_109 : vector<1x10xf32> to vector<128x10xf32>
      %add3A_111 = arith.addf %dot_general3A_106, %add3A_110 : vector<128x10xf32>
      %reduce_max3A = arith.constant dense<0xFF800000> : vector<128xf32>
      %reduce_max3A_112 = vector.multi_reduction <maximumf>, %add3A_111, %reduce_max3A [1] : vector<128x10xf32> to vector<128xf32>
      %broadcast_in_dim3A_113 = vector.shape_cast %reduce_max3A_112 : vector<128xf32> to vector<128x1xf32>
      %sub3A = vector.broadcast %broadcast_in_dim3A_113 : vector<128x1xf32> to vector<128x10xf32>
      %sub3A_114 = arith.subf %add3A_111, %sub3A : vector<128x10xf32>
      %exp3A = math.exp %sub3A_114 : vector<128x10xf32>
      %reduce_sum3A = arith.constant dense<0.000000e+00> : vector<128xf32>
      %reduce_sum3A_115 = vector.multi_reduction <add>, %exp3A, %reduce_sum3A [1] : vector<128x10xf32> to vector<128xf32>
      %broadcast_in_dim3A_116 = vector.shape_cast %reduce_sum3A_115 : vector<128xf32> to vector<128x1xf32>
      %log3A = math.log %broadcast_in_dim3A_116 : vector<128x1xf32>
      %add3A_117 = arith.addf %log3A, %broadcast_in_dim3A_113 : vector<128x1xf32>
      %sub3A_118 = vector.broadcast %add3A_117 : vector<128x1xf32> to vector<128x10xf32>
      %sub3A_119 = arith.subf %add3A_111, %sub3A_118 : vector<128x10xf32>
      %swap3A = arith.constant 0 : index
      %swap3A_120 = arith.constant 0 : index
      %swap3A_121 = vector.load %arg17[%swap3A, %swap3A_120] : memref<128x10xf32, #tpu.memory_space<vmem>>, vector<128x10xf32>
      tpu.vector_store %arg17[%swap3A, %swap3A_120], %sub3A_119 {strides = array<i32>} : memref<128x10xf32, #tpu.memory_space<vmem>>, vector<128x10xf32>,
    } else {
    }
    return
  }
  func.func @transform_0(%arg0: i32) -> (i32, i32) {
    %c0_i32 = arith.constant 0 : i32
    %c0_i32_0 = arith.constant 0 : i32
    return %arg0, %c0_i32 : i32, i32
  }
  func.func @transform_1(%arg0: i32) -> (i32, i32) {
    %c0_i32 = arith.constant 0 : i32
    %c0_i32_0 = arith.constant 0 : i32
    return %arg0, %c0_i32 : i32, i32
  }
  func.func @transform_2(%arg0: i32) -> (i32, i32) {
    %add3A = arith.constant 5 : i32
    %add3A_0 = arith.addi %arg0, %add3A : i32
    %c0_i32 = arith.constant 0 : i32
    %c0_i32_1 = arith.constant 0 : i32
    return %add3A_0, %c0_i32 : i32, i32
  }
  func.func @transform_3(%arg0: i32) -> (i32, i32) {
    %c0_i32 = arith.constant 0 : i32
    %c0_i32_0 = arith.constant 0 : i32
    %c0_i32_1 = arith.constant 0 : i32
    return %c0_i32, %c0_i32_0 : i32, i32
  }
  func.func @transform_4(%arg0: i32) -> (i32, i32) {
    %c0_i32 = arith.constant 0 : i32
    %c0_i32_0 = arith.constant 0 : i32
    %c0_i32_1 = arith.constant 0 : i32
    return %c0_i32, %c0_i32_0 : i32, i32
  }
  func.func @transform_5(%arg0: i32) -> (i32, i32) {
    %c0_i32 = arith.constant 0 : i32
    %c0_i32_0 = arith.constant 0 : i32
    %c0_i32_1 = arith.constant 0 : i32
    return %c0_i32, %c0_i32_0 : i32, i32
  }
  func.func @transform_6(%arg0: i32) -> (i32, i32) {
    %c0_i32 = arith.constant 0 : i32
    %c0_i32_0 = arith.constant 0 : i32
    %c0_i32_1 = arith.constant 0 : i32
    return %c0_i32, %c0_i32_0 : i32, i32
  }
  func.func @transform_7(%arg0: i32) -> (i32, i32) {
    %c0_i32 = arith.constant 0 : i32
    %c0_i32_0 = arith.constant 0 : i32
    %c0_i32_1 = arith.constant 0 : i32
    return %c0_i32, %c0_i32_0 : i32, i32
  }
  func.func @transform_8(%arg0: i32) -> (i32, i32) {
    %c0_i32 = arith.constant 0 : i32
    %c0_i32_0 = arith.constant 0 : i32
    %c0_i32_1 = arith.constant 0 : i32
    return %c0_i32, %c0_i32_0 : i32, i32
  }
  func.func @transform_9(%arg0: i32) -> (i32, i32, i32) {
    %c0_i32 = arith.constant 0 : i32
    %c0_i32_0 = arith.constant 0 : i32
    %c0_i32_1 = arith.constant 0 : i32
    return %arg0, %c0_i32, %c0_i32_0 : i32, i32, i32
  }
  func.func @transform_10(%arg0: i32) -> (i32, i32) {
    %c0_i32 = arith.constant 0 : i32
    %c0_i32_0 = arith.constant 0 : i32
    %c0_i32_1 = arith.constant 0 : i32
    return %c0_i32, %c0_i32_0 : i32, i32
  }
  func.func @transform_11(%arg0: i32) -> (i32, i32) {
    %c0_i32 = arith.constant 0 : i32
    %c0_i32_0 = arith.constant 0 : i32
    %c0_i32_1 = arith.constant 0 : i32
    return %c0_i32, %c0_i32_0 : i32, i32
  }
  func.func @transform_12(%arg0: i32) -> (i32, i32) {
    %c0_i32 = arith.constant 0 : i32
    %c0_i32_0 = arith.constant 0 : i32
    %c0_i32_1 = arith.constant 0 : i32
    return %c0_i32, %c0_i32_0 : i32, i32
  }
  func.func @transform_13(%arg0: i32) -> (i32, i32) {
    %c0_i32 = arith.constant 0 : i32
    %c0_i32_0 = arith.constant 0 : i32
    %c0_i32_1 = arith.constant 0 : i32
    return %c0_i32, %c0_i32_0 : i32, i32
  }
  func.func @transform_14(%arg0: i32) -> (i32, i32) {
    %c0_i32 = arith.constant 0 : i32
    %c0_i32_0 = arith.constant 0 : i32
    %c0_i32_1 = arith.constant 0 : i32
    return %c0_i32, %c0_i32_0 : i32, i32
  }
  func.func @transform_15(%arg0: i32) -> (i32, i32) {
    %c0_i32 = arith.constant 0 : i32
    %c0_i32_0 = arith.constant 0 : i32
    %c0_i32_1 = arith.constant 0 : i32
    return %c0_i32, %c0_i32_0 : i32, i32
  }
  func.func @transform_16(%arg0: i32) -> (i32, i32) {
    %c0_i32 = arith.constant 0 : i32
    %c0_i32_0 = arith.constant 0 : i32
    %c0_i32_1 = arith.constant 0 : i32
    return %c0_i32, %c0_i32_0 : i32, i32
  }
}

</mosaic_0001>

<sc_bundles>
// kernel: kernel.10.cloned.1.call-start
scs
__scs_entry_jumppad:
0x0: {  	(pc) =	sbr.rel $0x88, $3  }
0x1: {  	(tag) =	ssettag $0x0;
	lr =	simm.s32 $0x1  }
0x2: {  	[smem:$0x3F88] =	sst lr;
	_ =	strace $0xD0000000  }
0x3: {  	_ = 	snop  }
0x4: {  	_ = 	snop  }
0x5: {  	_ = 	snop  }
0x6: {  	_ = 	snop  }
0x7: {  	_ = 	snop  }
__scs_overlays_trampoline_lowered:
0x8: {  	[smem:$0x3F97] =	sst s0  }
0x9: {  	[smem:$0x3F98] =	sst s1  }
0xa: {  	[smem:$0x3F99] =	sst s2  }
0xb: {  	[smem:$0x3F9A] =	sst s3  }
0xc: {  	[smem:$0x3F9B] =	sst s4  }
0xd: {  	[smem:$0x3F9C] =	sst s5  }
0xe: {  	[smem:$0x3F9D] =	sst s6  }
0xf: {  	[smem:$0x3F9E] =	sst s7  }
0x10: {  	[smem:$0x3F9F] =	sst s8  }
0x11: {  	[smem:$0x3FA0] =	sst s9;
	s0 =	simm.s32 @!p0 $0x0  }
0x12: {  	s1 =	sld [smem:$0x3F86];
	s0 =	simm.s32 @p0 $0x1  }
0x13: {  	[smem:$0x3FA1] =	sst s0;
	s0 =	simm.s32 @!p1 $0x0  }
0x14: {  	s2 =	sld [smem:$0x3F85];
	s0 =	simm.s32 @p1 $0x1  }
0x15: {  	[smem:$0x3FA2] =	sst s0;
	s0 =	simm.s32 @!p2 $0x0  }
0x16: {  	s3 =	sld [smem:$0x3FDB];
	s0 =	simm.s32 @p2 $0x1  }
0x17: {  	s4 =	simm.s32 $0x1BF5;
	[smem:$0x3FA4] =	sst s0  }
0x18: {  	s0 =	sld [smem:$0x3F87];
	_ =	swait.ge [sflag:s4], $0x0  }
0x19: {  	s7 =	sld [smem:$0x3F88]  }
0x1a: {  	s8 =	sadd.s32 $0xFFFFE003, lr  }
0x1b: {  	s9 =	sadd.s32 $0xFFFFFEF7, lr;
	s5 =	simm.s32 $0xFFFFFFFF;
	p2 =	slt.u32 s8, $0xFFFFF086  }
0x1c: {  	p1 =	slt.u32 s9, $0xF7A;
	s5 =	simm.s32 @!p2 $0x0  }
0x1d: {  	s5 =	simm.s32 @p1 $0x1;
	p0 =	seq.s32 s7, s2  }
0x1e: {  	s7 =	smul.u32 @!p0 $0xF7A, s2;
	p2 =	seq.s32 @!p0 s5, $0x0  }
0x1f: {  	s9 =	smul.u32 $0xF7A, s1;
	s8 =	simm.s32 @!p0 $0x1BF5;
	p2 =	por !p2, p0  }
0x20: {  	[sflag:s8] =	ssyncset.s32 @!p0 $0xFFFFF086;
	s6 =	sadd.s32 @!p0 s3, s7;
	s7 =	simm.s32 @!p0 $0x108  }
0x21: {  	s3 =	sadd.s32 s3, s9;
	s6 =	sadd.s32 @!p0 $0x88, s6;
	s7 =	simm.s32 @p2 $0x1082  }
0x22: {  	[simem:s7], [sflag:s8] =	dma.local @!p0 [hbm:s6], $0xF7A  }
0x23: {  	s9 =	sor.u32 $0xD0000000, s2;
	s6 =	simm.s32 $0x108;
	_ =	swait.ge @!p0 [sflag:s8], $0x0  }
0x24: {  	s3 =	sadd.s32 $0x88, s3;
	s6 =	simm.s32 @!p1 $0x1082;
	[sflag:s4] =	ssyncset.s32 $0xFFFFF086  }
0x25: {  	[simem:s6], [sflag:s4] =	dma.local [hbm:s3], $0xF7A  }
0x26: {  	[smem:$0x3F88] =	sst s1;
	(tag) =	ssettag s2;
	_ =	strace s9  }
0x27: {  	s1 =	sld [smem:$0x3F98]  }
0x28: {  	s2 =	sld [smem:$0x3F99]  }
0x29: {  	s4 =	sld [smem:$0x3F9B]  }
0x2a: {  	p0 =	seq.s32 s5, $0x0;
	s5 =	sld [smem:$0x3F9C]  }
0x2b: {  	s6 =	sld [smem:$0x3F9D]  }
0x2c: {  	s7 =	sld [smem:$0x3F9E]  }
0x2d: {  	s3 =	simm.s32 $0x108;
	s8 =	sld [smem:$0x3F9F]  }
0x2e: {  	s3 =	simm.s32 @!p0 $0x1082;
	s9 =	sld [smem:$0x3FA0]  }
0x2f: {  	lr =	sadd.s32 s0, s3;
	s0 =	sld [smem:$0x3F97]  }
0x30: {  	s3 =	sld [smem:$0x3F9A]  }
0x31: {  	[smem:$0x3FA3] =	sst s10  }
0x32: {  	s10 =	sld [smem:$0x3FA1];
	_ =	sdelay $0x3  }
0x33: {  	p0 =	seq.s32 s10, $0x1;
	s10 =	sld [smem:$0x3FA3];
	_ =	sdelay $0x3  }
0x34: {  	[smem:$0x3FA3] =	sst s10  }
0x35: {  	s10 =	sld [smem:$0x3FA2];
	_ =	sdelay $0x3  }
0x36: {  	p1 =	seq.s32 s10, $0x1;
	s10 =	sld [smem:$0x3FA3];
	_ =	sdelay $0x3  }
0x37: {  	[smem:$0x3FA3] =	sst s10  }
0x38: {  	s10 =	sld [smem:$0x3FA4]  }
0x39: {  	_ = 	snop;
	(pc) =	sbr.ind lr, $3  }
0x3a: {  	_ = 	snop  }
0x3b: {  	_ = 	snop  }
0x3c: {  	p2 =	seq.s32 s10, $0x1;
	s10 =	sld [smem:$0x3FA3]  }
0x3d: {  	_ =	shalt  }
0x3e: {  	_ =	shalt  }
0x3f: {  	_ =	shalt  }
0x40: {  	_ =	shalt  }
0x41: {  	_ =	shalt  }
0x42: {  	_ =	shalt  }
0x43: {  	_ =	shalt  }
0x44: {  	_ =	shalt  }
0x45: {  	_ =	shalt  }
0x46: {  	_ =	shalt  }
0x47: {  	_ =	shalt  }
0x48: {  	_ =	shalt  }
0x49: {  	_ =	shalt  }
0x4a: {  	_ =	shalt  }
0x4b: {  	_ =	shalt  }
0x4c: {  	_ =	shalt  }
0x4d: {  	_ =	shalt  }
0x4e: {  	_ =	shalt  }
0x4f: {  	_ =	shalt  }
0x50: {  	_ =	shalt  }
0x51: {  	_ =	shalt  }
0x52: {  	_ =	shalt  }
0x53: {  	_ =	shalt  }
0x54: {  	_ =	shalt  }
0x55: {  	_ =	shalt  }
0x56: {  	_ =	shalt  }
0x57: {  	_ =	shalt  }
0x58: {  	_ =	shalt  }
0x59: {  	_ =	shalt  }
0x5a: {  	_ =	shalt  }
0x5b: {  	_ =	shalt  }
0x5c: {  	_ =	shalt  }
0x5d: {  	_ =	shalt  }
0x5e: {  	_ =	shalt  }
0x5f: {  	_ =	shalt  }
0x60: {  	_ =	shalt  }
0x61: {  	_ =	shalt  }
0x62: {  	_ =	shalt  }
0x63: {  	_ =	shalt  }
0x64: {  	_ =	shalt  }
0x65: {  	_ =	shalt  }
0x66: {  	_ =	shalt  }
0x67: {  	_ =	shalt  }
0x68: {  	_ =	shalt  }
0x69: {  	_ =	shalt  }
0x6a: {  	_ =	shalt  }
0x6b: {  	_ =	shalt  }
0x6c: {  	_ =	shalt  }
0x6d: {  	_ =	shalt  }
0x6e: {  	_ =	shalt  }
0x6f: {  	_ =	shalt  }
0x70: {  	_ =	shalt  }
0x71: {  	_ =	shalt  }
0x72: {  	_ =	shalt  }
0x73: {  	_ =	shalt  }
0x74: {  	_ =	shalt  }
0x75: {  	_ =	shalt  }
0x76: {  	_ =	shalt  }
0x77: {  	_ =	shalt  }
0x78: {  	_ =	shalt  }
0x79: {  	_ =	shalt  }
0x7a: {  	_ =	shalt  }
0x7b: {  	_ =	shalt  }
0x7c: {  	_ =	shalt  }
0x7d: {  	_ =	shalt  }
0x7e: {  	_ =	shalt  }
0x7f: {  	_ =	shalt  }
0x80: {  	_ =	shalt  }
0x81: {  	_ =	shalt  }
0x82: {  	_ =	shalt  }
0x83: {  	_ =	shalt  }
0x84: {  	_ =	shalt  }
0x85: {  	_ =	shalt  }
0x86: {  	_ =	shalt  }
0x87: {  	_ =	shalt  }
.Lfunc_end0:
.L_simem_size_0:
called_computation_lowered:
.L_overlay_start_0:
0x88: {  	s2 =	sld [smem:$0x3FD9]  }
0x89: {  	s3 =	sld [smem:$0x3FFE];
	_ =	sdelay $0x1  }
0x8a: {  	s1 =	srdreg.scid  }
0x8b: {  	s0 =	sand.u32 $0x1, s1  }
0x8c: {  	s17 =	sshll.u32 s0, $0xA;
	s2 =	sadd.s32 s3, s2  }
0x8d: {  	s2 =	sadd.s32 s2, s17  }
0x8e: {  	[smem:$0x3FAF] =	sst s2  }
0x8f: {  	_ = 	snop  }
0x90: {  	s2 =	sld [smem:$0x3FC9];
	(tm) =	ssettm $0x1  }
0x91: {  	s18 =	sld [smem:$0x3FFB];
	_ =	sdelay $0x3  }
0x92: {  	_ =	strace s18  }
0x93: {  	s3 =	sld [smem:$0x3FFC];
	_ =	sdelay $0x3  }
0x94: {  	_ =	strace s3  }
0x95: {  	s3 =	sld [smem:$0x3FFD];
	_ =	sdelay $0x3  }
0x96: {  	_ =	strace s3  }
0x97: {  	_ =	strace $0x8FFFFFFF  }
0x98: {  	s19 =	sld [smem:$0x3FDB];
	_ =	sdelay $0x1  }
0x99: {  	s4 =	simm.s32 $_scs_section_size  }
0x9a: {  	s5 =	simm.s32 $_size__tile_overlayer_lowered;
	s6 =	simm.s32 $_tile_overlayer_lowered  }
0x9b: {  	s22 =	simm.s32 $0x1BFF;
	s21 =	sshll.u32 s6, $0x1;
	s3 =	sadd.s32 s4, s19  }
0x9c: {  	s7 =	simm.s32 $0x0;
	s20 =	sshll.u32 s5, $0x1;
	s5 =	sadd.s32 s21, s3  }
0x9d: {  	[timem:s7], [sflag:s22] =	dma.local [hbm:s5], s20  }
0x9e: {  	_ =	swait.ge [sflag:s22], s20  }
0x9f: {  	s4 =	ssub.s32 $0x0, s20;
	[sflag:s22] =	ssyncset.done $0x0  }
0xa0: {  	[sflag:s22] =	ssyncadd.s32 s4;
	_ =	sdelay $0x1  }
0xa1: {  	s23 =	simm.s32 $0x1B8B  }
0xa2: {  	_ =	swait.ge [sflag:s23], $0x1  }
0xa3: {  	[sflag:s23] =	ssyncset.done $0x0  }
0xa4: {  	s25 =	simm.s32 $0x1B8E;
	s24 =	sld [smem:$0x3FFE];
	[sflag:s23] =	ssyncadd.s32 $0xFFFFFFFF  }
0xa5: {  	s26 =	simm.s32 $execute0_lowered;
	[smem:$0x3FD2] =	sst s25  }
0xa6: {  	s5 =	sshll.u32 s26, $0x1;
	_ =	strace $0x80000046;
	[dreg:$0x1] =	wrdreg $0xFFFFFFFF  }
0xa7: {  	s28 =	simm.s32 $_size_execute0_lowered;
	s3 =	sadd.s32 s3, s5;
	[dreg:$0x0] =	wrdreg $0x0  }
0xa8: {  	s5 =	sshll.u32 s28, $0x1;
	[dreg:$0x2] =	wrdreg s3  }
0xa9: {  	[dreg:$0x3] =	wrdreg s5  }
0xaa: {  	[dreg:$0x4] =	wrdreg $0xC0  }
0xab: {  	_ =	task [dreg:s7], $0x5FFFF  }
0xac: {  	[dreg:$0x1] =	wrdreg $0xFFFFFFFF  }
0xad: {  	[dreg:$0x0] =	wrdreg $0x60  }
0xae: {  	[dreg:$0x2] =	wrdreg s2  }
0xaf: {  	[dreg:$0x3] =	wrdreg s24  }
0xb0: {  	[dreg:$0x4] =	wrdreg $0x0  }
0xb1: {  	[dreg:$0x5] =	wrdreg $0x9  }
0xb2: {  	_ =	task.clear_ibuf [dreg:s7], $0x6FFFF;
	_ =	strace $0x90000046  }
0xb3: {  	s29 =	simm.s32 $0x9;
	_ =	strace $0x80000048  }
0xb4: {  	_ =	swait.ge [sflag:s29], $0x1  }
0xb5: {  	[sflag:s29] =	ssyncadd.s32 $0xFFFFFFFF  }
0xb6: {  	_ =	strace $0x90000048  }
0xb7: {  	_ =	sfence  }
0xb8: {  	s30 =	sld [smem:$0x0];
	_ =	sdelay $0x2  }
0xb9: {  	s31 =	sshll.u32 s1, $0xD;
	s1 =	sshrl.u32 s1, $0x2  }
0xba: {  	s3 =	sand.u32 $0x4000, s31;
	s1 =	sadd.s32 s1, s30  }
0xbb: {  	s0 =	sor.u32 s3, s0;
	s1 =	sshll.u32 s1, $0x11  }
0xbc: {  	s0 =	sor.u32 s1, s0  }
0xbd: {  	s0 =	sadd.s32 $0x8F2B, s0  }
0xbe: {  	[sflag:s0] =	ssyncadd.remote.s32 $0x1  }
0xbf: {  	_ =	sfence.sel $0xFFFF  }
0xc0: {  	[dreg:$0x0] =	wrdreg $0xFFFFFFFF;
	(pc) =	sbr.abs _section_cstart, $3  }
0xc1: {  	[dreg:$0x1] =	wrdreg $0xFFFFFFFF  }
0xc2: {  	_ =	task.clear_ibuf [dreg:s7], $0x2FFFF;
	_ =	strace $0x9FFFFFFF  }
0xc3: {  	(tm) =	ssettm $0x7FFFFFFF  }
tec
execute0_lowered:
.L_overlay_start_1:
0x0: {  	(tag) =	ssettag $0x1  }
0x1: {  	s1 =	rddreg [dreg:$0x0]  }
0x2: {  	s0 =	srdreg.scid;
	s2 =	rddreg [dreg:$0x1]  }
0x3: {  	s10 =	stileid.u32;
	s3 =	rddreg [dreg:$0x2];
	s5 =	simm.s32 $0x0  }
0x4: {  	s28 =	simm.s32 $0x5;
	s29 =	simm.s32 $0x1;
	s30 =	simm.s32 $0x50  }
0x5: {  	s31 =	simm.s32 $0x3;
	s0 =	sand.u32 $0x1, s0;
	s8 =	smul.u32 $0x2700, s10  }
0x6: {  	[smem:$0x7FF] =	sst s5;
	s9 =	smul.u32 $0x4E000, s10;
	p0 =	sne.s32 s10, $0xF  }
0x7: {  	s5 =	simm.s32 $0x0;
	s4 =	sshll.u32 s0, $0x4;
	s23 =	smul.u32 $0x27100, s0  }
0x8: {  	_ =	strace $0x80000047;
	s6 =	ssub.s32 $0x2, s0;
	s0 =	smul.u32 $0x138800, s0  }
0x9: {  	s4 =	sor.u32 s10, s4;
	s7 =	sshrl.u32 s6, $0x1;
	s26 =	sshrl.u32 s9, $0x2  }
0xa: {  	s4 =	smul.u32 $0x4E2, s4;
	s6 =	ssub.s32 s6, s7;
	s7 =	sadd.s32 $0x138000, s3  }
0xb: {  	s25 =	sadd.s32 s8, s23;
	s0 =	sshrl.u32 s0, $0x3;
	s9 =	sadd.s32 s26, s3  }
0xc: {  	s26 =	simm.s32 $0x186A0;
	s11 =	smax.u32 s6, $0x1;
	s12 =	sadd.s32 $0x1800, s9  }
0xd: {  	s13 =	sadd.s32 $0x3000, s9;
	s14 =	sadd.s32 $0x4800, s9;
	s15 =	sadd.s32 $0x6000, s9  }
0xe: {  	s16 =	sadd.s32 $0x7800, s9;
	s17 =	sadd.s32 $0x9000, s9;
	s18 =	sadd.s32 $0xA800, s9  }
0xf: {  	s19 =	sadd.s32 $0xC000, s9;
	s20 =	sadd.s32 $0xD800, s9;
	s4 =	sadd.s32 s4, s2  }
0x10: {  	s21 =	sadd.s32 $0xF000, s9;
	s22 =	sadd.s32 $0x10800, s9;
	s24 =	sadd.s32 $0xEC00, s4  }
0x11: {  	s2 =	sadd.s32 $0x18A00, s2;
	s4 =	sadd.s32 $0x4E00, s4;
	[dreg:$0x4] =	wrdreg s24  }
0x12: {  	s23 =	sadd.s32 $0x12000, s9;
	s0 =	sadd.s32 s2, s0;
	[dreg:$0x5] =	wrdreg s4  }
0x13: {  	s4 =	sadd.s32 s2, s25;
	s0 =	sadd.s32 $0x27000, s0;
	s24 =	simm.s32 $0x13880  }
0x14: {  	s2 =	simm.s32 $0x1AEA0;
	s25 =	simm.s32 $0x1D6A0;
	[dreg:$0x6] =	wrdreg s4  }
0x15: {  	v0 =	vimm.f32 $0.0e+00;
	[dreg:$0x7] =	wrdreg s0;
	s0 =	simm.s32 $0x2;
	s4 =	simm.s32 $0x4  }
.LBB2_1:
0x16: {  	s6 =	simm.s32 $0x0;
	s8 =	rddreg [dreg:$0x4]  }
0x17: {  	[tilespmem:s24], [sflag:$0x1] =	stream.linear.gather [hbm4b:s8+s6], $0x2710, $0x38;
	[tilespmem:$0x1FEA0] =	vst v63  }
0x18: {  	s10 =	simm.s32 $0x15F90;
	s8 =	rddreg [dreg:$0x5]  }
0x19: {  	[tilespmem:s10], [sflag:$0x1] =	stream.linear.gather [hbm4b:s8+s6], $0x2710, $0x38;
	[tilespmem:$0x1FEA0] =	vst v63  }
0x1a: {  	s6 =	simm.s32 $0x70;
	s8 =	simm.s32 $0x3C0  }
.LBB2_2:
0x1b: {  	p1 =	sne.s32 s8, $0x5FC0;
	[tilespmem:s6+$0x186A0] =	vst v0  }
0x1c: {  	[tilespmem:s6+$0x18630] =	vst v0  }
0x1d: {  	[tilespmem:s6+$0x18640] =	vst v0  }
.Ltmp0:
0x1e: {  	[tilespmem:s6+$0x18650] =	vst v0;
	(pc) =	sbr.rel @p1 .LBB2_2-.Ltmp0, $4  }
0x1f: {  	[tilespmem:s6+$0x18660] =	vst v0  }
0x20: {  	[tilespmem:s6+$0x18670] =	vst v0  }
0x21: {  	[tilespmem:s6+$0x18680] =	vst v0  }
0x22: {  	[tilespmem:s6+$0x18690] =	vst v0;
	s6 =	sshra.s32 s8, $0x2;
	s8 =	sadd.s32 $0x200, s8  }
0x23: {  	[tilespmem:s6+$0x186A0] =	vst v0  }
0x24: {  	[tilespmem:s6+$0x18630] =	vst v0  }
0x25: {  	[tilespmem:s6+$0x18640] =	vst v0  }
0x26: {  	[tilespmem:s6+$0x18650] =	vst v0  }
0x27: {  	[tilespmem:s6+$0x18660] =	vst v0  }
0x28: {  	[tilespmem:s6+$0x18670] =	vst v0  }
0x29: {  	[tilespmem:s6+$0x18680] =	vst v0  }
0x2a: {  	[tilespmem:s6+$0x18690] =	vst v0  }
0x2b: {  	[spmem:s9] =	stream.linear.scatter [tilespmem:s26], [sflag:$0x5], $0x1800, $0x38;
	[tilespmem:$0x1FEA0] =	vst v63  }
0x2c: {  	_ =	swait.ge [sflag:s28], $0x1800  }
0x2d: {  	[sflag:s28] =	ssyncset.done $0x0  }
0x2e: {  	[sflag:s28] =	ssyncadd.s32 $0xFFFFE800  }
0x2f: {  	[spmem:s12] =	stream.linear.scatter [tilespmem:s26], [sflag:$0x5], $0x1800, $0x38;
	[tilespmem:$0x1FEA0] =	vst v63  }
0x30: {  	_ =	swait.ge [sflag:s28], $0x1800  }
0x31: {  	[sflag:s28] =	ssyncset.done $0x0  }
0x32: {  	[sflag:s28] =	ssyncadd.s32 $0xFFFFE800  }
0x33: {  	[spmem:s13] =	stream.linear.scatter [tilespmem:s26], [sflag:$0x5], $0x1800, $0x38;
	[tilespmem:$0x1FEA0] =	vst v63  }
0x34: {  	_ =	swait.ge [sflag:s28], $0x1800  }
0x35: {  	[sflag:s28] =	ssyncset.done $0x0  }
0x36: {  	[sflag:s28] =	ssyncadd.s32 $0xFFFFE800  }
0x37: {  	[spmem:s14] =	stream.linear.scatter [tilespmem:s26], [sflag:$0x5], $0x1800, $0x38;
	[tilespmem:$0x1FEA0] =	vst v63  }
0x38: {  	_ =	swait.ge [sflag:s28], $0x1800  }
0x39: {  	[sflag:s28] =	ssyncset.done $0x0  }
0x3a: {  	[sflag:s28] =	ssyncadd.s32 $0xFFFFE800  }
0x3b: {  	[spmem:s15] =	stream.linear.scatter [tilespmem:s26], [sflag:$0x5], $0x1800, $0x38;
	[tilespmem:$0x1FEA0] =	vst v63  }
0x3c: {  	_ =	swait.ge [sflag:s28], $0x1800  }
0x3d: {  	[sflag:s28] =	ssyncset.done $0x0  }
0x3e: {  	[sflag:s28] =	ssyncadd.s32 $0xFFFFE800  }
0x3f: {  	[spmem:s16] =	stream.linear.scatter [tilespmem:s26], [sflag:$0x5], $0x1800, $0x38;
	[tilespmem:$0x1FEA0] =	vst v63  }
0x40: {  	_ =	swait.ge [sflag:s28], $0x1800  }
0x41: {  	[sflag:s28] =	ssyncset.done $0x0  }
0x42: {  	[sflag:s28] =	ssyncadd.s32 $0xFFFFE800  }
0x43: {  	[spmem:s17] =	stream.linear.scatter [tilespmem:s26], [sflag:$0x5], $0x1800, $0x38;
	[tilespmem:$0x1FEA0] =	vst v63  }
0x44: {  	_ =	swait.ge [sflag:s28], $0x1800  }
0x45: {  	[sflag:s28] =	ssyncset.done $0x0  }
0x46: {  	[sflag:s28] =	ssyncadd.s32 $0xFFFFE800  }
0x47: {  	[spmem:s18] =	stream.linear.scatter [tilespmem:s26], [sflag:$0x5], $0x1800, $0x38;
	[tilespmem:$0x1FEA0] =	vst v63  }
0x48: {  	_ =	swait.ge [sflag:s28], $0x1800  }
0x49: {  	[sflag:s28] =	ssyncset.done $0x0  }
0x4a: {  	[sflag:s28] =	ssyncadd.s32 $0xFFFFE800  }
0x4b: {  	[spmem:s19] =	stream.linear.scatter [tilespmem:s26], [sflag:$0x5], $0x1800, $0x38;
	[tilespmem:$0x1FEA0] =	vst v63  }
0x4c: {  	_ =	swait.ge [sflag:s28], $0x1800  }
0x4d: {  	[sflag:s28] =	ssyncset.done $0x0  }
0x4e: {  	[sflag:s28] =	ssyncadd.s32 $0xFFFFE800  }
0x4f: {  	[spmem:s20] =	stream.linear.scatter [tilespmem:s26], [sflag:$0x5], $0x1800, $0x38;
	[tilespmem:$0x1FEA0] =	vst v63  }
0x50: {  	_ =	swait.ge [sflag:s28], $0x1800  }
0x51: {  	[sflag:s28] =	ssyncset.done $0x0  }
0x52: {  	[sflag:s28] =	ssyncadd.s32 $0xFFFFE800  }
0x53: {  	[spmem:s21] =	stream.linear.scatter [tilespmem:s26], [sflag:$0x5], $0x1800, $0x38;
	[tilespmem:$0x1FEA0] =	vst v63  }
0x54: {  	_ =	swait.ge [sflag:s28], $0x1800  }
0x55: {  	[sflag:s28] =	ssyncset.done $0x0  }
0x56: {  	[sflag:s28] =	ssyncadd.s32 $0xFFFFE800  }
0x57: {  	[spmem:s22] =	stream.linear.scatter [tilespmem:s26], [sflag:$0x5], $0x1800, $0x38;
	[tilespmem:$0x1FEA0] =	vst v63  }
0x58: {  	_ =	swait.ge [sflag:s28], $0x1800  }
0x59: {  	[sflag:s28] =	ssyncset.done $0x0  }
0x5a: {  	[sflag:s28] =	ssyncadd.s32 $0xFFFFE800  }
0x5b: {  	[spmem:s23] =	stream.linear.scatter [tilespmem:s26], [sflag:$0x5], $0x1800, $0x38;
	[tilespmem:$0x1FEA0] =	vst v63  }
0x5c: {  	_ =	swait.ge [sflag:s28], $0x1800  }
0x5d: {  	[sflag:s28] =	ssyncset.done $0x0  }
0x5e: {  	s6 =	simm.s32 @!p0 $0x186A0;
	[sflag:s28] =	ssyncadd.s32 $0xFFFFE800  }
0x5f: {  	[spmem:s7] =	stream.linear.scatter @!p0 [tilespmem:s6], [sflag:$0x5], $0x800, $0x38;
	[tilespmem:$0x1FEA0] =	vst v63  }
0x60: {  	s6 =	simm.s32 @!p0 $0x5  }
0x61: {  	_ =	swait.ge @!p0 [sflag:s6], $0x800  }
0x62: {  	[sflag:s6] =	ssyncset.done @!p0 $0x0  }
0x63: {  	[sflag:s6] =	ssyncadd.s32 @!p0 $0xFFFFF800  }
0x64: {  	_ =	swait.ge [sflag:s29], $0x2710  }
0x65: {  	[sflag:s29] =	ssyncset.done $0x0  }
0x66: {  	[sflag:s29] =	ssyncadd.s32 $0xFFFFD8F0  }
0x67: {  	_ =	swait.ge [sflag:s29], $0x2710  }
0x68: {  	[sflag:s29] =	ssyncset.done $0x0  }
0x69: {  	[sflag:s29] =	ssyncadd.s32 $0xFFFFD8F0  }
0x6a: {  	[tilespmem:s26], [sflag:$0x2] =	stream.indirect.gather [hbm4b:s1+s30], $0x80, s24, s30, $0xb8;
	[tilespmem:$0x1FEA0] =	vst v63  }
0x6b: {  	s10 =	simm.s32 $0x138D0  }
0x6c: {  	[tilespmem:s2], [sflag:$0x3] =	stream.indirect.gather [hbm4b:s1+s30], $0x80, s10, s30, $0xb8;
	[tilespmem:$0x1FEA0] =	vst v63  }
0x6d: {  	[bflag:$0x0] =	sbarrier.arrive $0xFFFF  }
0x6e: {  	_ =	swait.ge [sflag:s0], $0x2800  }
0x6f: {  	[sflag:s0] =	ssyncset.done $0x0  }
0x70: {  	s8 =	simm.s32 $0x13920;
	[sflag:s0] =	ssyncadd.s32 $0xFFFFD800  }
0x71: {  	[tilespmem:s25], [sflag:$0x4] =	stream.indirect.gather [hbm4b:s1+s30], $0x80, s8, s30, $0xb8;
	[tilespmem:$0x1FEA0] =	vst v63  }
0x72: {  	s10 =	simm.s32 $0x15F90  }
0x73: {  	[spmem:s3] =	stream.indirect.scatter.add.f32 [tilespmem:s26], [sflag:$0x5], $0x80, s10, s30, $0xb8;
	[tilespmem:$0x1FEA0] =	vst v63  }
0x74: {  	_ =	swait.ge [sflag:s28], $0x2800  }
0x75: {  	[sflag:s28] =	ssyncset.done $0x0  }
0x76: {  	[sflag:s28] =	ssyncadd.s32 $0xFFFFD800  }
0x77: {  	_ =	swait.ge [sflag:s31], $0x2800  }
0x78: {  	[sflag:s31] =	ssyncset.done $0x0  }
0x79: {  	s8 =	simm.s32 $0x13970;
	[sflag:s31] =	ssyncadd.s32 $0xFFFFD800  }
0x7a: {  	[tilespmem:s26], [sflag:$0x2] =	stream.indirect.gather [hbm4b:s1+s30], $0x80, s8, s30, $0xb8;
	[tilespmem:$0x1FEA0] =	vst v63  }
0x7b: {  	s10 =	simm.s32 $0x15FE0  }
0x7c: {  	[spmem:s3] =	stream.indirect.scatter.add.f32 [tilespmem:s2], [sflag:$0x5], $0x80, s10, s30, $0xb8;
	[tilespmem:$0x1FEA0] =	vst v63  }
0x7d: {  	_ =	swait.ge [sflag:s28], $0x2800  }
0x7e: {  	[sflag:s28] =	ssyncset.done $0x0  }
0x7f: {  	[sflag:s28] =	ssyncadd.s32 $0xFFFFD800  }
0x80: {  	_ =	swait.ge [sflag:s4], $0x2800  }
0x81: {  	[sflag:s4] =	ssyncset.done $0x0  }
0x82: {  	s8 =	simm.s32 $0x139C0;
	[sflag:s4] =	ssyncadd.s32 $0xFFFFD800  }
0x83: {  	[tilespmem:s2], [sflag:$0x3] =	stream.indirect.gather [hbm4b:s1+s30], $0x80, s8, s30, $0xb8;
	[tilespmem:$0x1FEA0] =	vst v63  }
0x84: {  	s10 =	simm.s32 $0x16030  }
0x85: {  	[spmem:s3] =	stream.indirect.scatter.add.f32 [tilespmem:s25], [sflag:$0x5], $0x80, s10, s30, $0xb8;
	[tilespmem:$0x1FEA0] =	vst v63  }
0x86: {  	_ =	swait.ge [sflag:s28], $0x2800  }
0x87: {  	s6 =	simm.s32 $0x3C0;
	[sflag:s28] =	ssyncset.done $0x0  }
.LBB2_4:
0x88: {  	p1 =	sne.s32 s6, $0x9600  }
0x89: {  	[sflag:s28] =	ssyncadd.s32 $0xFFFFD800;
	s8 =	smov.u32 s6;
	s6 =	sadd.s32 $0x3C0, s6  }
0x8a: {  	_ = 	snop  }
0x8b: {  	_ =	swait.ge [sflag:s0], $0x2800  }
0x8c: {  	s8 =	sshra.s32 s8, $0x2;
	[sflag:s0] =	ssyncset.done $0x0  }
0x8d: {  	s10 =	sadd.s32 $0x13920, s8;
	[sflag:s0] =	ssyncadd.s32 $0xFFFFD800  }
0x8e: {  	[tilespmem:s25], [sflag:$0x4] =	stream.indirect.gather [hbm4b:s1+s30], $0x80, s10, s30, $0xb8;
	[tilespmem:$0x1FEA0] =	vst v63  }
0x8f: {  	s10 =	sadd.s32 $0x15F90, s8  }
0x90: {  	[spmem:s3] =	stream.indirect.scatter.add.f32 [tilespmem:s26], [sflag:$0x5], $0x80, s10, s30, $0xb8;
	[tilespmem:$0x1FEA0] =	vst v63  }
0x91: {  	_ =	swait.ge [sflag:s28], $0x2800  }
0x92: {  	[sflag:s28] =	ssyncset.done $0x0  }
0x93: {  	[sflag:s28] =	ssyncadd.s32 $0xFFFFD800  }
0x94: {  	_ =	swait.ge [sflag:s31], $0x2800  }
0x95: {  	[sflag:s31] =	ssyncset.done $0x0  }
0x96: {  	s10 =	sadd.s32 $0x13970, s8;
	[sflag:s31] =	ssyncadd.s32 $0xFFFFD800  }
0x97: {  	[tilespmem:s26], [sflag:$0x2] =	stream.indirect.gather [hbm4b:s1+s30], $0x80, s10, s30, $0xb8;
	[tilespmem:$0x1FEA0] =	vst v63  }
0x98: {  	s10 =	sadd.s32 $0x15FE0, s8  }
0x99: {  	[spmem:s3] =	stream.indirect.scatter.add.f32 [tilespmem:s2], [sflag:$0x5], $0x80, s10, s30, $0xb8;
	[tilespmem:$0x1FEA0] =	vst v63  }
0x9a: {  	_ =	swait.ge [sflag:s28], $0x2800  }
0x9b: {  	[sflag:s28] =	ssyncset.done $0x0  }
0x9c: {  	[sflag:s28] =	ssyncadd.s32 $0xFFFFD800  }
0x9d: {  	_ =	swait.ge [sflag:s4], $0x2800  }
0x9e: {  	[sflag:s4] =	ssyncset.done $0x0  }
0x9f: {  	s10 =	sadd.s32 $0x139C0, s8;
	[sflag:s4] =	ssyncadd.s32 $0xFFFFD800  }
0xa0: {  	[tilespmem:s2], [sflag:$0x3] =	stream.indirect.gather [hbm4b:s1+s30], $0x80, s10, s30, $0xb8;
	[tilespmem:$0x1FEA0] =	vst v63  }
.Ltmp1:
0xa1: {  	_ = 	snop;
	(pc) =	sbr.rel @p1 .LBB2_4-.Ltmp1, $4  }
0xa2: {  	s8 =	sadd.s32 $0x16030, s8  }
0xa3: {  	[spmem:s3] =	stream.indirect.scatter.add.f32 [tilespmem:s25], [sflag:$0x5], $0x80, s8, s30, $0xb8;
	[tilespmem:$0x1FEA0] =	vst v63  }
0xa4: {  	_ =	swait.ge [sflag:s28], $0x2800  }
0xa5: {  	[sflag:s28] =	ssyncset.done $0x0  }
0xa6: {  	[sflag:s28] =	ssyncadd.s32 $0xFFFFD800  }
0xa7: {  	_ =	swait.ge [sflag:s0], $0x2800  }
0xa8: {  	[sflag:s0] =	ssyncset.done $0x0  }
0xa9: {  	s6 =	simm.s32 $0x18600;
	[sflag:s0] =	ssyncadd.s32 $0xFFFFD800  }
0xaa: {  	[spmem:s3] =	stream.indirect.scatter.add.f32 [tilespmem:s26], [sflag:$0x5], $0x80, s6, s30, $0xb8;
	[tilespmem:$0x1FEA0] =	vst v63  }
0xab: {  	_ =	swait.ge [sflag:s28], $0x2800  }
0xac: {  	[sflag:s28] =	ssyncset.done $0x0  }
0xad: {  	[sflag:s28] =	ssyncadd.s32 $0xFFFFD800  }
0xae: {  	_ =	swait.ge [sflag:s31], $0x2800  }
0xaf: {  	[sflag:s31] =	ssyncset.done $0x0  }
0xb0: {  	s8 =	simm.s32 $0x18650;
	[sflag:s31] =	ssyncadd.s32 $0xFFFFD800  }
0xb1: {  	[spmem:s3] =	stream.indirect.scatter.add.f32 [tilespmem:s2], [sflag:$0x5], $0x80, s8, s30, $0xb8;
	[tilespmem:$0x1FEA0] =	vst v63  }
0xb2: {  	_ =	swait.ge [sflag:s28], $0x2800  }
0xb3: {  	[sflag:s28] =	ssyncset.done $0x0  }
0xb4: {  	s10 =	stileid.u32;
	[sflag:s28] =	ssyncadd.s32 $0xFFFFD800  }
0xb5: {  	s6 =	sshll.u32 s10, $0x6;
	[bflag:$0x0] =	sbarrier.arrive $0xFFFF  }
0xb6: {  	s6 =	sor.u32 $0x1C05, s6;
	s8 =	sshrl.u32 s9, $0x3;
	s10 =	rddreg [dreg:$0x6]  }
0xb7: {  	[hbm:s10], [sflag:s6] =	dma.local [spmem:s8], $0x2700  }
0xb8: {  	s5 =	sadd.s32 $0x1, s5;
	_ =	swait.ge [sflag:s28], $0x2700  }
0xb9: {  	p1 =	sne.s32 s5, s11;
	[sflag:s28] =	ssyncset.done $0x0  }
0xba: {  	s8 =	sshrl.u32 @!p0 s7, $0x3;
	s10 =	rddreg [dreg:$0x7];
	[sflag:s28] =	ssyncadd.s32 $0xFFFFD900  }
0xbb: {  	[hbm:s10], [sflag:s6] =	dma.local @!p0 [spmem:s8], $0x100  }
.Ltmp2:
0xbc: {  	_ = 	snop;
	(pc) =	sbr.rel @p1 .LBB2_1-.Ltmp2, $4  }
0xbd: {  	s6 =	simm.s32 @!p0 $0x5  }
0xbe: {  	_ =	swait.ge @!p0 [sflag:s6], $0x100  }
0xbf: {  	[sflag:s6] =	ssyncset.done @!p0 $0x0  }
0xc0: {  	[sflag:s6] =	ssyncadd.s32 @!p0 $0xFFFFFF00  }
0xc1: {  	_ =	sfence.sel $0x180000  }
0xc2: {  	[bflag:$0x0] =	sbarrier.arrive $0xFFFF  }
0xc3: {  	_ =	strace $0x90000047  }
0xc4: {  	s0 =	stileid.u32;
	[bflag:$0x2] =	sbarrier.arrive $0xFFFF  }
0xc5: {  	p0 =	sne.s32 s0, $0x0;
	s0 =	rddreg [dreg:$0x3]  }
0xc6: {  	s0 =	sadd.s32 @!p0 $0x100000, s0  }
0xc7: {  	[sflag:s0] =	ssyncadd.tile.s32 @!p0 $0x1;
	_ =	shalt  }
.Lfunc_end2:
_tile_overlayer_lowered:
.L_overlay_start_2:
0xc8: {  	(tag) =	ssettag $0x2  }
0xc9: {  	s0 =	rddreg [dreg:$0x0];
	s2 =	stileid.u32  }
0xca: {  	s1 =	rddreg [dreg:$0x1];
	p0 =	sne.s32 s2, $0x0  }
0xcb: {  	s3 =	rddreg [dreg:$0x2];
	[bflag:$0x3] =	sbarrier.arrive $0xFFFF;
	s2 =	simm.s32 @!p0 $0x1C05  }
0xcc: {  	[timem:s3], [sflag:s2] =	dma.local @!p0 [hbm:s0], s1  }
0xcd: {  	s0 =	simm.s32 @!p0 $0x5  }
0xce: {  	_ =	swait.ge @!p0 [sflag:s0], s1  }
0xcf: {  	s1 =	ssub.s32 @!p0 $0x0, s1;
	[sflag:s0] =	ssyncset.done @!p0 $0x0  }
0xd0: {  	[sflag:s0] =	ssyncadd.s32 @!p0 s1  }
0xd1: {  	[bflag:$0x3] =	sbarrier.arrive $0xFFFF  }
0xd2: {  	_ =	shalt  }

// kernel: kernel.13.cloned.1.call-start
scs
__scs_entry_jumppad:
0x0: {  	(pc) =	sbr.rel $0x88, $3  }
0x1: {  	(tag) =	ssettag $0x0;
	lr =	simm.s32 $0x1  }
0x2: {  	[smem:$0x3F88] =	sst lr;
	_ =	strace $0xD0000000  }
0x3: {  	_ = 	snop  }
0x4: {  	_ = 	snop  }
0x5: {  	_ = 	snop  }
0x6: {  	_ = 	snop  }
0x7: {  	_ = 	snop  }
__scs_overlays_trampoline_lowered:
0x8: {  	[smem:$0x3F97] =	sst s0  }
0x9: {  	[smem:$0x3F98] =	sst s1  }
0xa: {  	[smem:$0x3F99] =	sst s2  }
0xb: {  	[smem:$0x3F9A] =	sst s3  }
0xc: {  	[smem:$0x3F9B] =	sst s4  }
0xd: {  	[smem:$0x3F9C] =	sst s5  }
0xe: {  	[smem:$0x3F9D] =	sst s6  }
0xf: {  	[smem:$0x3F9E] =	sst s7  }
0x10: {  	[smem:$0x3F9F] =	sst s8  }
0x11: {  	[smem:$0x3FA0] =	sst s9;
	s0 =	simm.s32 @!p0 $0x0  }
0x12: {  	s1 =	sld [smem:$0x3F86];
	s0 =	simm.s32 @p0 $0x1  }
0x13: {  	[smem:$0x3FA1] =	sst s0;
	s0 =	simm.s32 @!p1 $0x0  }
0x14: {  	s2 =	sld [smem:$0x3F85];
	s0 =	simm.s32 @p1 $0x1  }
0x15: {  	[smem:$0x3FA2] =	sst s0;
	s0 =	simm.s32 @!p2 $0x0  }
0x16: {  	s3 =	sld [smem:$0x3FDB];
	s0 =	simm.s32 @p2 $0x1  }
0x17: {  	s4 =	simm.s32 $0x1BF5;
	[smem:$0x3FA4] =	sst s0  }
0x18: {  	s0 =	sld [smem:$0x3F87];
	_ =	swait.ge [sflag:s4], $0x0  }
0x19: {  	s7 =	sld [smem:$0x3F88]  }
0x1a: {  	s8 =	sadd.s32 $0xFFFFE003, lr  }
0x1b: {  	s9 =	sadd.s32 $0xFFFFFEF7, lr;
	s5 =	simm.s32 $0xFFFFFFFF;
	p2 =	slt.u32 s8, $0xFFFFF086  }
0x1c: {  	p1 =	slt.u32 s9, $0xF7A;
	s5 =	simm.s32 @!p2 $0x0  }
0x1d: {  	s5 =	simm.s32 @p1 $0x1;
	p0 =	seq.s32 s7, s2  }
0x1e: {  	s7 =	smul.u32 @!p0 $0xF7A, s2;
	p2 =	seq.s32 @!p0 s5, $0x0  }
0x1f: {  	s9 =	smul.u32 $0xF7A, s1;
	s8 =	simm.s32 @!p0 $0x1BF5;
	p2 =	por !p2, p0  }
0x20: {  	[sflag:s8] =	ssyncset.s32 @!p0 $0xFFFFF086;
	s6 =	sadd.s32 @!p0 s3, s7;
	s7 =	simm.s32 @!p0 $0x108  }
0x21: {  	s3 =	sadd.s32 s3, s9;
	s6 =	sadd.s32 @!p0 $0x88, s6;
	s7 =	simm.s32 @p2 $0x1082  }
0x22: {  	[simem:s7], [sflag:s8] =	dma.local @!p0 [hbm:s6], $0xF7A  }
0x23: {  	s9 =	sor.u32 $0xD0000000, s2;
	s6 =	simm.s32 $0x108;
	_ =	swait.ge @!p0 [sflag:s8], $0x0  }
0x24: {  	s3 =	sadd.s32 $0x88, s3;
	s6 =	simm.s32 @!p1 $0x1082;
	[sflag:s4] =	ssyncset.s32 $0xFFFFF086  }
0x25: {  	[simem:s6], [sflag:s4] =	dma.local [hbm:s3], $0xF7A  }
0x26: {  	[smem:$0x3F88] =	sst s1;
	(tag) =	ssettag s2;
	_ =	strace s9  }
0x27: {  	s1 =	sld [smem:$0x3F98]  }
0x28: {  	s2 =	sld [smem:$0x3F99]  }
0x29: {  	s4 =	sld [smem:$0x3F9B]  }
0x2a: {  	p0 =	seq.s32 s5, $0x0;
	s5 =	sld [smem:$0x3F9C]  }
0x2b: {  	s6 =	sld [smem:$0x3F9D]  }
0x2c: {  	s7 =	sld [smem:$0x3F9E]  }
0x2d: {  	s3 =	simm.s32 $0x108;
	s8 =	sld [smem:$0x3F9F]  }
0x2e: {  	s3 =	simm.s32 @!p0 $0x1082;
	s9 =	sld [smem:$0x3FA0]  }
0x2f: {  	lr =	sadd.s32 s0, s3;
	s0 =	sld [smem:$0x3F97]  }
0x30: {  	s3 =	sld [smem:$0x3F9A]  }
0x31: {  	[smem:$0x3FA3] =	sst s10  }
0x32: {  	s10 =	sld [smem:$0x3FA1];
	_ =	sdelay $0x3  }
0x33: {  	p0 =	seq.s32 s10, $0x1;
	s10 =	sld [smem:$0x3FA3];
	_ =	sdelay $0x3  }
0x34: {  	[smem:$0x3FA3] =	sst s10  }
0x35: {  	s10 =	sld [smem:$0x3FA2];
	_ =	sdelay $0x3  }
0x36: {  	p1 =	seq.s32 s10, $0x1;
	s10 =	sld [smem:$0x3FA3];
	_ =	sdelay $0x3  }
0x37: {  	[smem:$0x3FA3] =	sst s10  }
0x38: {  	s10 =	sld [smem:$0x3FA4]  }
0x39: {  	_ = 	snop;
	(pc) =	sbr.ind lr, $3  }
0x3a: {  	_ = 	snop  }
0x3b: {  	_ = 	snop  }
0x3c: {  	p2 =	seq.s32 s10, $0x1;
	s10 =	sld [smem:$0x3FA3]  }
0x3d: {  	_ =	shalt  }
0x3e: {  	_ =	shalt  }
0x3f: {  	_ =	shalt  }
0x40: {  	_ =	shalt  }
0x41: {  	_ =	shalt  }
0x42: {  	_ =	shalt  }
0x43: {  	_ =	shalt  }
0x44: {  	_ =	shalt  }
0x45: {  	_ =	shalt  }
0x46: {  	_ =	shalt  }
0x47: {  	_ =	shalt  }
0x48: {  	_ =	shalt  }
0x49: {  	_ =	shalt  }
0x4a: {  	_ =	shalt  }
0x4b: {  	_ =	shalt  }
0x4c: {  	_ =	shalt  }
0x4d: {  	_ =	shalt  }
0x4e: {  	_ =	shalt  }
0x4f: {  	_ =	shalt  }
0x50: {  	_ =	shalt  }
0x51: {  	_ =	shalt  }
0x52: {  	_ =	shalt  }
0x53: {  	_ =	shalt  }
0x54: {  	_ =	shalt  }
0x55: {  	_ =	shalt  }
0x56: {  	_ =	shalt  }
0x57: {  	_ =	shalt  }
0x58: {  	_ =	shalt  }
0x59: {  	_ =	shalt  }
0x5a: {  	_ =	shalt  }
0x5b: {  	_ =	shalt  }
0x5c: {  	_ =	shalt  }
0x5d: {  	_ =	shalt  }
0x5e: {  	_ =	shalt  }
0x5f: {  	_ =	shalt  }
0x60: {  	_ =	shalt  }
0x61: {  	_ =	shalt  }
0x62: {  	_ =	shalt  }
0x63: {  	_ =	shalt  }
0x64: {  	_ =	shalt  }
0x65: {  	_ =	shalt  }
0x66: {  	_ =	shalt  }
0x67: {  	_ =	shalt  }
0x68: {  	_ =	shalt  }
0x69: {  	_ =	shalt  }
0x6a: {  	_ =	shalt  }
0x6b: {  	_ =	shalt  }
0x6c: {  	_ =	shalt  }
0x6d: {  	_ =	shalt  }
0x6e: {  	_ =	shalt  }
0x6f: {  	_ =	shalt  }
0x70: {  	_ =	shalt  }
0x71: {  	_ =	shalt  }
0x72: {  	_ =	shalt  }
0x73: {  	_ =	shalt  }
0x74: {  	_ =	shalt  }
0x75: {  	_ =	shalt  }
0x76: {  	_ =	shalt  }
0x77: {  	_ =	shalt  }
0x78: {  	_ =	shalt  }
0x79: {  	_ =	shalt  }
0x7a: {  	_ =	shalt  }
0x7b: {  	_ =	shalt  }
0x7c: {  	_ =	shalt  }
0x7d: {  	_ =	shalt  }
0x7e: {  	_ =	shalt  }
0x7f: {  	_ =	shalt  }
0x80: {  	_ =	shalt  }
0x81: {  	_ =	shalt  }
0x82: {  	_ =	shalt  }
0x83: {  	_ =	shalt  }
0x84: {  	_ =	shalt  }
0x85: {  	_ =	shalt  }
0x86: {  	_ =	shalt  }
0x87: {  	_ =	shalt  }
.Lfunc_end0:
.L_simem_size_0:
called_computation.1_lowered:
.L_overlay_start_0:
0x88: {  	s2 =	sld [smem:$0x3FD9]  }
0x89: {  	s3 =	sld [smem:$0x3FFE];
	_ =	sdelay $0x1  }
0x8a: {  	s1 =	srdreg.scid  }
0x8b: {  	s0 =	sand.u32 $0x1, s1  }
0x8c: {  	s16 =	sshll.u32 s0, $0xA;
	s2 =	sadd.s32 s3, s2  }
0x8d: {  	s2 =	sadd.s32 s2, s16  }
0x8e: {  	[smem:$0x3FAF] =	sst s2  }
0x8f: {  	_ = 	snop  }
0x90: {  	(tm) =	ssettm $0x1  }
0x91: {  	s17 =	sld [smem:$0x3FFB];
	_ =	sdelay $0x3  }
0x92: {  	_ =	strace s17  }
0x93: {  	s2 =	sld [smem:$0x3FFC];
	_ =	sdelay $0x3  }
0x94: {  	_ =	strace s2  }
0x95: {  	s2 =	sld [smem:$0x3FFD];
	_ =	sdelay $0x3  }
0x96: {  	_ =	strace s2  }
0x97: {  	_ =	strace $0x8FFFFFFF  }
0x98: {  	s18 =	sld [smem:$0x3FDB];
	_ =	sdelay $0x1  }
0x99: {  	s19 =	simm.s32 $_scs_section_size  }
0x9a: {  	s4 =	simm.s32 $_size__tile_overlayer_lowered;
	s5 =	simm.s32 $_tile_overlayer_lowered  }
0x9b: {  	s22 =	simm.s32 $0x1BFF;
	s21 =	sshll.u32 s5, $0x1;
	s2 =	sadd.s32 s19, s18  }
0x9c: {  	s6 =	simm.s32 $0x0;
	s20 =	sshll.u32 s4, $0x1;
	s4 =	sadd.s32 s21, s2  }
0x9d: {  	[timem:s6], [sflag:s22] =	dma.local [hbm:s4], s20  }
0x9e: {  	_ =	swait.ge [sflag:s22], s20  }
0x9f: {  	s3 =	ssub.s32 $0x0, s20;
	[sflag:s22] =	ssyncset.done $0x0  }
0xa0: {  	[sflag:s22] =	ssyncadd.s32 s3;
	_ =	sdelay $0x1  }
0xa1: {  	s23 =	simm.s32 $0x1B8B  }
0xa2: {  	_ =	swait.ge [sflag:s23], $0x1  }
0xa3: {  	[sflag:s23] =	ssyncset.done $0x0  }
0xa4: {  	s25 =	simm.s32 $0x1B8E;
	s24 =	sld [smem:$0x3FFE];
	[sflag:s23] =	ssyncadd.s32 $0xFFFFFFFF  }
0xa5: {  	s26 =	simm.s32 $execute0_lowered;
	[smem:$0x3FD2] =	sst s25  }
0xa6: {  	s4 =	sshll.u32 s26, $0x1;
	_ =	strace $0x80000049;
	[dreg:$0x1] =	wrdreg $0xFFFFFFFF  }
0xa7: {  	s28 =	simm.s32 $_size_execute0_lowered;
	s2 =	sadd.s32 s2, s4;
	[dreg:$0x0] =	wrdreg $0x0  }
0xa8: {  	s4 =	sshll.u32 s28, $0x1;
	[dreg:$0x2] =	wrdreg s2  }
0xa9: {  	[dreg:$0x3] =	wrdreg s4  }
0xaa: {  	[dreg:$0x4] =	wrdreg $0xC0  }
0xab: {  	_ =	task [dreg:s6], $0x5FFFF  }
0xac: {  	[dreg:$0x1] =	wrdreg $0xFFFFFFFF  }
0xad: {  	[dreg:$0x0] =	wrdreg $0x60  }
0xae: {  	[dreg:$0x2] =	wrdreg s24  }
0xaf: {  	[dreg:$0x3] =	wrdreg $0x0  }
0xb0: {  	[dreg:$0x4] =	wrdreg $0x9  }
0xb1: {  	_ =	task.clear_ibuf [dreg:s6], $0x5FFFF;
	_ =	strace $0x90000049  }
0xb2: {  	s29 =	simm.s32 $0x9;
	_ =	strace $0x8000004B  }
0xb3: {  	_ =	swait.ge [sflag:s29], $0x1  }
0xb4: {  	[sflag:s29] =	ssyncadd.s32 $0xFFFFFFFF  }
0xb5: {  	_ =	strace $0x9000004B  }
0xb6: {  	_ =	sfence  }
0xb7: {  	s30 =	sld [smem:$0x0];
	_ =	sdelay $0x2  }
0xb8: {  	s31 =	sshll.u32 s1, $0xD;
	s1 =	sshrl.u32 s1, $0x2  }
0xb9: {  	s3 =	sand.u32 $0x4000, s31;
	s1 =	sadd.s32 s1, s30  }
0xba: {  	s0 =	sor.u32 s3, s0;
	s1 =	sshll.u32 s1, $0x11  }
0xbb: {  	s0 =	sor.u32 s1, s0  }
0xbc: {  	s0 =	sadd.s32 $0x8F2B, s0  }
0xbd: {  	[sflag:s0] =	ssyncadd.remote.s32 $0x1  }
0xbe: {  	_ =	sfence.sel $0xFFFF  }
0xbf: {  	[dreg:$0x0] =	wrdreg $0xFFFFFFFF;
	(pc) =	sbr.abs _section_cstart, $3  }
0xc0: {  	[dreg:$0x1] =	wrdreg $0xFFFFFFFF  }
0xc1: {  	_ =	task.clear_ibuf [dreg:s6], $0x2FFFF;
	_ =	strace $0x9FFFFFFF  }
0xc2: {  	(tm) =	ssettm $0x7FFFFFFF  }
0xc3: {  	_ =	shalt  }
tec
execute0_lowered:
.L_overlay_start_1:
0x0: {  	(tag) =	ssettag $0x1  }
0x1: {  	s1 =	rddreg [dreg:$0x0]  }
0x2: {  	s0 =	srdreg.scid;
	s2 =	rddreg [dreg:$0x1]  }
0x3: {  	s10 =	stileid.u32;
	s4 =	simm.s32 $0x0;
	s28 =	simm.s32 $0x5  }
0x4: {  	s29 =	simm.s32 $0x1;
	s30 =	simm.s32 $0x50;
	s31 =	simm.s32 $0x3  }
0x5: {  	s0 =	sand.u32 $0x1, s0;
	[smem:$0x7FF] =	sst s4;
	s8 =	smul.u32 $0x2700, s10  }
0x6: {  	s4 =	sadd.s32 $0x18A00, s1;
	s9 =	smul.u32 $0x4E000, s10;
	p0 =	sne.s32 s10, $0xF  }
0x7: {  	s3 =	sshll.u32 s0, $0x4;
	_ =	strace $0x8000004A;
	s5 =	smul.u32 $0x27100, s0  }
0x8: {  	s6 =	ssub.s32 $0x2, s0;
	s0 =	smul.u32 $0x138800, s0;
	s3 =	sor.u32 s10, s3  }
0x9: {  	s7 =	sshrl.u32 s6, $0x1;
	s26 =	sshrl.u32 s9, $0x2;
	s3 =	smul.u32 $0x4E2, s3  }
0xa: {  	s6 =	ssub.s32 s6, s7;
	s7 =	sadd.s32 $0x138000, s2;
	s25 =	sadd.s32 s8, s5  }
0xb: {  	s0 =	sshrl.u32 s0, $0x3;
	s9 =	sadd.s32 s26, s2;
	s26 =	simm.s32 $0x186A0  }
0xc: {  	s5 =	simm.s32 $0x0;
	s11 =	smax.u32 s6, $0x1;
	s12 =	sadd.s32 $0x1800, s9  }
0xd: {  	s13 =	sadd.s32 $0x3000, s9;
	s14 =	sadd.s32 $0x4800, s9;
	s15 =	sadd.s32 $0x6000, s9  }
0xe: {  	s16 =	sadd.s32 $0x7800, s9;
	s17 =	sadd.s32 $0x9000, s9;
	s18 =	sadd.s32 $0xA800, s9  }
0xf: {  	s19 =	sadd.s32 $0xC000, s9;
	s20 =	sadd.s32 $0xD800, s9;
	s3 =	sadd.s32 s3, s1  }
0x10: {  	s21 =	sadd.s32 $0xF000, s9;
	s22 =	sadd.s32 $0x10800, s9;
	s24 =	sadd.s32 $0xEC00, s3  }
0x11: {  	s1 =	sadd.s32 $0x3FC00, s1;
	s3 =	sadd.s32 $0x4E00, s3;
	[dreg:$0x3] =	wrdreg s24  }
0x12: {  	s23 =	sadd.s32 $0x12000, s9;
	s0 =	sadd.s32 s1, s0;
	[dreg:$0x4] =	wrdreg s3  }
0x13: {  	s3 =	sadd.s32 s1, s25;
	s0 =	sadd.s32 $0x27000, s0;
	s24 =	simm.s32 $0x13880  }
0x14: {  	s1 =	simm.s32 $0x2;
	s25 =	simm.s32 $0x1D6A0;
	[dreg:$0x5] =	wrdreg s3  }
0x15: {  	v0 =	vimm.f32 $0.0e+00;
	[dreg:$0x6] =	wrdreg s0;
	s0 =	simm.s32 $0x1AEA0;
	s3 =	simm.s32 $0x4  }
.LBB2_1:
0x16: {  	s6 =	simm.s32 $0x0;
	s8 =	rddreg [dreg:$0x3]  }
0x17: {  	[tilespmem:s24], [sflag:$0x1] =	stream.linear.gather [hbm4b:s8+s6], $0x2710, $0x38;
	[tilespmem:$0x1FEA0] =	vst v63  }
0x18: {  	s10 =	simm.s32 $0x15F90;
	s8 =	rddreg [dreg:$0x4]  }
0x19: {  	[tilespmem:s10], [sflag:$0x1] =	stream.linear.gather [hbm4b:s8+s6], $0x2710, $0x38;
	[tilespmem:$0x1FEA0] =	vst v63  }
0x1a: {  	s6 =	simm.s32 $0x70;
	s8 =	simm.s32 $0x3C0  }
.LBB2_2:
0x1b: {  	p1 =	sne.s32 s8, $0x5FC0;
	[tilespmem:s6+$0x186A0] =	vst v0  }
0x1c: {  	[tilespmem:s6+$0x18630] =	vst v0  }
0x1d: {  	[tilespmem:s6+$0x18640] =	vst v0  }
.Ltmp0:
0x1e: {  	[tilespmem:s6+$0x18650] =	vst v0;
	(pc) =	sbr.rel @p1 .LBB2_2-.Ltmp0, $4  }
0x1f: {  	[tilespmem:s6+$0x18660] =	vst v0  }
0x20: {  	[tilespmem:s6+$0x18670] =	vst v0  }
0x21: {  	[tilespmem:s6+$0x18680] =	vst v0  }
0x22: {  	[tilespmem:s6+$0x18690] =	vst v0;
	s6 =	sshra.s32 s8, $0x2;
	s8 =	sadd.s32 $0x200, s8  }
0x23: {  	[tilespmem:s6+$0x186A0] =	vst v0  }
0x24: {  	[tilespmem:s6+$0x18630] =	vst v0  }
0x25: {  	[tilespmem:s6+$0x18640] =	vst v0  }
0x26: {  	[tilespmem:s6+$0x18650] =	vst v0  }
0x27: {  	[tilespmem:s6+$0x18660] =	vst v0  }
0x28: {  	[tilespmem:s6+$0x18670] =	vst v0  }
0x29: {  	[tilespmem:s6+$0x18680] =	vst v0  }
0x2a: {  	[tilespmem:s6+$0x18690] =	vst v0  }
0x2b: {  	[spmem:s9] =	stream.linear.scatter [tilespmem:s26], [sflag:$0x5], $0x1800, $0x38;
	[tilespmem:$0x1FEA0] =	vst v63  }
0x2c: {  	_ =	swait.ge [sflag:s28], $0x1800  }
0x2d: {  	[sflag:s28] =	ssyncset.done $0x0  }
0x2e: {  	[sflag:s28] =	ssyncadd.s32 $0xFFFFE800  }
0x2f: {  	[spmem:s12] =	stream.linear.scatter [tilespmem:s26], [sflag:$0x5], $0x1800, $0x38;
	[tilespmem:$0x1FEA0] =	vst v63  }
0x30: {  	_ =	swait.ge [sflag:s28], $0x1800  }
0x31: {  	[sflag:s28] =	ssyncset.done $0x0  }
0x32: {  	[sflag:s28] =	ssyncadd.s32 $0xFFFFE800  }
0x33: {  	[spmem:s13] =	stream.linear.scatter [tilespmem:s26], [sflag:$0x5], $0x1800, $0x38;
	[tilespmem:$0x1FEA0] =	vst v63  }
0x34: {  	_ =	swait.ge [sflag:s28], $0x1800  }
0x35: {  	[sflag:s28] =	ssyncset.done $0x0  }
0x36: {  	[sflag:s28] =	ssyncadd.s32 $0xFFFFE800  }
0x37: {  	[spmem:s14] =	stream.linear.scatter [tilespmem:s26], [sflag:$0x5], $0x1800, $0x38;
	[tilespmem:$0x1FEA0] =	vst v63  }
0x38: {  	_ =	swait.ge [sflag:s28], $0x1800  }
0x39: {  	[sflag:s28] =	ssyncset.done $0x0  }
0x3a: {  	[sflag:s28] =	ssyncadd.s32 $0xFFFFE800  }
0x3b: {  	[spmem:s15] =	stream.linear.scatter [tilespmem:s26], [sflag:$0x5], $0x1800, $0x38;
	[tilespmem:$0x1FEA0] =	vst v63  }
0x3c: {  	_ =	swait.ge [sflag:s28], $0x1800  }
0x3d: {  	[sflag:s28] =	ssyncset.done $0x0  }
0x3e: {  	[sflag:s28] =	ssyncadd.s32 $0xFFFFE800  }
0x3f: {  	[spmem:s16] =	stream.linear.scatter [tilespmem:s26], [sflag:$0x5], $0x1800, $0x38;
	[tilespmem:$0x1FEA0] =	vst v63  }
0x40: {  	_ =	swait.ge [sflag:s28], $0x1800  }
0x41: {  	[sflag:s28] =	ssyncset.done $0x0  }
0x42: {  	[sflag:s28] =	ssyncadd.s32 $0xFFFFE800  }
0x43: {  	[spmem:s17] =	stream.linear.scatter [tilespmem:s26], [sflag:$0x5], $0x1800, $0x38;
	[tilespmem:$0x1FEA0] =	vst v63  }
0x44: {  	_ =	swait.ge [sflag:s28], $0x1800  }
0x45: {  	[sflag:s28] =	ssyncset.done $0x0  }
0x46: {  	[sflag:s28] =	ssyncadd.s32 $0xFFFFE800  }
0x47: {  	[spmem:s18] =	stream.linear.scatter [tilespmem:s26], [sflag:$0x5], $0x1800, $0x38;
	[tilespmem:$0x1FEA0] =	vst v63  }
0x48: {  	_ =	swait.ge [sflag:s28], $0x1800  }
0x49: {  	[sflag:s28] =	ssyncset.done $0x0  }
0x4a: {  	[sflag:s28] =	ssyncadd.s32 $0xFFFFE800  }
0x4b: {  	[spmem:s19] =	stream.linear.scatter [tilespmem:s26], [sflag:$0x5], $0x1800, $0x38;
	[tilespmem:$0x1FEA0] =	vst v63  }
0x4c: {  	_ =	swait.ge [sflag:s28], $0x1800  }
0x4d: {  	[sflag:s28] =	ssyncset.done $0x0  }
0x4e: {  	[sflag:s28] =	ssyncadd.s32 $0xFFFFE800  }
0x4f: {  	[spmem:s20] =	stream.linear.scatter [tilespmem:s26], [sflag:$0x5], $0x1800, $0x38;
	[tilespmem:$0x1FEA0] =	vst v63  }
0x50: {  	_ =	swait.ge [sflag:s28], $0x1800  }
0x51: {  	[sflag:s28] =	ssyncset.done $0x0  }
0x52: {  	[sflag:s28] =	ssyncadd.s32 $0xFFFFE800  }
0x53: {  	[spmem:s21] =	stream.linear.scatter [tilespmem:s26], [sflag:$0x5], $0x1800, $0x38;
	[tilespmem:$0x1FEA0] =	vst v63  }
0x54: {  	_ =	swait.ge [sflag:s28], $0x1800  }
0x55: {  	[sflag:s28] =	ssyncset.done $0x0  }
0x56: {  	[sflag:s28] =	ssyncadd.s32 $0xFFFFE800  }
0x57: {  	[spmem:s22] =	stream.linear.scatter [tilespmem:s26], [sflag:$0x5], $0x1800, $0x38;
	[tilespmem:$0x1FEA0] =	vst v63  }
0x58: {  	_ =	swait.ge [sflag:s28], $0x1800  }
0x59: {  	[sflag:s28] =	ssyncset.done $0x0  }
0x5a: {  	[sflag:s28] =	ssyncadd.s32 $0xFFFFE800  }
0x5b: {  	[spmem:s23] =	stream.linear.scatter [tilespmem:s26], [sflag:$0x5], $0x1800, $0x38;
	[tilespmem:$0x1FEA0] =	vst v63  }
0x5c: {  	_ =	swait.ge [sflag:s28], $0x1800  }
0x5d: {  	[sflag:s28] =	ssyncset.done $0x0  }
0x5e: {  	s6 =	simm.s32 @!p0 $0x186A0;
	[sflag:s28] =	ssyncadd.s32 $0xFFFFE800  }
0x5f: {  	[spmem:s7] =	stream.linear.scatter @!p0 [tilespmem:s6], [sflag:$0x5], $0x800, $0x38;
	[tilespmem:$0x1FEA0] =	vst v63  }
0x60: {  	s6 =	simm.s32 @!p0 $0x5  }
0x61: {  	_ =	swait.ge @!p0 [sflag:s6], $0x800  }
0x62: {  	[sflag:s6] =	ssyncset.done @!p0 $0x0  }
0x63: {  	[sflag:s6] =	ssyncadd.s32 @!p0 $0xFFFFF800  }
0x64: {  	_ =	swait.ge [sflag:s29], $0x2710  }
0x65: {  	[sflag:s29] =	ssyncset.done $0x0  }
0x66: {  	[sflag:s29] =	ssyncadd.s32 $0xFFFFD8F0  }
0x67: {  	_ =	swait.ge [sflag:s29], $0x2710  }
0x68: {  	[sflag:s29] =	ssyncset.done $0x0  }
0x69: {  	[sflag:s29] =	ssyncadd.s32 $0xFFFFD8F0  }
0x6a: {  	[tilespmem:s26], [sflag:$0x2] =	stream.indirect.gather [hbm4b:s4+s30], $0x80, s24, s30, $0xb8;
	[tilespmem:$0x1FEA0] =	vst v63  }
0x6b: {  	s10 =	simm.s32 $0x138D0  }
0x6c: {  	[tilespmem:s0], [sflag:$0x3] =	stream.indirect.gather [hbm4b:s4+s30], $0x80, s10, s30, $0xb8;
	[tilespmem:$0x1FEA0] =	vst v63  }
0x6d: {  	[bflag:$0x0] =	sbarrier.arrive $0xFFFF  }
0x6e: {  	_ =	swait.ge [sflag:s1], $0x2800  }
0x6f: {  	[sflag:s1] =	ssyncset.done $0x0  }
0x70: {  	s8 =	simm.s32 $0x13920;
	[sflag:s1] =	ssyncadd.s32 $0xFFFFD800  }
0x71: {  	[tilespmem:s25], [sflag:$0x4] =	stream.indirect.gather [hbm4b:s4+s30], $0x80, s8, s30, $0xb8;
	[tilespmem:$0x1FEA0] =	vst v63  }
0x72: {  	s10 =	simm.s32 $0x15F90  }
0x73: {  	[spmem:s2] =	stream.indirect.scatter.add.f32 [tilespmem:s26], [sflag:$0x5], $0x80, s10, s30, $0xb8;
	[tilespmem:$0x1FEA0] =	vst v63  }
0x74: {  	_ =	swait.ge [sflag:s28], $0x2800  }
0x75: {  	[sflag:s28] =	ssyncset.done $0x0  }
0x76: {  	[sflag:s28] =	ssyncadd.s32 $0xFFFFD800  }
0x77: {  	_ =	swait.ge [sflag:s31], $0x2800  }
0x78: {  	[sflag:s31] =	ssyncset.done $0x0  }
0x79: {  	s8 =	simm.s32 $0x13970;
	[sflag:s31] =	ssyncadd.s32 $0xFFFFD800  }
0x7a: {  	[tilespmem:s26], [sflag:$0x2] =	stream.indirect.gather [hbm4b:s4+s30], $0x80, s8, s30, $0xb8;
	[tilespmem:$0x1FEA0] =	vst v63  }
0x7b: {  	s10 =	simm.s32 $0x15FE0  }
0x7c: {  	[spmem:s2] =	stream.indirect.scatter.add.f32 [tilespmem:s0], [sflag:$0x5], $0x80, s10, s30, $0xb8;
	[tilespmem:$0x1FEA0] =	vst v63  }
0x7d: {  	_ =	swait.ge [sflag:s28], $0x2800  }
0x7e: {  	[sflag:s28] =	ssyncset.done $0x0  }
0x7f: {  	[sflag:s28] =	ssyncadd.s32 $0xFFFFD800  }
0x80: {  	_ =	swait.ge [sflag:s3], $0x2800  }
0x81: {  	[sflag:s3] =	ssyncset.done $0x0  }
0x82: {  	s8 =	simm.s32 $0x139C0;
	[sflag:s3] =	ssyncadd.s32 $0xFFFFD800  }
0x83: {  	[tilespmem:s0], [sflag:$0x3] =	stream.indirect.gather [hbm4b:s4+s30], $0x80, s8, s30, $0xb8;
	[tilespmem:$0x1FEA0] =	vst v63  }
0x84: {  	s10 =	simm.s32 $0x16030  }
0x85: {  	[spmem:s2] =	stream.indirect.scatter.add.f32 [tilespmem:s25], [sflag:$0x5], $0x80, s10, s30, $0xb8;
	[tilespmem:$0x1FEA0] =	vst v63  }
0x86: {  	_ =	swait.ge [sflag:s28], $0x2800  }
0x87: {  	s6 =	simm.s32 $0x3C0;
	[sflag:s28] =	ssyncset.done $0x0  }
.LBB2_4:
0x88: {  	p1 =	sne.s32 s6, $0x9600  }
0x89: {  	[sflag:s28] =	ssyncadd.s32 $0xFFFFD800;
	s8 =	smov.u32 s6;
	s6 =	sadd.s32 $0x3C0, s6  }
0x8a: {  	_ = 	snop  }
0x8b: {  	_ =	swait.ge [sflag:s1], $0x2800  }
0x8c: {  	s8 =	sshra.s32 s8, $0x2;
	[sflag:s1] =	ssyncset.done $0x0  }
0x8d: {  	s10 =	sadd.s32 $0x13920, s8;
	[sflag:s1] =	ssyncadd.s32 $0xFFFFD800  }
0x8e: {  	[tilespmem:s25], [sflag:$0x4] =	stream.indirect.gather [hbm4b:s4+s30], $0x80, s10, s30, $0xb8;
	[tilespmem:$0x1FEA0] =	vst v63  }
0x8f: {  	s10 =	sadd.s32 $0x15F90, s8  }
0x90: {  	[spmem:s2] =	stream.indirect.scatter.add.f32 [tilespmem:s26], [sflag:$0x5], $0x80, s10, s30, $0xb8;
	[tilespmem:$0x1FEA0] =	vst v63  }
0x91: {  	_ =	swait.ge [sflag:s28], $0x2800  }
0x92: {  	[sflag:s28] =	ssyncset.done $0x0  }
0x93: {  	[sflag:s28] =	ssyncadd.s32 $0xFFFFD800  }
0x94: {  	_ =	swait.ge [sflag:s31], $0x2800  }
0x95: {  	[sflag:s31] =	ssyncset.done $0x0  }
0x96: {  	s10 =	sadd.s32 $0x13970, s8;
	[sflag:s31] =	ssyncadd.s32 $0xFFFFD800  }
0x97: {  	[tilespmem:s26], [sflag:$0x2] =	stream.indirect.gather [hbm4b:s4+s30], $0x80, s10, s30, $0xb8;
	[tilespmem:$0x1FEA0] =	vst v63  }
0x98: {  	s10 =	sadd.s32 $0x15FE0, s8  }
0x99: {  	[spmem:s2] =	stream.indirect.scatter.add.f32 [tilespmem:s0], [sflag:$0x5], $0x80, s10, s30, $0xb8;
	[tilespmem:$0x1FEA0] =	vst v63  }
0x9a: {  	_ =	swait.ge [sflag:s28], $0x2800  }
0x9b: {  	[sflag:s28] =	ssyncset.done $0x0  }
0x9c: {  	[sflag:s28] =	ssyncadd.s32 $0xFFFFD800  }
0x9d: {  	_ =	swait.ge [sflag:s3], $0x2800  }
0x9e: {  	[sflag:s3] =	ssyncset.done $0x0  }
0x9f: {  	s10 =	sadd.s32 $0x139C0, s8;
	[sflag:s3] =	ssyncadd.s32 $0xFFFFD800  }
0xa0: {  	[tilespmem:s0], [sflag:$0x3] =	stream.indirect.gather [hbm4b:s4+s30], $0x80, s10, s30, $0xb8;
	[tilespmem:$0x1FEA0] =	vst v63  }
.Ltmp1:
0xa1: {  	_ = 	snop;
	(pc) =	sbr.rel @p1 .LBB2_4-.Ltmp1, $4  }
0xa2: {  	s8 =	sadd.s32 $0x16030, s8  }
0xa3: {  	[spmem:s2] =	stream.indirect.scatter.add.f32 [tilespmem:s25], [sflag:$0x5], $0x80, s8, s30, $0xb8;
	[tilespmem:$0x1FEA0] =	vst v63  }
0xa4: {  	_ =	swait.ge [sflag:s28], $0x2800  }
0xa5: {  	[sflag:s28] =	ssyncset.done $0x0  }
0xa6: {  	[sflag:s28] =	ssyncadd.s32 $0xFFFFD800  }
0xa7: {  	_ =	swait.ge [sflag:s1], $0x2800  }
0xa8: {  	[sflag:s1] =	ssyncset.done $0x0  }
0xa9: {  	s6 =	simm.s32 $0x18600;
	[sflag:s1] =	ssyncadd.s32 $0xFFFFD800  }
0xaa: {  	[spmem:s2] =	stream.indirect.scatter.add.f32 [tilespmem:s26], [sflag:$0x5], $0x80, s6, s30, $0xb8;
	[tilespmem:$0x1FEA0] =	vst v63  }
0xab: {  	_ =	swait.ge [sflag:s28], $0x2800  }
0xac: {  	[sflag:s28] =	ssyncset.done $0x0  }
0xad: {  	[sflag:s28] =	ssyncadd.s32 $0xFFFFD800  }
0xae: {  	_ =	swait.ge [sflag:s31], $0x2800  }
0xaf: {  	[sflag:s31] =	ssyncset.done $0x0  }
0xb0: {  	s8 =	simm.s32 $0x18650;
	[sflag:s31] =	ssyncadd.s32 $0xFFFFD800  }
0xb1: {  	[spmem:s2] =	stream.indirect.scatter.add.f32 [tilespmem:s0], [sflag:$0x5], $0x80, s8, s30, $0xb8;
	[tilespmem:$0x1FEA0] =	vst v63  }
0xb2: {  	_ =	swait.ge [sflag:s28], $0x2800  }
0xb3: {  	[sflag:s28] =	ssyncset.done $0x0  }
0xb4: {  	s10 =	stileid.u32;
	[sflag:s28] =	ssyncadd.s32 $0xFFFFD800  }
0xb5: {  	s6 =	sshll.u32 s10, $0x6;
	[bflag:$0x0] =	sbarrier.arrive $0xFFFF  }
0xb6: {  	s6 =	sor.u32 $0x1C05, s6;
	s8 =	sshrl.u32 s9, $0x3;
	s10 =	rddreg [dreg:$0x5]  }
0xb7: {  	[hbm:s10], [sflag:s6] =	dma.local [spmem:s8], $0x2700  }
0xb8: {  	s5 =	sadd.s32 $0x1, s5;
	_ =	swait.ge [sflag:s28], $0x2700  }
0xb9: {  	p1 =	sne.s32 s5, s11;
	[sflag:s28] =	ssyncset.done $0x0  }
0xba: {  	s8 =	sshrl.u32 @!p0 s7, $0x3;
	s10 =	rddreg [dreg:$0x6];
	[sflag:s28] =	ssyncadd.s32 $0xFFFFD900  }
0xbb: {  	[hbm:s10], [sflag:s6] =	dma.local @!p0 [spmem:s8], $0x100  }
.Ltmp2:
0xbc: {  	_ = 	snop;
	(pc) =	sbr.rel @p1 .LBB2_1-.Ltmp2, $4  }
0xbd: {  	s6 =	simm.s32 @!p0 $0x5  }
0xbe: {  	_ =	swait.ge @!p0 [sflag:s6], $0x100  }
0xbf: {  	[sflag:s6] =	ssyncset.done @!p0 $0x0  }
0xc0: {  	[sflag:s6] =	ssyncadd.s32 @!p0 $0xFFFFFF00  }
0xc1: {  	_ =	sfence.sel $0x180000  }
0xc2: {  	[bflag:$0x0] =	sbarrier.arrive $0xFFFF  }
0xc3: {  	_ =	strace $0x9000004A  }
0xc4: {  	s0 =	stileid.u32;
	[bflag:$0x2] =	sbarrier.arrive $0xFFFF  }
0xc5: {  	p0 =	sne.s32 s0, $0x0;
	s0 =	rddreg [dreg:$0x2]  }
0xc6: {  	s0 =	sadd.s32 @!p0 $0x100000, s0  }
0xc7: {  	[sflag:s0] =	ssyncadd.tile.s32 @!p0 $0x1;
	_ =	shalt  }
.Lfunc_end2:
_tile_overlayer_lowered:
.L_overlay_start_2:
0xc8: {  	(tag) =	ssettag $0x2  }
0xc9: {  	s0 =	rddreg [dreg:$0x0];
	s2 =	stileid.u32  }
0xca: {  	s1 =	rddreg [dreg:$0x1];
	p0 =	sne.s32 s2, $0x0  }
0xcb: {  	s3 =	rddreg [dreg:$0x2];
	[bflag:$0x3] =	sbarrier.arrive $0xFFFF;
	s2 =	simm.s32 @!p0 $0x1C05  }
0xcc: {  	[timem:s3], [sflag:s2] =	dma.local @!p0 [hbm:s0], s1  }
0xcd: {  	s0 =	simm.s32 @!p0 $0x5  }
0xce: {  	_ =	swait.ge @!p0 [sflag:s0], s1  }
0xcf: {  	s1 =	ssub.s32 @!p0 $0x0, s1;
	[sflag:s0] =	ssyncset.done @!p0 $0x0  }
0xd0: {  	[sflag:s0] =	ssyncadd.s32 @!p0 s1  }
0xd1: {  	[bflag:$0x3] =	sbarrier.arrive $0xFFFF  }
0xd2: {  	_ =	shalt  }

// kernel: kernel.16.cloned.1.call-start
scs
__scs_entry_jumppad:
0x0: {  	(pc) =	sbr.rel $0x88, $3  }
0x1: {  	(tag) =	ssettag $0x0;
	lr =	simm.s32 $0x1  }
0x2: {  	[smem:$0x3F88] =	sst lr;
	_ =	strace $0xD0000000  }
0x3: {  	_ = 	snop  }
0x4: {  	_ = 	snop  }
0x5: {  	_ = 	snop  }
0x6: {  	_ = 	snop  }
0x7: {  	_ = 	snop  }
__scs_overlays_trampoline_lowered:
0x8: {  	[smem:$0x3F97] =	sst s0  }
0x9: {  	[smem:$0x3F98] =	sst s1  }
0xa: {  	[smem:$0x3F99] =	sst s2  }
0xb: {  	[smem:$0x3F9A] =	sst s3  }
0xc: {  	[smem:$0x3F9B] =	sst s4  }
0xd: {  	[smem:$0x3F9C] =	sst s5  }
0xe: {  	[smem:$0x3F9D] =	sst s6  }
0xf: {  	[smem:$0x3F9E] =	sst s7  }
0x10: {  	[smem:$0x3F9F] =	sst s8  }
0x11: {  	[smem:$0x3FA0] =	sst s9;
	s0 =	simm.s32 @!p0 $0x0  }
0x12: {  	s1 =	sld [smem:$0x3F86];
	s0 =	simm.s32 @p0 $0x1  }
0x13: {  	[smem:$0x3FA1] =	sst s0;
	s0 =	simm.s32 @!p1 $0x0  }
0x14: {  	s2 =	sld [smem:$0x3F85];
	s0 =	simm.s32 @p1 $0x1  }
0x15: {  	[smem:$0x3FA2] =	sst s0;
	s0 =	simm.s32 @!p2 $0x0  }
0x16: {  	s3 =	sld [smem:$0x3FDB];
	s0 =	simm.s32 @p2 $0x1  }
0x17: {  	s4 =	simm.s32 $0x1BF5;
	[smem:$0x3FA4] =	sst s0  }
0x18: {  	s0 =	sld [smem:$0x3F87];
	_ =	swait.ge [sflag:s4], $0x0  }
0x19: {  	s7 =	sld [smem:$0x3F88]  }
0x1a: {  	s8 =	sadd.s32 $0xFFFFE003, lr  }
0x1b: {  	s9 =	sadd.s32 $0xFFFFFEF7, lr;
	s5 =	simm.s32 $0xFFFFFFFF;
	p2 =	slt.u32 s8, $0xFFFFF086  }
0x1c: {  	p1 =	slt.u32 s9, $0xF7A;
	s5 =	simm.s32 @!p2 $0x0  }
0x1d: {  	s5 =	simm.s32 @p1 $0x1;
	p0 =	seq.s32 s7, s2  }
0x1e: {  	s7 =	smul.u32 @!p0 $0xF7A, s2;
	p2 =	seq.s32 @!p0 s5, $0x0  }
0x1f: {  	s9 =	smul.u32 $0xF7A, s1;
	s8 =	simm.s32 @!p0 $0x1BF5;
	p2 =	por !p2, p0  }
0x20: {  	[sflag:s8] =	ssyncset.s32 @!p0 $0xFFFFF086;
	s6 =	sadd.s32 @!p0 s3, s7;
	s7 =	simm.s32 @!p0 $0x108  }
0x21: {  	s3 =	sadd.s32 s3, s9;
	s6 =	sadd.s32 @!p0 $0x88, s6;
	s7 =	simm.s32 @p2 $0x1082  }
0x22: {  	[simem:s7], [sflag:s8] =	dma.local @!p0 [hbm:s6], $0xF7A  }
0x23: {  	s9 =	sor.u32 $0xD0000000, s2;
	s6 =	simm.s32 $0x108;
	_ =	swait.ge @!p0 [sflag:s8], $0x0  }
0x24: {  	s3 =	sadd.s32 $0x88, s3;
	s6 =	simm.s32 @!p1 $0x1082;
	[sflag:s4] =	ssyncset.s32 $0xFFFFF086  }
0x25: {  	[simem:s6], [sflag:s4] =	dma.local [hbm:s3], $0xF7A  }
0x26: {  	[smem:$0x3F88] =	sst s1;
	(tag) =	ssettag s2;
	_ =	strace s9  }
0x27: {  	s1 =	sld [smem:$0x3F98]  }
0x28: {  	s2 =	sld [smem:$0x3F99]  }
0x29: {  	s4 =	sld [smem:$0x3F9B]  }
0x2a: {  	p0 =	seq.s32 s5, $0x0;
	s5 =	sld [smem:$0x3F9C]  }
0x2b: {  	s6 =	sld [smem:$0x3F9D]  }
0x2c: {  	s7 =	sld [smem:$0x3F9E]  }
0x2d: {  	s3 =	simm.s32 $0x108;
	s8 =	sld [smem:$0x3F9F]  }
0x2e: {  	s3 =	simm.s32 @!p0 $0x1082;
	s9 =	sld [smem:$0x3FA0]  }
0x2f: {  	lr =	sadd.s32 s0, s3;
	s0 =	sld [smem:$0x3F97]  }
0x30: {  	s3 =	sld [smem:$0x3F9A]  }
0x31: {  	[smem:$0x3FA3] =	sst s10  }
0x32: {  	s10 =	sld [smem:$0x3FA1];
	_ =	sdelay $0x3  }
0x33: {  	p0 =	seq.s32 s10, $0x1;
	s10 =	sld [smem:$0x3FA3];
	_ =	sdelay $0x3  }
0x34: {  	[smem:$0x3FA3] =	sst s10  }
0x35: {  	s10 =	sld [smem:$0x3FA2];
	_ =	sdelay $0x3  }
0x36: {  	p1 =	seq.s32 s10, $0x1;
	s10 =	sld [smem:$0x3FA3];
	_ =	sdelay $0x3  }
0x37: {  	[smem:$0x3FA3] =	sst s10  }
0x38: {  	s10 =	sld [smem:$0x3FA4]  }
0x39: {  	_ = 	snop;
	(pc) =	sbr.ind lr, $3  }
0x3a: {  	_ = 	snop  }
0x3b: {  	_ = 	snop  }
0x3c: {  	p2 =	seq.s32 s10, $0x1;
	s10 =	sld [smem:$0x3FA3]  }
0x3d: {  	_ =	shalt  }
0x3e: {  	_ =	shalt  }
0x3f: {  	_ =	shalt  }
0x40: {  	_ =	shalt  }
0x41: {  	_ =	shalt  }
0x42: {  	_ =	shalt  }
0x43: {  	_ =	shalt  }
0x44: {  	_ =	shalt  }
0x45: {  	_ =	shalt  }
0x46: {  	_ =	shalt  }
0x47: {  	_ =	shalt  }
0x48: {  	_ =	shalt  }
0x49: {  	_ =	shalt  }
0x4a: {  	_ =	shalt  }
0x4b: {  	_ =	shalt  }
0x4c: {  	_ =	shalt  }
0x4d: {  	_ =	shalt  }
0x4e: {  	_ =	shalt  }
0x4f: {  	_ =	shalt  }
0x50: {  	_ =	shalt  }
0x51: {  	_ =	shalt  }
0x52: {  	_ =	shalt  }
0x53: {  	_ =	shalt  }
0x54: {  	_ =	shalt  }
0x55: {  	_ =	shalt  }
0x56: {  	_ =	shalt  }
0x57: {  	_ =	shalt  }
0x58: {  	_ =	shalt  }
0x59: {  	_ =	shalt  }
0x5a: {  	_ =	shalt  }
0x5b: {  	_ =	shalt  }
0x5c: {  	_ =	shalt  }
0x5d: {  	_ =	shalt  }
0x5e: {  	_ =	shalt  }
0x5f: {  	_ =	shalt  }
0x60: {  	_ =	shalt  }
0x61: {  	_ =	shalt  }
0x62: {  	_ =	shalt  }
0x63: {  	_ =	shalt  }
0x64: {  	_ =	shalt  }
0x65: {  	_ =	shalt  }
0x66: {  	_ =	shalt  }
0x67: {  	_ =	shalt  }
0x68: {  	_ =	shalt  }
0x69: {  	_ =	shalt  }
0x6a: {  	_ =	shalt  }
0x6b: {  	_ =	shalt  }
0x6c: {  	_ =	shalt  }
0x6d: {  	_ =	shalt  }
0x6e: {  	_ =	shalt  }
0x6f: {  	_ =	shalt  }
0x70: {  	_ =	shalt  }
0x71: {  	_ =	shalt  }
0x72: {  	_ =	shalt  }
0x73: {  	_ =	shalt  }
0x74: {  	_ =	shalt  }
0x75: {  	_ =	shalt  }
0x76: {  	_ =	shalt  }
0x77: {  	_ =	shalt  }
0x78: {  	_ =	shalt  }
0x79: {  	_ =	shalt  }
0x7a: {  	_ =	shalt  }
0x7b: {  	_ =	shalt  }
0x7c: {  	_ =	shalt  }
0x7d: {  	_ =	shalt  }
0x7e: {  	_ =	shalt  }
0x7f: {  	_ =	shalt  }
0x80: {  	_ =	shalt  }
0x81: {  	_ =	shalt  }
0x82: {  	_ =	shalt  }
0x83: {  	_ =	shalt  }
0x84: {  	_ =	shalt  }
0x85: {  	_ =	shalt  }
0x86: {  	_ =	shalt  }
0x87: {  	_ =	shalt  }
.Lfunc_end0:
.L_simem_size_0:
called_computation.2_lowered:
.L_overlay_start_0:
0x88: {  	s2 =	sld [smem:$0x3FD9]  }
0x89: {  	s3 =	sld [smem:$0x3FFE];
	_ =	sdelay $0x1  }
0x8a: {  	s1 =	srdreg.scid  }
0x8b: {  	s0 =	sand.u32 $0x1, s1  }
0x8c: {  	s16 =	sshll.u32 s0, $0xA;
	s2 =	sadd.s32 s3, s2  }
0x8d: {  	s2 =	sadd.s32 s2, s16  }
0x8e: {  	[smem:$0x3FAF] =	sst s2  }
0x8f: {  	_ = 	snop  }
0x90: {  	(tm) =	ssettm $0x1  }
0x91: {  	s17 =	sld [smem:$0x3FFB];
	_ =	sdelay $0x3  }
0x92: {  	_ =	strace s17  }
0x93: {  	s2 =	sld [smem:$0x3FFC];
	_ =	sdelay $0x3  }
0x94: {  	_ =	strace s2  }
0x95: {  	s2 =	sld [smem:$0x3FFD];
	_ =	sdelay $0x3  }
0x96: {  	_ =	strace s2  }
0x97: {  	_ =	strace $0x8FFFFFFF  }
0x98: {  	s18 =	sld [smem:$0x3FDB];
	_ =	sdelay $0x1  }
0x99: {  	s19 =	simm.s32 $_scs_section_size  }
0x9a: {  	s4 =	simm.s32 $_size__tile_overlayer_lowered;
	s5 =	simm.s32 $_tile_overlayer_lowered  }
0x9b: {  	s22 =	simm.s32 $0x1BFF;
	s21 =	sshll.u32 s5, $0x1;
	s2 =	sadd.s32 s19, s18  }
0x9c: {  	s6 =	simm.s32 $0x0;
	s20 =	sshll.u32 s4, $0x1;
	s4 =	sadd.s32 s21, s2  }
0x9d: {  	[timem:s6], [sflag:s22] =	dma.local [hbm:s4], s20  }
0x9e: {  	_ =	swait.ge [sflag:s22], s20  }
0x9f: {  	s3 =	ssub.s32 $0x0, s20;
	[sflag:s22] =	ssyncset.done $0x0  }
0xa0: {  	[sflag:s22] =	ssyncadd.s32 s3;
	_ =	sdelay $0x1  }
0xa1: {  	s23 =	simm.s32 $0x1B8B  }
0xa2: {  	_ =	swait.ge [sflag:s23], $0x1  }
0xa3: {  	[sflag:s23] =	ssyncset.done $0x0  }
0xa4: {  	s25 =	simm.s32 $0x1B8E;
	s24 =	sld [smem:$0x3FFE];
	[sflag:s23] =	ssyncadd.s32 $0xFFFFFFFF  }
0xa5: {  	s26 =	simm.s32 $execute0_lowered;
	[smem:$0x3FD2] =	sst s25  }
0xa6: {  	s4 =	sshll.u32 s26, $0x1;
	_ =	strace $0x8000004C;
	[dreg:$0x1] =	wrdreg $0xFFFFFFFF  }
0xa7: {  	s28 =	simm.s32 $_size_execute0_lowered;
	s2 =	sadd.s32 s2, s4;
	[dreg:$0x0] =	wrdreg $0x0  }
0xa8: {  	s4 =	sshll.u32 s28, $0x1;
	[dreg:$0x2] =	wrdreg s2  }
0xa9: {  	[dreg:$0x3] =	wrdreg s4  }
0xaa: {  	[dreg:$0x4] =	wrdreg $0xC0  }
0xab: {  	_ =	task [dreg:s6], $0x5FFFF  }
0xac: {  	[dreg:$0x1] =	wrdreg $0xFFFFFFFF  }
0xad: {  	[dreg:$0x0] =	wrdreg $0x60  }
0xae: {  	[dreg:$0x2] =	wrdreg s24  }
0xaf: {  	[dreg:$0x3] =	wrdreg $0x0  }
0xb0: {  	[dreg:$0x4] =	wrdreg $0x9  }
0xb1: {  	_ =	task.clear_ibuf [dreg:s6], $0x5FFFF;
	_ =	strace $0x9000004C  }
0xb2: {  	s29 =	simm.s32 $0x9;
	_ =	strace $0x8000004E  }
0xb3: {  	_ =	swait.ge [sflag:s29], $0x1  }
0xb4: {  	[sflag:s29] =	ssyncadd.s32 $0xFFFFFFFF  }
0xb5: {  	_ =	strace $0x9000004E  }
0xb6: {  	_ =	sfence  }
0xb7: {  	s30 =	sld [smem:$0x0];
	_ =	sdelay $0x2  }
0xb8: {  	s31 =	sshll.u32 s1, $0xD;
	s1 =	sshrl.u32 s1, $0x2  }
0xb9: {  	s3 =	sand.u32 $0x4000, s31;
	s1 =	sadd.s32 s1, s30  }
0xba: {  	s0 =	sor.u32 s3, s0;
	s1 =	sshll.u32 s1, $0x11  }
0xbb: {  	s0 =	sor.u32 s1, s0  }
0xbc: {  	s0 =	sadd.s32 $0x8F2B, s0  }
0xbd: {  	[sflag:s0] =	ssyncadd.remote.s32 $0x1  }
0xbe: {  	_ =	sfence.sel $0xFFFF  }
0xbf: {  	[dreg:$0x0] =	wrdreg $0xFFFFFFFF;
	(pc) =	sbr.abs _section_cstart, $3  }
0xc0: {  	[dreg:$0x1] =	wrdreg $0xFFFFFFFF  }
0xc1: {  	_ =	task.clear_ibuf [dreg:s6], $0x2FFFF;
	_ =	strace $0x9FFFFFFF  }
0xc2: {  	(tm) =	ssettm $0x7FFFFFFF  }
0xc3: {  	_ =	shalt  }
tec
execute0_lowered:
.L_overlay_start_1:
0x0: {  	(tag) =	ssettag $0x1  }
0x1: {  	s1 =	rddreg [dreg:$0x0]  }
0x2: {  	s0 =	srdreg.scid;
	s2 =	rddreg [dreg:$0x1]  }
0x3: {  	s10 =	stileid.u32;
	s4 =	simm.s32 $0x0;
	s28 =	simm.s32 $0x5  }
0x4: {  	s29 =	simm.s32 $0x1;
	s30 =	simm.s32 $0x50;
	s31 =	simm.s32 $0x3  }
0x5: {  	s0 =	sand.u32 $0x1, s0;
	[smem:$0x7FF] =	sst s4;
	s8 =	smul.u32 $0x2700, s10  }
0x6: {  	s4 =	sadd.s32 $0x18A00, s1;
	s9 =	smul.u32 $0x4E000, s10;
	p0 =	sne.s32 s10, $0xF  }
0x7: {  	s3 =	sshll.u32 s0, $0x4;
	_ =	strace $0x8000004D;
	s5 =	smul.u32 $0x27100, s0  }
0x8: {  	s6 =	ssub.s32 $0x2, s0;
	s0 =	smul.u32 $0x138800, s0;
	s3 =	sor.u32 s10, s3  }
0x9: {  	s7 =	sshrl.u32 s6, $0x1;
	s26 =	sshrl.u32 s9, $0x2;
	s3 =	smul.u32 $0x4E2, s3  }
0xa: {  	s6 =	ssub.s32 s6, s7;
	s7 =	sadd.s32 $0x138000, s2;
	s25 =	sadd.s32 s8, s5  }
0xb: {  	s0 =	sshrl.u32 s0, $0x3;
	s9 =	sadd.s32 s26, s2;
	s26 =	simm.s32 $0x186A0  }
0xc: {  	s5 =	simm.s32 $0x0;
	s11 =	smax.u32 s6, $0x1;
	s12 =	sadd.s32 $0x1800, s9  }
0xd: {  	s13 =	sadd.s32 $0x3000, s9;
	s14 =	sadd.s32 $0x4800, s9;
	s15 =	sadd.s32 $0x6000, s9  }
0xe: {  	s16 =	sadd.s32 $0x7800, s9;
	s17 =	sadd.s32 $0x9000, s9;
	s18 =	sadd.s32 $0xA800, s9  }
0xf: {  	s19 =	sadd.s32 $0xC000, s9;
	s20 =	sadd.s32 $0xD800, s9;
	s3 =	sadd.s32 s3, s1  }
0x10: {  	s21 =	sadd.s32 $0xF000, s9;
	s22 =	sadd.s32 $0x10800, s9;
	s24 =	sadd.s32 $0xEC00, s3  }
0x11: {  	s1 =	sadd.s32 $0x3FC00, s1;
	s3 =	sadd.s32 $0x4E00, s3;
	[dreg:$0x3] =	wrdreg s24  }
0x12: {  	s23 =	sadd.s32 $0x12000, s9;
	s0 =	sadd.s32 s1, s0;
	[dreg:$0x4] =	wrdreg s3  }
0x13: {  	s3 =	sadd.s32 s1, s25;
	s0 =	sadd.s32 $0x27000, s0;
	s24 =	simm.s32 $0x13880  }
0x14: {  	s1 =	simm.s32 $0x2;
	s25 =	simm.s32 $0x1D6A0;
	[dreg:$0x5] =	wrdreg s3  }
0x15: {  	v0 =	vimm.f32 $0.0e+00;
	[dreg:$0x6] =	wrdreg s0;
	s0 =	simm.s32 $0x1AEA0;
	s3 =	simm.s32 $0x4  }
.LBB2_1:
0x16: {  	s6 =	simm.s32 $0x0;
	s8 =	rddreg [dreg:$0x3]  }
0x17: {  	[tilespmem:s24], [sflag:$0x1] =	stream.linear.gather [hbm4b:s8+s6], $0x2710, $0x38;
	[tilespmem:$0x1FEA0] =	vst v63  }
0x18: {  	s10 =	simm.s32 $0x15F90;
	s8 =	rddreg [dreg:$0x4]  }
0x19: {  	[tilespmem:s10], [sflag:$0x1] =	stream.linear.gather [hbm4b:s8+s6], $0x2710, $0x38;
	[tilespmem:$0x1FEA0] =	vst v63  }
0x1a: {  	s6 =	simm.s32 $0x70;
	s8 =	simm.s32 $0x3C0  }
.LBB2_2:
0x1b: {  	p1 =	sne.s32 s8, $0x5FC0;
	[tilespmem:s6+$0x186A0] =	vst v0  }
0x1c: {  	[tilespmem:s6+$0x18630] =	vst v0  }
0x1d: {  	[tilespmem:s6+$0x18640] =	vst v0  }
.Ltmp0:
0x1e: {  	[tilespmem:s6+$0x18650] =	vst v0;
	(pc) =	sbr.rel @p1 .LBB2_2-.Ltmp0, $4  }
0x1f: {  	[tilespmem:s6+$0x18660] =	vst v0  }
0x20: {  	[tilespmem:s6+$0x18670] =	vst v0  }
0x21: {  	[tilespmem:s6+$0x18680] =	vst v0  }
0x22: {  	[tilespmem:s6+$0x18690] =	vst v0;
	s6 =	sshra.s32 s8, $0x2;
	s8 =	sadd.s32 $0x200, s8  }
0x23: {  	[tilespmem:s6+$0x186A0] =	vst v0  }
0x24: {  	[tilespmem:s6+$0x18630] =	vst v0  }
0x25: {  	[tilespmem:s6+$0x18640] =	vst v0  }
0x26: {  	[tilespmem:s6+$0x18650] =	vst v0  }
0x27: {  	[tilespmem:s6+$0x18660] =	vst v0  }
0x28: {  	[tilespmem:s6+$0x18670] =	vst v0  }
0x29: {  	[tilespmem:s6+$0x18680] =	vst v0  }
0x2a: {  	[tilespmem:s6+$0x18690] =	vst v0  }
0x2b: {  	[spmem:s9] =	stream.linear.scatter [tilespmem:s26], [sflag:$0x5], $0x1800, $0x38;
	[tilespmem:$0x1FEA0] =	vst v63  }
0x2c: {  	_ =	swait.ge [sflag:s28], $0x1800  }
0x2d: {  	[sflag:s28] =	ssyncset.done $0x0  }
0x2e: {  	[sflag:s28] =	ssyncadd.s32 $0xFFFFE800  }
0x2f: {  	[spmem:s12] =	stream.linear.scatter [tilespmem:s26], [sflag:$0x5], $0x1800, $0x38;
	[tilespmem:$0x1FEA0] =	vst v63  }
0x30: {  	_ =	swait.ge [sflag:s28], $0x1800  }
0x31: {  	[sflag:s28] =	ssyncset.done $0x0  }
0x32: {  	[sflag:s28] =	ssyncadd.s32 $0xFFFFE800  }
0x33: {  	[spmem:s13] =	stream.linear.scatter [tilespmem:s26], [sflag:$0x5], $0x1800, $0x38;
	[tilespmem:$0x1FEA0] =	vst v63  }
0x34: {  	_ =	swait.ge [sflag:s28], $0x1800  }
0x35: {  	[sflag:s28] =	ssyncset.done $0x0  }
0x36: {  	[sflag:s28] =	ssyncadd.s32 $0xFFFFE800  }
0x37: {  	[spmem:s14] =	stream.linear.scatter [tilespmem:s26], [sflag:$0x5], $0x1800, $0x38;
	[tilespmem:$0x1FEA0] =	vst v63  }
0x38: {  	_ =	swait.ge [sflag:s28], $0x1800  }
0x39: {  	[sflag:s28] =	ssyncset.done $0x0  }
0x3a: {  	[sflag:s28] =	ssyncadd.s32 $0xFFFFE800  }
0x3b: {  	[spmem:s15] =	stream.linear.scatter [tilespmem:s26], [sflag:$0x5], $0x1800, $0x38;
	[tilespmem:$0x1FEA0] =	vst v63  }
0x3c: {  	_ =	swait.ge [sflag:s28], $0x1800  }
0x3d: {  	[sflag:s28] =	ssyncset.done $0x0  }
0x3e: {  	[sflag:s28] =	ssyncadd.s32 $0xFFFFE800  }
0x3f: {  	[spmem:s16] =	stream.linear.scatter [tilespmem:s26], [sflag:$0x5], $0x1800, $0x38;
	[tilespmem:$0x1FEA0] =	vst v63  }
0x40: {  	_ =	swait.ge [sflag:s28], $0x1800  }
0x41: {  	[sflag:s28] =	ssyncset.done $0x0  }
0x42: {  	[sflag:s28] =	ssyncadd.s32 $0xFFFFE800  }
0x43: {  	[spmem:s17] =	stream.linear.scatter [tilespmem:s26], [sflag:$0x5], $0x1800, $0x38;
	[tilespmem:$0x1FEA0] =	vst v63  }
0x44: {  	_ =	swait.ge [sflag:s28], $0x1800  }
0x45: {  	[sflag:s28] =	ssyncset.done $0x0  }
0x46: {  	[sflag:s28] =	ssyncadd.s32 $0xFFFFE800  }
0x47: {  	[spmem:s18] =	stream.linear.scatter [tilespmem:s26], [sflag:$0x5], $0x1800, $0x38;
	[tilespmem:$0x1FEA0] =	vst v63  }
0x48: {  	_ =	swait.ge [sflag:s28], $0x1800  }
0x49: {  	[sflag:s28] =	ssyncset.done $0x0  }
0x4a: {  	[sflag:s28] =	ssyncadd.s32 $0xFFFFE800  }
0x4b: {  	[spmem:s19] =	stream.linear.scatter [tilespmem:s26], [sflag:$0x5], $0x1800, $0x38;
	[tilespmem:$0x1FEA0] =	vst v63  }
0x4c: {  	_ =	swait.ge [sflag:s28], $0x1800  }
0x4d: {  	[sflag:s28] =	ssyncset.done $0x0  }
0x4e: {  	[sflag:s28] =	ssyncadd.s32 $0xFFFFE800  }
0x4f: {  	[spmem:s20] =	stream.linear.scatter [tilespmem:s26], [sflag:$0x5], $0x1800, $0x38;
	[tilespmem:$0x1FEA0] =	vst v63  }
0x50: {  	_ =	swait.ge [sflag:s28], $0x1800  }
0x51: {  	[sflag:s28] =	ssyncset.done $0x0  }
0x52: {  	[sflag:s28] =	ssyncadd.s32 $0xFFFFE800  }
0x53: {  	[spmem:s21] =	stream.linear.scatter [tilespmem:s26], [sflag:$0x5], $0x1800, $0x38;
	[tilespmem:$0x1FEA0] =	vst v63  }
0x54: {  	_ =	swait.ge [sflag:s28], $0x1800  }
0x55: {  	[sflag:s28] =	ssyncset.done $0x0  }
0x56: {  	[sflag:s28] =	ssyncadd.s32 $0xFFFFE800  }
0x57: {  	[spmem:s22] =	stream.linear.scatter [tilespmem:s26], [sflag:$0x5], $0x1800, $0x38;
	[tilespmem:$0x1FEA0] =	vst v63  }
0x58: {  	_ =	swait.ge [sflag:s28], $0x1800  }
0x59: {  	[sflag:s28] =	ssyncset.done $0x0  }
0x5a: {  	[sflag:s28] =	ssyncadd.s32 $0xFFFFE800  }
0x5b: {  	[spmem:s23] =	stream.linear.scatter [tilespmem:s26], [sflag:$0x5], $0x1800, $0x38;
	[tilespmem:$0x1FEA0] =	vst v63  }
0x5c: {  	_ =	swait.ge [sflag:s28], $0x1800  }
0x5d: {  	[sflag:s28] =	ssyncset.done $0x0  }
0x5e: {  	s6 =	simm.s32 @!p0 $0x186A0;
	[sflag:s28] =	ssyncadd.s32 $0xFFFFE800  }
0x5f: {  	[spmem:s7] =	stream.linear.scatter @!p0 [tilespmem:s6], [sflag:$0x5], $0x800, $0x38;
	[tilespmem:$0x1FEA0] =	vst v63  }
0x60: {  	s6 =	simm.s32 @!p0 $0x5  }
0x61: {  	_ =	swait.ge @!p0 [sflag:s6], $0x800  }
0x62: {  	[sflag:s6] =	ssyncset.done @!p0 $0x0  }
0x63: {  	[sflag:s6] =	ssyncadd.s32 @!p0 $0xFFFFF800  }
0x64: {  	_ =	swait.ge [sflag:s29], $0x2710  }
0x65: {  	[sflag:s29] =	ssyncset.done $0x0  }
0x66: {  	[sflag:s29] =	ssyncadd.s32 $0xFFFFD8F0  }
0x67: {  	_ =	swait.ge [sflag:s29], $0x2710  }
0x68: {  	[sflag:s29] =	ssyncset.done $0x0  }
0x69: {  	[sflag:s29] =	ssyncadd.s32 $0xFFFFD8F0  }
0x6a: {  	[tilespmem:s26], [sflag:$0x2] =	stream.indirect.gather [hbm4b:s4+s30], $0x80, s24, s30, $0xb8;
	[tilespmem:$0x1FEA0] =	vst v63  }
0x6b: {  	s10 =	simm.s32 $0x138D0  }
0x6c: {  	[tilespmem:s0], [sflag:$0x3] =	stream.indirect.gather [hbm4b:s4+s30], $0x80, s10, s30, $0xb8;
	[tilespmem:$0x1FEA0] =	vst v63  }
0x6d: {  	[bflag:$0x0] =	sbarrier.arrive $0xFFFF  }
0x6e: {  	_ =	swait.ge [sflag:s1], $0x2800  }
0x6f: {  	[sflag:s1] =	ssyncset.done $0x0  }
0x70: {  	s8 =	simm.s32 $0x13920;
	[sflag:s1] =	ssyncadd.s32 $0xFFFFD800  }
0x71: {  	[tilespmem:s25], [sflag:$0x4] =	stream.indirect.gather [hbm4b:s4+s30], $0x80, s8, s30, $0xb8;
	[tilespmem:$0x1FEA0] =	vst v63  }
0x72: {  	s10 =	simm.s32 $0x15F90  }
0x73: {  	[spmem:s2] =	stream.indirect.scatter.add.f32 [tilespmem:s26], [sflag:$0x5], $0x80, s10, s30, $0xb8;
	[tilespmem:$0x1FEA0] =	vst v63  }
0x74: {  	_ =	swait.ge [sflag:s28], $0x2800  }
0x75: {  	[sflag:s28] =	ssyncset.done $0x0  }
0x76: {  	[sflag:s28] =	ssyncadd.s32 $0xFFFFD800  }
0x77: {  	_ =	swait.ge [sflag:s31], $0x2800  }
0x78: {  	[sflag:s31] =	ssyncset.done $0x0  }
0x79: {  	s8 =	simm.s32 $0x13970;
	[sflag:s31] =	ssyncadd.s32 $0xFFFFD800  }
0x7a: {  	[tilespmem:s26], [sflag:$0x2] =	stream.indirect.gather [hbm4b:s4+s30], $0x80, s8, s30, $0xb8;
	[tilespmem:$0x1FEA0] =	vst v63  }
0x7b: {  	s10 =	simm.s32 $0x15FE0  }
0x7c: {  	[spmem:s2] =	stream.indirect.scatter.add.f32 [tilespmem:s0], [sflag:$0x5], $0x80, s10, s30, $0xb8;
	[tilespmem:$0x1FEA0] =	vst v63  }
0x7d: {  	_ =	swait.ge [sflag:s28], $0x2800  }
0x7e: {  	[sflag:s28] =	ssyncset.done $0x0  }
0x7f: {  	[sflag:s28] =	ssyncadd.s32 $0xFFFFD800  }
0x80: {  	_ =	swait.ge [sflag:s3], $0x2800  }
0x81: {  	[sflag:s3] =	ssyncset.done $0x0  }
0x82: {  	s8 =	simm.s32 $0x139C0;
	[sflag:s3] =	ssyncadd.s32 $0xFFFFD800  }
0x83: {  	[tilespmem:s0], [sflag:$0x3] =	stream.indirect.gather [hbm4b:s4+s30], $0x80, s8, s30, $0xb8;
	[tilespmem:$0x1FEA0] =	vst v63  }
0x84: {  	s10 =	simm.s32 $0x16030  }
0x85: {  	[spmem:s2] =	stream.indirect.scatter.add.f32 [tilespmem:s25], [sflag:$0x5], $0x80, s10, s30, $0xb8;
	[tilespmem:$0x1FEA0] =	vst v63  }
0x86: {  	_ =	swait.ge [sflag:s28], $0x2800  }
0x87: {  	s6 =	simm.s32 $0x3C0;
	[sflag:s28] =	ssyncset.done $0x0  }
.LBB2_4:
0x88: {  	p1 =	sne.s32 s6, $0x9600  }
0x89: {  	[sflag:s28] =	ssyncadd.s32 $0xFFFFD800;
	s8 =	smov.u32 s6;
	s6 =	sadd.s32 $0x3C0, s6  }
0x8a: {  	_ = 	snop  }
0x8b: {  	_ =	swait.ge [sflag:s1], $0x2800  }
0x8c: {  	s8 =	sshra.s32 s8, $0x2;
	[sflag:s1] =	ssyncset.done $0x0  }
0x8d: {  	s10 =	sadd.s32 $0x13920, s8;
	[sflag:s1] =	ssyncadd.s32 $0xFFFFD800  }
0x8e: {  	[tilespmem:s25], [sflag:$0x4] =	stream.indirect.gather [hbm4b:s4+s30], $0x80, s10, s30, $0xb8;
	[tilespmem:$0x1FEA0] =	vst v63  }
0x8f: {  	s10 =	sadd.s32 $0x15F90, s8  }
0x90: {  	[spmem:s2] =	stream.indirect.scatter.add.f32 [tilespmem:s26], [sflag:$0x5], $0x80, s10, s30, $0xb8;
	[tilespmem:$0x1FEA0] =	vst v63  }
0x91: {  	_ =	swait.ge [sflag:s28], $0x2800  }
0x92: {  	[sflag:s28] =	ssyncset.done $0x0  }
0x93: {  	[sflag:s28] =	ssyncadd.s32 $0xFFFFD800  }
0x94: {  	_ =	swait.ge [sflag:s31], $0x2800  }
0x95: {  	[sflag:s31] =	ssyncset.done $0x0  }
0x96: {  	s10 =	sadd.s32 $0x13970, s8;
	[sflag:s31] =	ssyncadd.s32 $0xFFFFD800  }
0x97: {  	[tilespmem:s26], [sflag:$0x2] =	stream.indirect.gather [hbm4b:s4+s30], $0x80, s10, s30, $0xb8;
	[tilespmem:$0x1FEA0] =	vst v63  }
0x98: {  	s10 =	sadd.s32 $0x15FE0, s8  }
0x99: {  	[spmem:s2] =	stream.indirect.scatter.add.f32 [tilespmem:s0], [sflag:$0x5], $0x80, s10, s30, $0xb8;
	[tilespmem:$0x1FEA0] =	vst v63  }
0x9a: {  	_ =	swait.ge [sflag:s28], $0x2800  }
0x9b: {  	[sflag:s28] =	ssyncset.done $0x0  }
0x9c: {  	[sflag:s28] =	ssyncadd.s32 $0xFFFFD800  }
0x9d: {  	_ =	swait.ge [sflag:s3], $0x2800  }
0x9e: {  	[sflag:s3] =	ssyncset.done $0x0  }
0x9f: {  	s10 =	sadd.s32 $0x139C0, s8;
	[sflag:s3] =	ssyncadd.s32 $0xFFFFD800  }
0xa0: {  	[tilespmem:s0], [sflag:$0x3] =	stream.indirect.gather [hbm4b:s4+s30], $0x80, s10, s30, $0xb8;
	[tilespmem:$0x1FEA0] =	vst v63  }
.Ltmp1:
0xa1: {  	_ = 	snop;
	(pc) =	sbr.rel @p1 .LBB2_4-.Ltmp1, $4  }
0xa2: {  	s8 =	sadd.s32 $0x16030, s8  }
0xa3: {  	[spmem:s2] =	stream.indirect.scatter.add.f32 [tilespmem:s25], [sflag:$0x5], $0x80, s8, s30, $0xb8;
	[tilespmem:$0x1FEA0] =	vst v63  }
0xa4: {  	_ =	swait.ge [sflag:s28], $0x2800  }
0xa5: {  	[sflag:s28] =	ssyncset.done $0x0  }
0xa6: {  	[sflag:s28] =	ssyncadd.s32 $0xFFFFD800  }
0xa7: {  	_ =	swait.ge [sflag:s1], $0x2800  }
0xa8: {  	[sflag:s1] =	ssyncset.done $0x0  }
0xa9: {  	s6 =	simm.s32 $0x18600;
	[sflag:s1] =	ssyncadd.s32 $0xFFFFD800  }
0xaa: {  	[spmem:s2] =	stream.indirect.scatter.add.f32 [tilespmem:s26], [sflag:$0x5], $0x80, s6, s30, $0xb8;
	[tilespmem:$0x1FEA0] =	vst v63  }
0xab: {  	_ =	swait.ge [sflag:s28], $0x2800  }
0xac: {  	[sflag:s28] =	ssyncset.done $0x0  }
0xad: {  	[sflag:s28] =	ssyncadd.s32 $0xFFFFD800  }
0xae: {  	_ =	swait.ge [sflag:s31], $0x2800  }
0xaf: {  	[sflag:s31] =	ssyncset.done $0x0  }
0xb0: {  	s8 =	simm.s32 $0x18650;
	[sflag:s31] =	ssyncadd.s32 $0xFFFFD800  }
0xb1: {  	[spmem:s2] =	stream.indirect.scatter.add.f32 [tilespmem:s0], [sflag:$0x5], $0x80, s8, s30, $0xb8;
	[tilespmem:$0x1FEA0] =	vst v63  }
0xb2: {  	_ =	swait.ge [sflag:s28], $0x2800  }
0xb3: {  	[sflag:s28] =	ssyncset.done $0x0  }
0xb4: {  	s10 =	stileid.u32;
	[sflag:s28] =	ssyncadd.s32 $0xFFFFD800  }
0xb5: {  	s6 =	sshll.u32 s10, $0x6;
	[bflag:$0x0] =	sbarrier.arrive $0xFFFF  }
0xb6: {  	s6 =	sor.u32 $0x1C05, s6;
	s8 =	sshrl.u32 s9, $0x3;
	s10 =	rddreg [dreg:$0x5]  }
0xb7: {  	[hbm:s10], [sflag:s6] =	dma.local [spmem:s8], $0x2700  }
0xb8: {  	s5 =	sadd.s32 $0x1, s5;
	_ =	swait.ge [sflag:s28], $0x2700  }
0xb9: {  	p1 =	sne.s32 s5, s11;
	[sflag:s28] =	ssyncset.done $0x0  }
0xba: {  	s8 =	sshrl.u32 @!p0 s7, $0x3;
	s10 =	rddreg [dreg:$0x6];
	[sflag:s28] =	ssyncadd.s32 $0xFFFFD900  }
0xbb: {  	[hbm:s10], [sflag:s6] =	dma.local @!p0 [spmem:s8], $0x100  }
.Ltmp2:
0xbc: {  	_ = 	snop;
	(pc) =	sbr.rel @p1 .LBB2_1-.Ltmp2, $4  }
0xbd: {  	s6 =	simm.s32 @!p0 $0x5  }
0xbe: {  	_ =	swait.ge @!p0 [sflag:s6], $0x100  }
0xbf: {  	[sflag:s6] =	ssyncset.done @!p0 $0x0  }
0xc0: {  	[sflag:s6] =	ssyncadd.s32 @!p0 $0xFFFFFF00  }
0xc1: {  	_ =	sfence.sel $0x180000  }
0xc2: {  	[bflag:$0x0] =	sbarrier.arrive $0xFFFF  }
0xc3: {  	_ =	strace $0x9000004D  }
0xc4: {  	s0 =	stileid.u32;
	[bflag:$0x2] =	sbarrier.arrive $0xFFFF  }
0xc5: {  	p0 =	sne.s32 s0, $0x0;
	s0 =	rddreg [dreg:$0x2]  }
0xc6: {  	s0 =	sadd.s32 @!p0 $0x100000, s0  }
0xc7: {  	[sflag:s0] =	ssyncadd.tile.s32 @!p0 $0x1;
	_ =	shalt  }
.Lfunc_end2:
_tile_overlayer_lowered:
.L_overlay_start_2:
0xc8: {  	(tag) =	ssettag $0x2  }
0xc9: {  	s0 =	rddreg [dreg:$0x0];
	s2 =	stileid.u32  }
0xca: {  	s1 =	rddreg [dreg:$0x1];
	p0 =	sne.s32 s2, $0x0  }
0xcb: {  	s3 =	rddreg [dreg:$0x2];
	[bflag:$0x3] =	sbarrier.arrive $0xFFFF;
	s2 =	simm.s32 @!p0 $0x1C05  }
0xcc: {  	[timem:s3], [sflag:s2] =	dma.local @!p0 [hbm:s0], s1  }
0xcd: {  	s0 =	simm.s32 @!p0 $0x5  }
0xce: {  	_ =	swait.ge @!p0 [sflag:s0], s1  }
0xcf: {  	s1 =	ssub.s32 @!p0 $0x0, s1;
	[sflag:s0] =	ssyncset.done @!p0 $0x0  }
0xd0: {  	[sflag:s0] =	ssyncadd.s32 @!p0 s1  }
0xd1: {  	[bflag:$0x3] =	sbarrier.arrive $0xFFFF  }
0xd2: {  	_ =	shalt  }

</sc_bundles>
